<compile_context>
chip_gen: v7x
topology: tpu7x:2x2x1
jax: 0.10.2.dev20260603
libtpu: 0.0.44.dev20260713+nightly
codegen_flags: <defaults>
</compile_context>

<pallas_src>
import jax
import jax.numpy as jnp
import numpy as np
from jax.experimental import pallas as pl
from jax.experimental.pallas import tpu as pltpu

_D = 128
_K_RATIO = 0.5
_EB = 2560


def _nq_body(h_ref, w_ref, b_ref, o_ref):
    o_ref[...] = jnp.dot(h_ref[...], w_ref[...],
                         preferred_element_type=jnp.float32) + b_ref[...]


def _nq_pallas(h, Wq, bq):
    n = h.shape[0]
    return pl.pallas_call(
        _nq_body,
        out_shape=jax.ShapeDtypeStruct((n, _D), jnp.float32),
    )(h, Wq, bq.reshape(1, _D))


def _yb_self_body(h_ref, b2_ref, o_ref, z2_ref):
    h = h_ref[...]
    z2_ref[:, :_D] = h
    z2_ref[:, _D:] = h
    yb = jnp.dot(z2_ref[...], b2_ref[...], preferred_element_type=jnp.float32)
    o_ref[...] = yb.astype(jnp.bfloat16)


def _yb_self_pallas(h, B2):
    n = h.shape[0]
    return pl.pallas_call(
        _yb_self_body,
        grid=(5,),
        in_specs=[
            pl.BlockSpec((n // 5, _D), lambda i: (i, 0)),
            pl.BlockSpec((2 * _D, 2 * _D), lambda i: (0, 0)),
        ],
        out_specs=pl.BlockSpec((n // 5, 2 * _D), lambda i: (i, 0)),
        out_shape=jax.ShapeDtypeStruct((n, 2 * _D), jnp.bfloat16),
        scratch_shapes=[pltpu.VMEM((n // 5, 2 * _D), jnp.float32)],
    )(h, B2)


def _yb_edge_body(gs_ref, gd_ref, b2_ref, oin_ref, oout_ref, z2_ref):
    gs = gs_ref[...]
    gd = gd_ref[...]
    b2 = b2_ref[...]
    z2_ref[:, :_D] = gs
    z2_ref[:, _D:] = gd
    oin_ref[...] = jnp.dot(z2_ref[...], b2,
                           preferred_element_type=jnp.float32
                           ).astype(jnp.bfloat16)
    z2_ref[:, :_D] = gd
    z2_ref[:, _D:] = gs
    oout_ref[...] = jnp.dot(z2_ref[...], b2,
                            preferred_element_type=jnp.float32
                            ).astype(jnp.bfloat16)


def _yb_edge_pallas(Gs, Gd, B2):
    E = Gs.shape[0]
    blk = lambda i: (i, 0)
    return pl.pallas_call(
        _yb_edge_body,
        grid=(E // _EB,),
        in_specs=[
            pl.BlockSpec((_EB, _D), blk),
            pl.BlockSpec((_EB, _D), blk),
            pl.BlockSpec((2 * _D, 2 * _D), lambda i: (0, 0)),
        ],
        out_specs=[
            pl.BlockSpec((_EB, 2 * _D), blk),
            pl.BlockSpec((_EB, 2 * _D), blk),
        ],
        out_shape=[jax.ShapeDtypeStruct((E, 2 * _D), jnp.bfloat16)] * 2,
        scratch_shapes=[pltpu.VMEM((_EB, 2 * _D), jnp.float32)],
    )(Gs, Gd, B2)


def _gate_body(h_ref, y_ref, o_ref):
    o_ref[...] = h_ref[...] * jax.nn.sigmoid(y_ref[...])


def _gate_pallas(selected_h, selected_y):
    k = selected_h.shape[0]
    return pl.pallas_call(
        _gate_body,
        out_shape=jax.ShapeDtypeStruct((k, _D), jnp.float32),
    )(selected_h, selected_y)


def kernel(h, edge_index, etype, basis, coef, Wq, bq, Wk, bk, Wv, bv):
    n = h.shape[0]
    scale = np.sqrt(_D).astype(np.float32)
    src = edge_index[0]
    dst = edge_index[1]
    t_self = jnp.full((n,), 4, dtype=jnp.int32)
    B2 = jnp.transpose(basis, (1, 0, 2)).reshape(2 * _D, 2 * _D)

    yb_self = _yb_self_pallas(h, B2).reshape(n, 2, _D)
    ee_self = jnp.einsum('mb,mbo->mo', coef[t_self], yb_self)
    self_y = ee_self @ Wv + bv
    n_q = _nq_pallas(h, Wq, bq)

    Gs = h[src]
    Gd = h[dst]
    c_edge = coef[etype]
    yb_in, yb_out = _yb_edge_pallas(Gs, Gd, B2)

    def direction(s, d, yb):
        ee = jnp.einsum('mb,mbo->mo', c_edge, yb.reshape(-1, 2, _D))
        n_k = ee @ Wk + bk
        n_v = ee @ Wv + bv
        score = jnp.sum(n_k * n_q[d], axis=-1, keepdims=True)
        score = jnp.exp(jnp.clip(score / scale, -10.0, 10.0))
        mask = (s != d).astype(score.dtype)[:, None]
        score = score * mask
        e_val = score * n_v
        y_sum = jnp.zeros((n, 1), dtype=h.dtype).at[d].add(e_val)
        z_sum = jnp.zeros((n, 1), dtype=h.dtype).at[d].add(score)
        return y_sum / (z_sum + 1e-6)

    in_y = direction(src, dst, yb_in)
    out_y = direction(dst, src, yb_out)
    y = in_y + out_y + self_y

    n_keep = max(int(_K_RATIO * n), 2)
    node_att = y[:, 0]
    _, topk_idx = jax.lax.top_k(node_att, n_keep)
    sorted_values = jnp.sort(topk_idx)
    sorted_indices = jnp.argsort(topk_idx)
    selected_y = y[sorted_indices]
    selected_h = h[sorted_indices]
    updated_h = _gate_pallas(selected_h, selected_y)
    return updated_h, sorted_values

# --- scband reference (transcript-rebuilt; emitter-appended) ---
"""Pipeline reference for scband-pool-85066122265500 (READ-ONLY COPY).

The authoritative reference and input builder live on the scoring server;
editing this copy changes nothing except your own understanding.
"""

import jax, jax.numpy as jnp
import numpy as np

N = 10000
E = 320000
D = 128
NT = 8
NB = 2
K_RATIO = 0.5


def setup_inputs(seed: int = 0) -> dict:
    key = jax.random.key(seed)
    ks = jax.random.split(key, 10)
    h = jax.random.normal(ks[0], (N, D), dtype=jnp.float32)
    edge_index = jax.random.randint(ks[1], (2, E), 0, N)
    etype = jax.random.randint(ks[2], (E,), 0, NT)
    basis = jax.random.normal(ks[3], (NB, 2 * D, D), dtype=jnp.float32) * 0.05
    coef = jax.random.normal(ks[4], (NT, NB), dtype=jnp.float32)
    Wq = jax.random.normal(ks[5], (D, D), dtype=jnp.float32) * 0.05
    bq = jnp.zeros((D,), dtype=jnp.float32)
    Wk = jax.random.normal(ks[6], (D, D), dtype=jnp.float32) * 0.05
    bk = jnp.zeros((D,), dtype=jnp.float32)
    Wv = jax.random.normal(ks[7], (D, 1), dtype=jnp.float32) * 0.05
    bv = jnp.zeros((1,), dtype=jnp.float32)
    return {"h": h, "edge_index": edge_index, "etype": etype, "basis": basis,
            "coef": coef, "Wq": Wq, "bq": bq, "Wk": Wk, "bk": bk, "Wv": Wv, "bv": bv}


def _typed_linear(x, t, basis, coef):
    # basis-decomposed typed linear: W[t] = sum_b coef[t, b] * basis[b]
    yb = jnp.einsum('mi,bio->mbo', x, basis)
    c = coef[t]
    return jnp.einsum('mb,mbo->mo', c, yb)


def reference(h, edge_index, etype, basis, coef, Wq, bq, Wk, bk, Wv, bv):
    n = h.shape[0]
    scale = np.sqrt(D).astype(np.float32)
    src = edge_index[0]
    dst = edge_index[1]
    # self attention value (etype = 4 for all nodes)
    self_emb = jnp.concatenate([h, h], axis=1)
    t_self = jnp.full((n,), 4, dtype=jnp.int32)
    self_y = _typed_linear(self_emb, t_self, basis, coef) @ Wv + bv
    n_q = h @ Wq + bq

    def direction(s, d):
        # edge embedding: cat(src_h, dst_h) -> typed linear by etype
        z2 = jnp.concatenate([h[s], h[d]], axis=1)
        ee = _typed_linear(z2, etype, basis, coef)
        n_k = ee @ Wk + bk
        n_v = ee @ Wv + bv
        score = jnp.sum(n_k * n_q[d], axis=-1, keepdims=True)
        score = jnp.exp(jnp.clip(score / scale, -10.0, 10.0))
        # remove_self_loop: mask out src==dst edges from aggregation
        mask = (s != d).astype(score.dtype)[:, None]
        score = score * mask
        e_val = score * n_v
        y_sum = jnp.zeros((n, 1), dtype=h.dtype).at[d].add(e_val)
        z_sum = jnp.zeros((n, 1), dtype=h.dtype).at[d].add(score)
        return y_sum / (z_sum + 1e-6)

    in_y = direction(src, dst)
    out_y = direction(dst, src)  # reversed graph pass
    y = in_y + out_y + self_y

    # top-k pooling (single graph in batch; dropout is identity in eval)
    n_keep = max(int(K_RATIO * n), 2)
    node_att = y[:, 0]
    _, topk_idx = jax.lax.top_k(node_att, n_keep)
    sorted_values = jnp.sort(topk_idx)
    sorted_indices = jnp.argsort(topk_idx)
    # faithful to the original code, which indexes ndata by the argsort
    # positions (values in [0, n_keep)) rather than the node ids
    selected_y = y[sorted_indices]
    selected_h = h[sorted_indices]
    updated_h = selected_h * jax.nn.sigmoid(selected_y)
    return updated_h, sorted_values

if __name__ == "__main__":
    import jax
    _d = setup_inputs()
    print(jax.jit(kernel)(*tuple(_d.values())))

</pallas_src>

<mosaic_0001>
module attributes {stable_mosaic.version = 14 : i64} {
  func.func @_nq_body(%arg0: memref<10000x128xf32, #tpu.memory_space<vmem>>, %arg1: memref<128x128xf32, #tpu.memory_space<vmem>>, %arg2: memref<1x128xf32, #tpu.memory_space<vmem>>, %arg3: memref<10000x128xf32, #tpu.memory_space<vmem>>) attributes {dimension_semantics = [], scalar_prefetch = 0 : i64, scratch_operands = 0 : i64, tpu.core_type = #tpu.core_type<tc>} {
    %get3A = arith.constant 0 : index
    %get3A_0 = arith.constant 0 : index
    %get3A_1 = vector.load %arg0[%get3A, %get3A_0] : memref<10000x128xf32, #tpu.memory_space<vmem>>, vector<10000x128xf32>
    %get3A_2 = arith.constant 0 : index
    %get3A_3 = arith.constant 0 : index
    %get3A_4 = vector.load %arg1[%get3A_2, %get3A_3] : memref<128x128xf32, #tpu.memory_space<vmem>>, vector<128x128xf32>
    %dot_general3A = arith.constant dense<0.000000e+00> : vector<10000x128xf32>
    %dot_general3A_5 = tpu.matmul %get3A_1, %get3A_4, %dot_general3A {dimension_numbers = #tpu.dot_dimension_numbers<[1], [0], [0], [1], [0, 0, 1, 1], [], []>, transpose_lhs_hint = false} : vector<10000x128xf32>, vector<128x128xf32>, vector<10000x128xf32> -> vector<10000x128xf32>
    %get3A_6 = arith.constant 0 : index
    %get3A_7 = arith.constant 0 : index
    %get3A_8 = vector.load %arg2[%get3A_6, %get3A_7] : memref<1x128xf32, #tpu.memory_space<vmem>>, vector<1x128xf32>
    %add3A = vector.broadcast %get3A_8 : vector<1x128xf32> to vector<10000x128xf32>
    %add3A_9 = arith.addf %dot_general3A_5, %add3A : vector<10000x128xf32>
    %swap3A = arith.constant 0 : index
    %swap3A_10 = arith.constant 0 : index
    %swap3A_11 = vector.load %arg3[%swap3A, %swap3A_10] : memref<10000x128xf32, #tpu.memory_space<vmem>>, vector<10000x128xf32>
    tpu.vector_store %arg3[%swap3A, %swap3A_10], %add3A_9 {strides = array<i32>} : memref<10000x128xf32, #tpu.memory_space<vmem>>, vector<10000x128xf32>,
    return
  }
}

module attributes {stable_mosaic.version = 14 : i64} {
  func.func @_yb_edge_body(%arg0: i32, %arg1: memref<2560x128xf32, #tpu.memory_space<vmem>>, %arg2: memref<2560x128xf32, #tpu.memory_space<vmem>>, %arg3: memref<256x256xf32, #tpu.memory_space<vmem>>, %arg4: memref<2560x256xbf16, #tpu.memory_space<vmem>>, %arg5: memref<2560x256xbf16, #tpu.memory_space<vmem>>, %arg6: memref<2560x256xf32, #tpu.memory_space<vmem>>) attributes {dimension_semantics = [#tpu.dimension_semantics<arbitrary>], iteration_bounds = array<i64: 125>, scalar_prefetch = 0 : i64, scratch_operands = 1 : i64, tpu.core_type = #tpu.core_type<tc>, window_params = [{transform_indices = @transform_0, window_bounds = array<i64: 2560, 128>}, {transform_indices = @transform_1, window_bounds = array<i64: 2560, 128>}, {pipeline_mode = #tpu.pipeline_mode<synchronous>, transform_indices = @transform_2, window_bounds = array<i64: 256, 256>}, {transform_indices = @transform_3, window_bounds = array<i64: 2560, 256>}, {transform_indices = @transform_4, window_bounds = array<i64: 2560, 256>}]} {
    %get3A = arith.constant 0 : index
    %get3A_0 = arith.constant 0 : index
    %get3A_1 = vector.load %arg1[%get3A, %get3A_0] : memref<2560x128xf32, #tpu.memory_space<vmem>>, vector<2560x128xf32>
    %get3A_2 = arith.constant 0 : index
    %get3A_3 = arith.constant 0 : index
    %get3A_4 = vector.load %arg2[%get3A_2, %get3A_3] : memref<2560x128xf32, #tpu.memory_space<vmem>>, vector<2560x128xf32>
    %get3A_5 = arith.constant 0 : index
    %get3A_6 = arith.constant 0 : index
    %get3A_7 = vector.load %arg3[%get3A_5, %get3A_6] : memref<256x256xf32, #tpu.memory_space<vmem>>, vector<256x256xf32>
    %swap3A = arith.constant 0 : index
    %swap3A_8 = arith.constant 0 : index
    %swap3A_9 = vector.load %arg6[%swap3A, %swap3A_8] : memref<2560x256xf32, #tpu.memory_space<vmem>>, vector<2560x128xf32>
    tpu.vector_store %arg6[%swap3A, %swap3A_8], %get3A_1 {strides = array<i32>} : memref<2560x256xf32, #tpu.memory_space<vmem>>, vector<2560x128xf32>,
    %swap3A_10 = arith.constant 0 : index
    %swap3A_11 = arith.constant 128 : index
    %swap3A_12 = vector.load %arg6[%swap3A_10, %swap3A_11] : memref<2560x256xf32, #tpu.memory_space<vmem>>, vector<2560x128xf32>
    tpu.vector_store %arg6[%swap3A_10, %swap3A_11], %get3A_4 {strides = array<i32>} : memref<2560x256xf32, #tpu.memory_space<vmem>>, vector<2560x128xf32>,
    %get3A_13 = arith.constant 0 : index
    %get3A_14 = arith.constant 0 : index
    %get3A_15 = vector.load %arg6[%get3A_13, %get3A_14] : memref<2560x256xf32, #tpu.memory_space<vmem>>, vector<2560x256xf32>
    %dot_general3A = arith.constant dense<0.000000e+00> : vector<2560x256xf32>
    %dot_general3A_16 = tpu.matmul %get3A_15, %get3A_7, %dot_general3A {dimension_numbers = #tpu.dot_dimension_numbers<[1], [0], [0], [1], [0, 0, 1, 1], [], []>, transpose_lhs_hint = false} : vector<2560x256xf32>, vector<256x256xf32>, vector<2560x256xf32> -> vector<2560x256xf32>
    %convert_element_type3A = arith.truncf %dot_general3A_16 : vector<2560x256xf32> to vector<2560x256xbf16>
    %swap3A_17 = arith.constant 0 : index
    %swap3A_18 = arith.constant 0 : index
    %swap3A_19 = vector.load %arg4[%swap3A_17, %swap3A_18] : memref<2560x256xbf16, #tpu.memory_space<vmem>>, vector<2560x256xbf16>
    tpu.vector_store %arg4[%swap3A_17, %swap3A_18], %convert_element_type3A {strides = array<i32>} : memref<2560x256xbf16, #tpu.memory_space<vmem>>, vector<2560x256xbf16>,
    %swap3A_20 = arith.constant 0 : index
    %swap3A_21 = arith.constant 0 : index
    %swap3A_22 = vector.load %arg6[%swap3A_20, %swap3A_21] : memref<2560x256xf32, #tpu.memory_space<vmem>>, vector<2560x128xf32>
    tpu.vector_store %arg6[%swap3A_20, %swap3A_21], %get3A_4 {strides = array<i32>} : memref<2560x256xf32, #tpu.memory_space<vmem>>, vector<2560x128xf32>,
    %swap3A_23 = arith.constant 0 : index
    %swap3A_24 = arith.constant 128 : index
    %swap3A_25 = vector.load %arg6[%swap3A_23, %swap3A_24] : memref<2560x256xf32, #tpu.memory_space<vmem>>, vector<2560x128xf32>
    tpu.vector_store %arg6[%swap3A_23, %swap3A_24], %get3A_1 {strides = array<i32>} : memref<2560x256xf32, #tpu.memory_space<vmem>>, vector<2560x128xf32>,
    %get3A_26 = arith.constant 0 : index
    %get3A_27 = arith.constant 0 : index
    %get3A_28 = vector.load %arg6[%get3A_26, %get3A_27] : memref<2560x256xf32, #tpu.memory_space<vmem>>, vector<2560x256xf32>
    %dot_general3A_29 = arith.constant dense<0.000000e+00> : vector<2560x256xf32>
    %dot_general3A_30 = tpu.matmul %get3A_28, %get3A_7, %dot_general3A_29 {dimension_numbers = #tpu.dot_dimension_numbers<[1], [0], [0], [1], [0, 0, 1, 1], [], []>, transpose_lhs_hint = false} : vector<2560x256xf32>, vector<256x256xf32>, vector<2560x256xf32> -> vector<2560x256xf32>
    %convert_element_type3A_31 = arith.truncf %dot_general3A_30 : vector<2560x256xf32> to vector<2560x256xbf16>
    %swap3A_32 = arith.constant 0 : index
    %swap3A_33 = arith.constant 0 : index
    %swap3A_34 = vector.load %arg5[%swap3A_32, %swap3A_33] : memref<2560x256xbf16, #tpu.memory_space<vmem>>, vector<2560x256xbf16>
    tpu.vector_store %arg5[%swap3A_32, %swap3A_33], %convert_element_type3A_31 {strides = array<i32>} : memref<2560x256xbf16, #tpu.memory_space<vmem>>, vector<2560x256xbf16>,
    return
  }
  func.func @transform_0(%arg0: i32) -> (i32, i32) {
    %c0_i32 = arith.constant 0 : i32
    %c0_i32_0 = arith.constant 0 : i32
    return %arg0, %c0_i32 : i32, i32
  }
  func.func @transform_1(%arg0: i32) -> (i32, i32) {
    %c0_i32 = arith.constant 0 : i32
    %c0_i32_0 = arith.constant 0 : i32
    return %arg0, %c0_i32 : i32, i32
  }
  func.func @transform_2(%arg0: i32) -> (i32, i32) {
    %c0_i32 = arith.constant 0 : i32
    %c0_i32_0 = arith.constant 0 : i32
    %c0_i32_1 = arith.constant 0 : i32
    return %c0_i32, %c0_i32_0 : i32, i32
  }
  func.func @transform_3(%arg0: i32) -> (i32, i32) {
    %c0_i32 = arith.constant 0 : i32
    %c0_i32_0 = arith.constant 0 : i32
    return %arg0, %c0_i32 : i32, i32
  }
  func.func @transform_4(%arg0: i32) -> (i32, i32) {
    %c0_i32 = arith.constant 0 : i32
    %c0_i32_0 = arith.constant 0 : i32
    return %arg0, %c0_i32 : i32, i32
  }
}

module attributes {stable_mosaic.version = 14 : i64} {
  func.func @_yb_self_body(%arg0: i32, %arg1: memref<2000x128xf32, #tpu.memory_space<vmem>>, %arg2: memref<256x256xf32, #tpu.memory_space<vmem>>, %arg3: memref<2000x256xbf16, #tpu.memory_space<vmem>>, %arg4: memref<2000x256xf32, #tpu.memory_space<vmem>>) attributes {dimension_semantics = [#tpu.dimension_semantics<arbitrary>], iteration_bounds = array<i64: 5>, scalar_prefetch = 0 : i64, scratch_operands = 1 : i64, tpu.core_type = #tpu.core_type<tc>, window_params = [{transform_indices = @transform_0, window_bounds = array<i64: 2000, 128>}, {pipeline_mode = #tpu.pipeline_mode<synchronous>, transform_indices = @transform_1, window_bounds = array<i64: 256, 256>}, {transform_indices = @transform_2, window_bounds = array<i64: 2000, 256>}]} {
    %get3A = arith.constant 0 : index
    %get3A_0 = arith.constant 0 : index
    %get3A_1 = vector.load %arg1[%get3A, %get3A_0] : memref<2000x128xf32, #tpu.memory_space<vmem>>, vector<2000x128xf32>
    %swap3A = arith.constant 0 : index
    %swap3A_2 = arith.constant 0 : index
    %swap3A_3 = vector.load %arg4[%swap3A, %swap3A_2] : memref<2000x256xf32, #tpu.memory_space<vmem>>, vector<2000x128xf32>
    tpu.vector_store %arg4[%swap3A, %swap3A_2], %get3A_1 {strides = array<i32>} : memref<2000x256xf32, #tpu.memory_space<vmem>>, vector<2000x128xf32>,
    %swap3A_4 = arith.constant 0 : index
    %swap3A_5 = arith.constant 128 : index
    %swap3A_6 = vector.load %arg4[%swap3A_4, %swap3A_5] : memref<2000x256xf32, #tpu.memory_space<vmem>>, vector<2000x128xf32>
    tpu.vector_store %arg4[%swap3A_4, %swap3A_5], %get3A_1 {strides = array<i32>} : memref<2000x256xf32, #tpu.memory_space<vmem>>, vector<2000x128xf32>,
    %get3A_7 = arith.constant 0 : index
    %get3A_8 = arith.constant 0 : index
    %get3A_9 = vector.load %arg4[%get3A_7, %get3A_8] : memref<2000x256xf32, #tpu.memory_space<vmem>>, vector<2000x256xf32>
    %get3A_10 = arith.constant 0 : index
    %get3A_11 = arith.constant 0 : index
    %get3A_12 = vector.load %arg2[%get3A_10, %get3A_11] : memref<256x256xf32, #tpu.memory_space<vmem>>, vector<256x256xf32>
    %dot_general3A = arith.constant dense<0.000000e+00> : vector<2000x256xf32>
    %dot_general3A_13 = tpu.matmul %get3A_9, %get3A_12, %dot_general3A {dimension_numbers = #tpu.dot_dimension_numbers<[1], [0], [0], [1], [0, 0, 1, 1], [], []>, transpose_lhs_hint = false} : vector<2000x256xf32>, vector<256x256xf32>, vector<2000x256xf32> -> vector<2000x256xf32>
    %convert_element_type3A = arith.truncf %dot_general3A_13 : vector<2000x256xf32> to vector<2000x256xbf16>
    %swap3A_14 = arith.constant 0 : index
    %swap3A_15 = arith.constant 0 : index
    %swap3A_16 = vector.load %arg3[%swap3A_14, %swap3A_15] : memref<2000x256xbf16, #tpu.memory_space<vmem>>, vector<2000x256xbf16>
    tpu.vector_store %arg3[%swap3A_14, %swap3A_15], %convert_element_type3A {strides = array<i32>} : memref<2000x256xbf16, #tpu.memory_space<vmem>>, vector<2000x256xbf16>,
    return
  }
  func.func @transform_0(%arg0: i32) -> (i32, i32) {
    %c0_i32 = arith.constant 0 : i32
    %c0_i32_0 = arith.constant 0 : i32
    return %arg0, %c0_i32 : i32, i32
  }
  func.func @transform_1(%arg0: i32) -> (i32, i32) {
    %c0_i32 = arith.constant 0 : i32
    %c0_i32_0 = arith.constant 0 : i32
    %c0_i32_1 = arith.constant 0 : i32
    return %c0_i32, %c0_i32_0 : i32, i32
  }
  func.func @transform_2(%arg0: i32) -> (i32, i32) {
    %c0_i32 = arith.constant 0 : i32
    %c0_i32_0 = arith.constant 0 : i32
    return %arg0, %c0_i32 : i32, i32
  }
}

module attributes {stable_mosaic.version = 14 : i64} {
  func.func @_gate_body(%arg0: memref<5000x128xf32, #tpu.memory_space<vmem>>, %arg1: memref<5000x1xf32, #tpu.memory_space<vmem>>, %arg2: memref<5000x128xf32, #tpu.memory_space<vmem>>) attributes {dimension_semantics = [], scalar_prefetch = 0 : i64, scratch_operands = 0 : i64, tpu.core_type = #tpu.core_type<tc>} {
    %get3A = arith.constant 0 : index
    %get3A_0 = arith.constant 0 : index
    %get3A_1 = vector.load %arg0[%get3A, %get3A_0] : memref<5000x128xf32, #tpu.memory_space<vmem>>, vector<5000x128xf32>
    %get3A_2 = arith.constant 0 : index
    %get3A_3 = arith.constant 0 : index
    %get3A_4 = vector.load %arg1[%get3A_2, %get3A_3] : memref<5000x1xf32, #tpu.memory_space<vmem>>, vector<5000x1xf32>
    %logistic3A = arith.negf %get3A_4 : vector<5000x1xf32>
    %logistic3A_5 = math.exp %logistic3A : vector<5000x1xf32>
    %logistic3A_6 = arith.constant 1.000000e+00 : f32
    %logistic3A_7 = vector.broadcast %logistic3A_6 : f32 to vector<5000x1xf32>
    %logistic3A_8 = arith.addf %logistic3A_7, %logistic3A_5 : vector<5000x1xf32>
    %logistic3A_9 = arith.divf %logistic3A_7, %logistic3A_8 : vector<5000x1xf32>
    %mul3A = vector.broadcast %logistic3A_9 : vector<5000x1xf32> to vector<5000x128xf32>
    %mul3A_10 = arith.mulf %get3A_1, %mul3A : vector<5000x128xf32>
    %swap3A = arith.constant 0 : index
    %swap3A_11 = arith.constant 0 : index
    %swap3A_12 = vector.load %arg2[%swap3A, %swap3A_11] : memref<5000x128xf32, #tpu.memory_space<vmem>>, vector<5000x128xf32>
    tpu.vector_store %arg2[%swap3A, %swap3A_11], %mul3A_10 {strides = array<i32>} : memref<5000x128xf32, #tpu.memory_space<vmem>>, vector<5000x128xf32>,
    return
  }
}

</mosaic_0001>

<sc_bundles>
// kernel: gather_offload_async_start.1
scs
__scs_entry_jumppad:
0x0: {  	(pc) =	sbr.rel $0x88, $3  }
0x1: {  	(tag) =	ssettag $0x0;
	lr =	simm.s32 $0x1  }
0x2: {  	[smem:$0x3F96] =	sst lr;
	_ =	strace $0xD0000000  }
0x3: {  	_ = 	snop  }
0x4: {  	_ = 	snop  }
0x5: {  	_ = 	snop  }
0x6: {  	_ = 	snop  }
0x7: {  	_ = 	snop  }
__scs_overlays_trampoline_lowered:
0x8: {  	[smem:$0x3FA5] =	sst s0  }
0x9: {  	[smem:$0x3FA6] =	sst s1  }
0xa: {  	[smem:$0x3FA7] =	sst s2  }
0xb: {  	[smem:$0x3FA8] =	sst s3  }
0xc: {  	[smem:$0x3FA9] =	sst s4  }
0xd: {  	[smem:$0x3FAA] =	sst s5  }
0xe: {  	[smem:$0x3FAB] =	sst s6  }
0xf: {  	[smem:$0x3FAC] =	sst s7  }
0x10: {  	[smem:$0x3FAD] =	sst s8  }
0x11: {  	[smem:$0x3FAE] =	sst s9;
	s0 =	simm.s32 @!p0 $0x0  }
0x12: {  	s1 =	sld [smem:$0x3F94];
	s0 =	simm.s32 @p0 $0x1  }
0x13: {  	[smem:$0x3FAF] =	sst s0;
	s0 =	simm.s32 @!p1 $0x0  }
0x14: {  	s2 =	sld [smem:$0x3F93];
	s0 =	simm.s32 @p1 $0x1  }
0x15: {  	[smem:$0x3FB0] =	sst s0;
	s0 =	simm.s32 @!p2 $0x0  }
0x16: {  	s3 =	sld [smem:$0x3FDB];
	s0 =	simm.s32 @p2 $0x1  }
0x17: {  	s4 =	simm.s32 $0x1BF5;
	[smem:$0x3FB2] =	sst s0  }
0x18: {  	s0 =	sld [smem:$0x3F95];
	_ =	swait.ge [sflag:s4], $0x0  }
0x19: {  	s7 =	sld [smem:$0x3F96]  }
0x1a: {  	s8 =	sadd.s32 $0xFFFFE003, lr  }
0x1b: {  	s9 =	sadd.s32 $0xFFFFFEF7, lr;
	s5 =	simm.s32 $0xFFFFFFFF;
	p2 =	slt.u32 s8, $0xFFFFF086  }
0x1c: {  	p1 =	slt.u32 s9, $0xF7A;
	s5 =	simm.s32 @!p2 $0x0  }
0x1d: {  	s5 =	simm.s32 @p1 $0x1;
	p0 =	seq.s32 s7, s2  }
0x1e: {  	s7 =	smul.u32 @!p0 $0xF7A, s2;
	p2 =	seq.s32 @!p0 s5, $0x0  }
0x1f: {  	s9 =	smul.u32 $0xF7A, s1;
	s8 =	simm.s32 @!p0 $0x1BF5;
	p2 =	por !p2, p0  }
0x20: {  	[sflag:s8] =	ssyncset.s32 @!p0 $0xFFFFF086;
	s6 =	sadd.s32 @!p0 s3, s7;
	s7 =	simm.s32 @!p0 $0x108  }
0x21: {  	s3 =	sadd.s32 s3, s9;
	s6 =	sadd.s32 @!p0 $0x88, s6;
	s7 =	simm.s32 @p2 $0x1082  }
0x22: {  	[simem:s7], [sflag:s8] =	dma.local @!p0 [hbm:s6], $0xF7A  }
0x23: {  	s9 =	sor.u32 $0xD0000000, s2;
	s6 =	simm.s32 $0x108;
	_ =	swait.ge @!p0 [sflag:s8], $0x0  }
0x24: {  	s3 =	sadd.s32 $0x88, s3;
	s6 =	simm.s32 @!p1 $0x1082;
	[sflag:s4] =	ssyncset.s32 $0xFFFFF086  }
0x25: {  	[simem:s6], [sflag:s4] =	dma.local [hbm:s3], $0xF7A  }
0x26: {  	[smem:$0x3F96] =	sst s1;
	(tag) =	ssettag s2;
	_ =	strace s9  }
0x27: {  	s1 =	sld [smem:$0x3FA6]  }
0x28: {  	s2 =	sld [smem:$0x3FA7]  }
0x29: {  	s4 =	sld [smem:$0x3FA9]  }
0x2a: {  	p0 =	seq.s32 s5, $0x0;
	s5 =	sld [smem:$0x3FAA]  }
0x2b: {  	s6 =	sld [smem:$0x3FAB]  }
0x2c: {  	s7 =	sld [smem:$0x3FAC]  }
0x2d: {  	s3 =	simm.s32 $0x108;
	s8 =	sld [smem:$0x3FAD]  }
0x2e: {  	s3 =	simm.s32 @!p0 $0x1082;
	s9 =	sld [smem:$0x3FAE]  }
0x2f: {  	lr =	sadd.s32 s0, s3;
	s0 =	sld [smem:$0x3FA5]  }
0x30: {  	s3 =	sld [smem:$0x3FA8]  }
0x31: {  	[smem:$0x3FB1] =	sst s10  }
0x32: {  	s10 =	sld [smem:$0x3FAF];
	_ =	sdelay $0x3  }
0x33: {  	p0 =	seq.s32 s10, $0x1;
	s10 =	sld [smem:$0x3FB1];
	_ =	sdelay $0x3  }
0x34: {  	[smem:$0x3FB1] =	sst s10  }
0x35: {  	s10 =	sld [smem:$0x3FB0];
	_ =	sdelay $0x3  }
0x36: {  	p1 =	seq.s32 s10, $0x1;
	s10 =	sld [smem:$0x3FB1];
	_ =	sdelay $0x3  }
0x37: {  	[smem:$0x3FB1] =	sst s10  }
0x38: {  	s10 =	sld [smem:$0x3FB2]  }
0x39: {  	_ = 	snop;
	(pc) =	sbr.ind lr, $3  }
0x3a: {  	_ = 	snop  }
0x3b: {  	_ = 	snop  }
0x3c: {  	p2 =	seq.s32 s10, $0x1;
	s10 =	sld [smem:$0x3FB1]  }
0x3d: {  	_ =	shalt  }
0x3e: {  	_ =	shalt  }
0x3f: {  	_ =	shalt  }
0x40: {  	_ =	shalt  }
0x41: {  	_ =	shalt  }
0x42: {  	_ =	shalt  }
0x43: {  	_ =	shalt  }
0x44: {  	_ =	shalt  }
0x45: {  	_ =	shalt  }
0x46: {  	_ =	shalt  }
0x47: {  	_ =	shalt  }
0x48: {  	_ =	shalt  }
0x49: {  	_ =	shalt  }
0x4a: {  	_ =	shalt  }
0x4b: {  	_ =	shalt  }
0x4c: {  	_ =	shalt  }
0x4d: {  	_ =	shalt  }
0x4e: {  	_ =	shalt  }
0x4f: {  	_ =	shalt  }
0x50: {  	_ =	shalt  }
0x51: {  	_ =	shalt  }
0x52: {  	_ =	shalt  }
0x53: {  	_ =	shalt  }
0x54: {  	_ =	shalt  }
0x55: {  	_ =	shalt  }
0x56: {  	_ =	shalt  }
0x57: {  	_ =	shalt  }
0x58: {  	_ =	shalt  }
0x59: {  	_ =	shalt  }
0x5a: {  	_ =	shalt  }
0x5b: {  	_ =	shalt  }
0x5c: {  	_ =	shalt  }
0x5d: {  	_ =	shalt  }
0x5e: {  	_ =	shalt  }
0x5f: {  	_ =	shalt  }
0x60: {  	_ =	shalt  }
0x61: {  	_ =	shalt  }
0x62: {  	_ =	shalt  }
0x63: {  	_ =	shalt  }
0x64: {  	_ =	shalt  }
0x65: {  	_ =	shalt  }
0x66: {  	_ =	shalt  }
0x67: {  	_ =	shalt  }
0x68: {  	_ =	shalt  }
0x69: {  	_ =	shalt  }
0x6a: {  	_ =	shalt  }
0x6b: {  	_ =	shalt  }
0x6c: {  	_ =	shalt  }
0x6d: {  	_ =	shalt  }
0x6e: {  	_ =	shalt  }
0x6f: {  	_ =	shalt  }
0x70: {  	_ =	shalt  }
0x71: {  	_ =	shalt  }
0x72: {  	_ =	shalt  }
0x73: {  	_ =	shalt  }
0x74: {  	_ =	shalt  }
0x75: {  	_ =	shalt  }
0x76: {  	_ =	shalt  }
0x77: {  	_ =	shalt  }
0x78: {  	_ =	shalt  }
0x79: {  	_ =	shalt  }
0x7a: {  	_ =	shalt  }
0x7b: {  	_ =	shalt  }
0x7c: {  	_ =	shalt  }
0x7d: {  	_ =	shalt  }
0x7e: {  	_ =	shalt  }
0x7f: {  	_ =	shalt  }
0x80: {  	_ =	shalt  }
0x81: {  	_ =	shalt  }
0x82: {  	_ =	shalt  }
0x83: {  	_ =	shalt  }
0x84: {  	_ =	shalt  }
0x85: {  	_ =	shalt  }
0x86: {  	_ =	shalt  }
0x87: {  	_ =	shalt  }
.Lfunc_end0:
.L_simem_size_0:
called_computation.7_lowered:
.L_overlay_start_0:
0x88: {  	s0 =	sld [smem:$0x3FD9]  }
0x89: {  	s1 =	sld [smem:$0x3FFE];
	_ =	sdelay $0x3  }
0x8a: {  	s0 =	sadd.s32 s1, s0  }
0x8b: {  	[smem:$0x3FBD] =	sst s0  }
0x8c: {  	_ = 	snop  }
0x8d: {  	s0 =	sld [smem:$0x3FD0];
	_ =	sdelay $0x2  }
0x8e: {  	s2 =	simm.s32 $0x11;
	s3 =	simm.s32 $0x10;
	s13 =	sld [smem:$0x3FC9]  }
0x8f: {  	[smem:s3], [sflag:s2] =	dma.local [hbm:s0], $0x1  }
0x90: {  	_ =	swait.eq [sflag:s2], $0x1  }
0x91: {  	[sflag:s2] =	ssyncset.done $0x0  }
0x92: {  	[sflag:s2] =	ssyncadd.s32 $0xFFFFFFFF  }
0x93: {  	s14 =	sld [smem:$0x10];
	(tm) =	ssettm $0x1  }
0x94: {  	s15 =	sld [smem:$0x3FFB];
	_ =	sdelay $0x3  }
0x95: {  	_ =	strace s15  }
0x96: {  	s2 =	sld [smem:$0x3FFC];
	_ =	sdelay $0x3  }
0x97: {  	_ =	strace s2  }
0x98: {  	s2 =	sld [smem:$0x3FFD];
	_ =	sdelay $0x3  }
0x99: {  	_ =	strace s2  }
0x9a: {  	_ =	strace $0x8FFFFFFF  }
0x9b: {  	s16 =	sld [smem:$0x3FDB];
	_ =	sdelay $0x1  }
0x9c: {  	s17 =	simm.s32 $_scs_section_size  }
0x9d: {  	s4 =	simm.s32 $_size__tile_overlayer_lowered;
	s5 =	simm.s32 $_tile_overlayer_lowered  }
0x9e: {  	s20 =	simm.s32 $0x1BFF;
	s19 =	sshll.u32 s5, $0x1;
	s2 =	sadd.s32 s17, s16  }
0x9f: {  	s6 =	simm.s32 $0x0;
	s18 =	sshll.u32 s4, $0x1;
	s4 =	sadd.s32 s19, s2  }
0xa0: {  	[timem:s6], [sflag:s20] =	dma.local [hbm:s4], s18  }
0xa1: {  	_ =	swait.ge [sflag:s20], s18  }
0xa2: {  	s3 =	ssub.s32 $0x0, s18;
	[sflag:s20] =	ssyncset.done $0x0  }
0xa3: {  	[sflag:s20] =	ssyncadd.s32 s3;
	_ =	sdelay $0x1  }
0xa4: {  	s21 =	simm.s32 $0x1B8B  }
0xa5: {  	_ =	swait.ge [sflag:s21], $0x1  }
0xa6: {  	[sflag:s21] =	ssyncset.done $0x0  }
0xa7: {  	s23 =	simm.s32 $0x1B8E;
	s22 =	sld [smem:$0x3FFE];
	[sflag:s21] =	ssyncadd.s32 $0xFFFFFFFF  }
0xa8: {  	s24 =	simm.s32 $execute0_lowered;
	[smem:$0x3FD2] =	sst s23  }
0xa9: {  	s4 =	sshll.u32 s24, $0x1;
	_ =	strace $0x80000067;
	[dreg:$0x1] =	wrdreg $0xFFFFFFFF  }
0xaa: {  	s25 =	simm.s32 $_size_execute0_lowered;
	s2 =	sadd.s32 s2, s4;
	[dreg:$0x0] =	wrdreg $0x0  }
0xab: {  	s4 =	sshll.u32 s25, $0x1;
	[dreg:$0x2] =	wrdreg s2  }
0xac: {  	[dreg:$0x3] =	wrdreg s4  }
0xad: {  	[dreg:$0x4] =	wrdreg $0xC0  }
0xae: {  	_ =	task [dreg:s6], $0x5FFFF  }
0xaf: {  	[dreg:$0x1] =	wrdreg $0xFFFFFFFF  }
0xb0: {  	[dreg:$0x0] =	wrdreg $0x60  }
0xb1: {  	[dreg:$0x2] =	wrdreg s13  }
0xb2: {  	[dreg:$0x3] =	wrdreg s22  }
0xb3: {  	[dreg:$0x4] =	wrdreg s14  }
0xb4: {  	[dreg:$0x5] =	wrdreg $0xA  }
0xb5: {  	_ =	task.clear_ibuf [dreg:s6], $0x6FFFF;
	_ =	strace $0x90000067  }
0xb6: {  	s26 =	simm.s32 $0xA;
	_ =	strace $0x80000069  }
0xb7: {  	_ =	swait.ge [sflag:s26], $0x1  }
0xb8: {  	[sflag:s26] =	ssyncadd.s32 $0xFFFFFFFF  }
0xb9: {  	_ =	strace $0x90000069  }
0xba: {  	_ =	sfence  }
0xbb: {  	s28 =	sld [smem:$0x0];
	_ =	sdelay $0x1  }
0xbc: {  	s29 =	srdreg.scid  }
0xbd: {  	s30 =	sshll.u32 s29, $0xD;
	s31 =	sshrl.u32 s29, $0x2  }
0xbe: {  	s1 =	sand.u32 $0x1, s29;
	s2 =	sand.u32 $0x4000, s30;
	s0 =	sadd.s32 s31, s28  }
0xbf: {  	s1 =	sor.u32 s2, s1;
	s0 =	sshll.u32 s0, $0x11  }
0xc0: {  	s0 =	sor.u32 s0, s1  }
0xc1: {  	s0 =	sadd.s32 $0x8F2B, s0  }
0xc2: {  	[sflag:s0] =	ssyncadd.remote.s32 $0x1  }
0xc3: {  	_ =	sfence.sel $0xFFFF  }
0xc4: {  	[dreg:$0x0] =	wrdreg $0xFFFFFFFF;
	(pc) =	sbr.abs _section_cstart, $3  }
0xc5: {  	[dreg:$0x1] =	wrdreg $0xFFFFFFFF  }
0xc6: {  	_ =	task.clear_ibuf [dreg:s6], $0x2FFFF;
	_ =	strace $0x9FFFFFFF  }
0xc7: {  	(tm) =	ssettm $0x7FFFFFFF  }
tec
execute0_lowered:
.L_overlay_start_1:
0x0: {  	(tag) =	ssettag $0x1  }
0x1: {  	s0 =	stileid.u32  }
0x2: {  	s1 =	smin.u32 s0, $0x9  }
0x3: {  	s1 =	sadd.s32 s0, s1  }
0x4: {  	s2 =	simm.s32 $0x190;
	p0 =	slt.u32 s0, $0x9;
	s1 =	smul.u32 $0xC8, s1  }
0x5: {  	s2 =	simm.s32 @!p0 $0xC8  }
0x6: {  	s2 =	sadd.s32 s2, s1  }
0x7: {  	s3 =	smin.u32 s2, $0x1388  }
0x8: {  	s7 =	ssub.s32 s3, s1  }
0x9: {  	p0 =	sgt.s32 s7, $0x0  }
0xa: {  	s7 =	simm.s32 @!p0 $0x0  }
0xb: {  	s31 =	sand.u32 $0xFFF8, s7  }
0xc: {  	s4 =	rddreg [dreg:$0x0];
	s2 =	sshrl.u32 s31, $0x3  }
0xd: {  	s9 =	rddreg [dreg:$0x1];
	s2 =	smul.u32 $0x147B, s2  }
0xe: {  	s5 =	rddreg [dreg:$0x2]  }
0xf: {  	s6 =	simm.s32 $0x1;
	s11 =	simm.s32 $0x3;
	s8 =	sshrl.u32 s2, $0x11  }
0x10: {  	s13 =	simm.s32 $0x0;
	s12 =	simm.s32 $0x0;
	s10 =	smul.u32 $0xC8, s8  }
.Ltmp0:
0x11: {  	s9 =	sadd.s32 $0x600, s9;
	s2 =	rddreg [dreg:$0x3];
	(pc) =	sbr.rel .LBB2_1-.Ltmp0, $4  }
0x12: {  	_ =	strace $0x80000068;
	p0 =	sne.s32 s7, s10;
	s10 =	simm.s32 $0x1  }
0x13: {  	[sflag:s6] =	ssyncpa.u1 $0x0;
	s7 =	simm.s32 $0x2;
	s10 =	simm.s32 @!p0 $0x0  }
0x14: {  	[sflag:s7] =	ssyncpa.u1 $0x0;
	p0 =	por $0x0, $0x0;
	s8 =	sadd.s32 s8, s10  }
0x15: {  	vm0 =	vmmov $0xff;
	vm1 =	vcmask $0x3F20;
	[sflag:s11] =	ssyncpa.u1 $0x0;
	s11 =	smov.u32 s1;
	s10 =	sadd.s32 $0x1, s8  }
.LBB2_6:
0x16: {  	[hbm:s17] =	stream.linear.scatter [tilespmem:s14], [sflag:$0x3], $0x400, $0x38;
	[tilespmem:$0xC990] =	vst v63  }
.LBB2_7:
0x17: {  	s13 =	sadd.s32 $0xC8, s11  }
0x18: {  	s15 =	smov.u32 s1;
	p2 =	slt.s32 s13, s3  }
0x19: {  	s15 =	smov.u32 @p2 s13;
	p2 =	sne.s32 s12, s10  }
.Ltmp1:
0x1a: {  	p1 =	slt.u32 s12, $0x2;
	(pc) =	sbr.rel @!p2 .LBB2_8-.Ltmp1, $4  }
0x1b: {  	s14 =	simm.s32 @!p1 $0x3  }
0x1c: {  	s16 =	sadd.s32 $0x1, s12;
	_ =	swait.ge @!p1 [sflag:s14], $0x6400  }
0x1d: {  	p0 =	por !p0, !p0;
	s13 =	smov.u32 s11;
	[sflag:s14] =	ssyncset.done @!p1 $0x0  }
0x1e: {  	s12 =	smov.u32 s16;
	s11 =	smov.u32 s15;
	[sflag:s14] =	ssyncadd.s32 @!p1 $0xFFFF9C00  }
.LBB2_1:
0x1f: {  	p1 =	sge.u32 s12, s8  }
0x20: {  	s14 =	sxor.u32 @!p1 $0xFFFFFFFF, s12  }
0x21: {  	s14 =	sand.u32 @!p1 $0x1, s14  }
0x22: {  	s14 =	smul.u32 @!p1 $0x320, s14  }
0x23: {  	s31 =	sadd.s32 $0xFFFFFFFF, s12;
	s15 =	sshrl.u32 @!p1 s11, $0x3  }
0x24: {  	s16 =	sand.u32 @!p1 $0x7, s11;
	s15 =	sadd.s32 @!p1 s9, s15;
	s14 =	sshrl.u32 @!p1 s14, $0x2  }
0x25: {  	[tilespmem:s14], [sflag:$0x2] =	stream.linear.gather @!p1 [hbm4b:s15+s16], $0xC8, $0x38;
	[tilespmem:$0xC990] =	vst v63  }
0x26: {  	p1 =	sge.u32 s31, s8  }
.Ltmp2:
0x27: {  	_ = 	snop;
	(pc) =	sbr.rel @p1 .LBB2_7-.Ltmp2, $1  }
0x28: {  	_ =	sdelay $0x3  }
0x29: {  	s14 =	simm.s32 $0x1  }
0x2a: {  	s14 =	simm.s32 @!p0 $0x0  }
0x2b: {  	s15 =	smul.u32 $0x320, s14  }
0x2c: {  	_ =	swait.ge [sflag:s7], $0xC8  }
0x2d: {  	[sflag:s7] =	ssyncset.done $0x0;
	s16 =	sshrl.u32 s15, $0x2  }
0x2e: {  	[sflag:s7] =	ssyncadd.s32 $0xFFFFFF38;
	s15 =	sadd.s32 $0x0, s16  }
0x2f: {  	v0 =	vld.msk [tilespmem:s15+$0x0 ss:$0x1], $0xffff;
	_ =	sdelay $0x4  }
0x30: {  	vm2 =	vgt.s32 v0, $0x0  }
0x31: {  	v0 =	vnsel vm2, $0x0, v0  }
0x32: {  	v0 =	vmin.u32 v0, $0x270F  }
0x33: {  	v0 =	vshll.u32 v0, $0x4  }
0x34: {  	s14 =	smul.u32 $0x19000, s14  }
0x35: {  	s31 =	sand.u32 $0x1, s12  }
0x36: {  	s17 =	smul.u32 $0x320, s31;
	s14 =	sshrl.u32 s14, $0x2  }
0x37: {  	s19 =	smul.u32 $0x19000, s31;
	s14 =	sor.u32 $0x190, s14  }
0x38: {  	[tilespmem:s14], [sflag:$0x1] =	stream.indirect_vreg.gather [hbm:s4], $0x80, v0, vm0, $0x38;
	[tilespmem:$0xC990] =	vst v63  }
0x39: {  	s18 =	sshrl.u32 s17, $0x2;
	s20 =	sadd.s32 $0x10, s16;
	s15 =	sadd.s32 $0x400, s14  }
0x3a: {  	[tilespmem:s15], [sflag:$0x1] =	stream.indirect_vreg.gather [hbm:s4], $0x80, v0, vm1, $0x38;
	[tilespmem:$0xC990] =	vst v63  }
0x3b: {  	s17 =	sshrl.u32 s19, $0x2;
	s19 =	smov.u32 s14;
	v0 =	vld.msk [tilespmem:s20+$0x0 ss:$0x1], $0xffff;
	s20 =	simm.s32 $0x80  }
.LBB2_3:
0x3c: {  	p1 =	sne.s32 s20, $0x2C0;
	_ =	sdelay $0x4  }
0x3d: {  	vm2 =	vgt.s32 v0, $0x0  }
0x3e: {  	v0 =	vnsel vm2, $0x0, v0  }
0x3f: {  	v0 =	vmin.u32 v0, $0x270F  }
0x40: {  	v0 =	vshll.u32 v0, $0x4;
	_ =	sdelay $0x3  }
.Ltmp3:
0x41: {  	s21 =	sshra.s32 s20, $0x2;
	s19 =	sadd.s32 $0x800, s19;
	(pc) =	sbr.rel @p1 .LBB2_3-.Ltmp3, $4  }
0x42: {  	[tilespmem:s19], [sflag:$0x1] =	stream.indirect_vreg.gather [hbm:s4], $0x80, v0, vm0, $0x38;
	[tilespmem:$0xC990] =	vst v63  }
0x43: {  	s21 =	sadd.s32 s21, s16;
	s22 =	sadd.s32 $0x400, s19  }
0x44: {  	[tilespmem:s22], [sflag:$0x1] =	stream.indirect_vreg.gather [hbm:s4], $0x80, v0, vm1, $0x38;
	[tilespmem:$0xC990] =	vst v63  }
0x45: {  	s20 =	sadd.s32 $0x40, s20;
	v0 =	vld.msk [tilespmem:s21+$0x0 ss:$0x1], $0xffff  }
0x46: {  	_ =	sdelay $0x3  }
0x47: {  	vm2 =	vgt.s32 v0, $0x0  }
0x48: {  	v0 =	vnsel vm2, $0x0, v0  }
0x49: {  	v0 =	vmin.u32 v0, $0x270F  }
0x4a: {  	v0 =	vshll.u32 v0, $0x4;
	_ =	sdelay $0x3  }
0x4b: {  	s16 =	sadd.s32 $0x800, s19  }
0x4c: {  	[tilespmem:s16], [sflag:$0x1] =	stream.indirect_vreg.gather [hbm:s4], $0x80, v0, vm0, $0x38;
	[tilespmem:$0xC990] =	vst v63  }
0x4d: {  	s16 =	sadd.s32 $0x400, s16  }
0x4e: {  	[tilespmem:s16], [sflag:$0x1] =	stream.indirect_vreg.gather [hbm:s4], $0x80, v0, vm1, $0x38;
	[tilespmem:$0xC990] =	vst v63  }
0x4f: {  	v0 =	vld.msk [tilespmem:s18+$0xC0 ss:$0x1], $0xff;
	_ =	sdelay $0x4  }
0x50: {  	vm2 =	vgt.s32 v0, $0x0  }
0x51: {  	v0 =	vnsel vm2, $0x0, v0  }
0x52: {  	v0 =	vmin.u32 v0, $0x270F  }
0x53: {  	v0 =	vshll.u32 v0, $0x4;
	_ =	sdelay $0x3  }
0x54: {  	s31 =	sadd.s32 $0x6190, s17  }
0x55: {  	[tilespmem:s31], [sflag:$0x1] =	stream.indirect_vreg.gather [hbm:s4], $0x80, v0, vm0, $0x38;
	[tilespmem:$0xC990] =	vst v63  }
0x56: {  	s13 =	sshll.u32 s13, $0x4;
	_ =	swait.ge [sflag:s6], $0x6400  }
0x57: {  	s13 =	sadd.s32 s13, s5;
	[sflag:s6] =	ssyncset.done $0x0  }
0x58: {  	s17 =	sadd.s32 $0x0, s13;
	s16 =	simm.s32 $0x80;
	[sflag:s6] =	ssyncadd.s32 $0xFFFF9C00  }
.LBB2_5:
0x59: {  	[hbm:s17] =	stream.linear.scatter [tilespmem:s14], [sflag:$0x3], $0x400, $0x38;
	[tilespmem:$0xC990] =	vst v63  }
0x5a: {  	s17 =	smov.u32 s16;
	s14 =	smov.u32 s15;
	p1 =	sne.s32 s16, $0xC00  }
.Ltmp4:
0x5b: {  	s16 =	sadd.s32 $0x80, s16;
	(pc) =	sbr.rel @p1 .LBB2_5-.Ltmp4, $2  }
0x5c: {  	_ =	sdelay $0x2  }
0x5d: {  	s15 =	sadd.s32 $0x400, s15;
	s17 =	sadd.s32 s17, s13  }
.Ltmp5:
0x5e: {  	_ = 	snop;
	(pc) =	sbr.rel .LBB2_6-.Ltmp5, $1  }
0x5f: {  	_ =	sdelay $0x3  }
.LBB2_8:
0x60: {  	_ =	sfence.sel $0x180000  }
0x61: {  	s1 =	simm.s32 $0x2;
	[bflag:$0x0] =	sbarrier.arrive $0xFFFF  }
0x62: {  	s30 =	simm.s32 $0x3;
	[sflag:s1] =	ssyncpa.u1 $0x1  }
0x63: {  	s31 =	simm.s32 $0x1;
	[sflag:s30] =	ssyncpa.u1 $0x1  }
0x64: {  	[sflag:s31] =	ssyncpa.u1 $0x1  }
0x65: {  	p0 =	sne.s32 s0, $0x0;
	_ =	strace $0x90000068  }
0x66: {  	s0 =	sadd.s32 @!p0 $0x100000, s2;
	[bflag:$0x2] =	sbarrier.arrive $0xFFFF  }
0x67: {  	[sflag:s0] =	ssyncadd.tile.s32 @!p0 $0x1;
	_ =	shalt  }
.Lfunc_end2:
_tile_overlayer_lowered:
.L_overlay_start_2:
0x68: {  	(tag) =	ssettag $0x2  }
0x69: {  	s0 =	rddreg [dreg:$0x0];
	s2 =	stileid.u32  }
0x6a: {  	s1 =	rddreg [dreg:$0x1];
	p0 =	sne.s32 s2, $0x0  }
0x6b: {  	s3 =	rddreg [dreg:$0x2];
	[bflag:$0x3] =	sbarrier.arrive $0xFFFF;
	s2 =	simm.s32 @!p0 $0x1C01  }
0x6c: {  	[timem:s3], [sflag:s2] =	dma.local @!p0 [hbm:s0], s1  }
0x6d: {  	s0 =	simm.s32 @!p0 $0x1  }
0x6e: {  	_ =	swait.ge @!p0 [sflag:s0], s1  }
0x6f: {  	s1 =	ssub.s32 @!p0 $0x0, s1;
	[sflag:s0] =	ssyncset.done @!p0 $0x0  }
0x70: {  	[sflag:s0] =	ssyncadd.s32 @!p0 s1  }
0x71: {  	[bflag:$0x3] =	sbarrier.arrive $0xFFFF  }
0x72: {  	_ =	shalt  }

// kernel: gather_offload_async_start
scs
__scs_entry_jumppad:
0x0: {  	(pc) =	sbr.rel $0x88, $3  }
0x1: {  	(tag) =	ssettag $0x0;
	lr =	simm.s32 $0x1  }
0x2: {  	[smem:$0x3F96] =	sst lr;
	_ =	strace $0xD0000000  }
0x3: {  	_ = 	snop  }
0x4: {  	_ = 	snop  }
0x5: {  	_ = 	snop  }
0x6: {  	_ = 	snop  }
0x7: {  	_ = 	snop  }
__scs_overlays_trampoline_lowered:
0x8: {  	[smem:$0x3FA5] =	sst s0  }
0x9: {  	[smem:$0x3FA6] =	sst s1  }
0xa: {  	[smem:$0x3FA7] =	sst s2  }
0xb: {  	[smem:$0x3FA8] =	sst s3  }
0xc: {  	[smem:$0x3FA9] =	sst s4  }
0xd: {  	[smem:$0x3FAA] =	sst s5  }
0xe: {  	[smem:$0x3FAB] =	sst s6  }
0xf: {  	[smem:$0x3FAC] =	sst s7  }
0x10: {  	[smem:$0x3FAD] =	sst s8  }
0x11: {  	[smem:$0x3FAE] =	sst s9;
	s0 =	simm.s32 @!p0 $0x0  }
0x12: {  	s1 =	sld [smem:$0x3F94];
	s0 =	simm.s32 @p0 $0x1  }
0x13: {  	[smem:$0x3FAF] =	sst s0;
	s0 =	simm.s32 @!p1 $0x0  }
0x14: {  	s2 =	sld [smem:$0x3F93];
	s0 =	simm.s32 @p1 $0x1  }
0x15: {  	[smem:$0x3FB0] =	sst s0;
	s0 =	simm.s32 @!p2 $0x0  }
0x16: {  	s3 =	sld [smem:$0x3FDB];
	s0 =	simm.s32 @p2 $0x1  }
0x17: {  	s4 =	simm.s32 $0x1BF5;
	[smem:$0x3FB2] =	sst s0  }
0x18: {  	s0 =	sld [smem:$0x3F95];
	_ =	swait.ge [sflag:s4], $0x0  }
0x19: {  	s7 =	sld [smem:$0x3F96]  }
0x1a: {  	s8 =	sadd.s32 $0xFFFFE003, lr  }
0x1b: {  	s9 =	sadd.s32 $0xFFFFFEF7, lr;
	s5 =	simm.s32 $0xFFFFFFFF;
	p2 =	slt.u32 s8, $0xFFFFF086  }
0x1c: {  	p1 =	slt.u32 s9, $0xF7A;
	s5 =	simm.s32 @!p2 $0x0  }
0x1d: {  	s5 =	simm.s32 @p1 $0x1;
	p0 =	seq.s32 s7, s2  }
0x1e: {  	s7 =	smul.u32 @!p0 $0xF7A, s2;
	p2 =	seq.s32 @!p0 s5, $0x0  }
0x1f: {  	s9 =	smul.u32 $0xF7A, s1;
	s8 =	simm.s32 @!p0 $0x1BF5;
	p2 =	por !p2, p0  }
0x20: {  	[sflag:s8] =	ssyncset.s32 @!p0 $0xFFFFF086;
	s6 =	sadd.s32 @!p0 s3, s7;
	s7 =	simm.s32 @!p0 $0x108  }
0x21: {  	s3 =	sadd.s32 s3, s9;
	s6 =	sadd.s32 @!p0 $0x88, s6;
	s7 =	simm.s32 @p2 $0x1082  }
0x22: {  	[simem:s7], [sflag:s8] =	dma.local @!p0 [hbm:s6], $0xF7A  }
0x23: {  	s9 =	sor.u32 $0xD0000000, s2;
	s6 =	simm.s32 $0x108;
	_ =	swait.ge @!p0 [sflag:s8], $0x0  }
0x24: {  	s3 =	sadd.s32 $0x88, s3;
	s6 =	simm.s32 @!p1 $0x1082;
	[sflag:s4] =	ssyncset.s32 $0xFFFFF086  }
0x25: {  	[simem:s6], [sflag:s4] =	dma.local [hbm:s3], $0xF7A  }
0x26: {  	[smem:$0x3F96] =	sst s1;
	(tag) =	ssettag s2;
	_ =	strace s9  }
0x27: {  	s1 =	sld [smem:$0x3FA6]  }
0x28: {  	s2 =	sld [smem:$0x3FA7]  }
0x29: {  	s4 =	sld [smem:$0x3FA9]  }
0x2a: {  	p0 =	seq.s32 s5, $0x0;
	s5 =	sld [smem:$0x3FAA]  }
0x2b: {  	s6 =	sld [smem:$0x3FAB]  }
0x2c: {  	s7 =	sld [smem:$0x3FAC]  }
0x2d: {  	s3 =	simm.s32 $0x108;
	s8 =	sld [smem:$0x3FAD]  }
0x2e: {  	s3 =	simm.s32 @!p0 $0x1082;
	s9 =	sld [smem:$0x3FAE]  }
0x2f: {  	lr =	sadd.s32 s0, s3;
	s0 =	sld [smem:$0x3FA5]  }
0x30: {  	s3 =	sld [smem:$0x3FA8]  }
0x31: {  	[smem:$0x3FB1] =	sst s10  }
0x32: {  	s10 =	sld [smem:$0x3FAF];
	_ =	sdelay $0x3  }
0x33: {  	p0 =	seq.s32 s10, $0x1;
	s10 =	sld [smem:$0x3FB1];
	_ =	sdelay $0x3  }
0x34: {  	[smem:$0x3FB1] =	sst s10  }
0x35: {  	s10 =	sld [smem:$0x3FB0];
	_ =	sdelay $0x3  }
0x36: {  	p1 =	seq.s32 s10, $0x1;
	s10 =	sld [smem:$0x3FB1];
	_ =	sdelay $0x3  }
0x37: {  	[smem:$0x3FB1] =	sst s10  }
0x38: {  	s10 =	sld [smem:$0x3FB2]  }
0x39: {  	_ = 	snop;
	(pc) =	sbr.ind lr, $3  }
0x3a: {  	_ = 	snop  }
0x3b: {  	_ = 	snop  }
0x3c: {  	p2 =	seq.s32 s10, $0x1;
	s10 =	sld [smem:$0x3FB1]  }
0x3d: {  	_ =	shalt  }
0x3e: {  	_ =	shalt  }
0x3f: {  	_ =	shalt  }
0x40: {  	_ =	shalt  }
0x41: {  	_ =	shalt  }
0x42: {  	_ =	shalt  }
0x43: {  	_ =	shalt  }
0x44: {  	_ =	shalt  }
0x45: {  	_ =	shalt  }
0x46: {  	_ =	shalt  }
0x47: {  	_ =	shalt  }
0x48: {  	_ =	shalt  }
0x49: {  	_ =	shalt  }
0x4a: {  	_ =	shalt  }
0x4b: {  	_ =	shalt  }
0x4c: {  	_ =	shalt  }
0x4d: {  	_ =	shalt  }
0x4e: {  	_ =	shalt  }
0x4f: {  	_ =	shalt  }
0x50: {  	_ =	shalt  }
0x51: {  	_ =	shalt  }
0x52: {  	_ =	shalt  }
0x53: {  	_ =	shalt  }
0x54: {  	_ =	shalt  }
0x55: {  	_ =	shalt  }
0x56: {  	_ =	shalt  }
0x57: {  	_ =	shalt  }
0x58: {  	_ =	shalt  }
0x59: {  	_ =	shalt  }
0x5a: {  	_ =	shalt  }
0x5b: {  	_ =	shalt  }
0x5c: {  	_ =	shalt  }
0x5d: {  	_ =	shalt  }
0x5e: {  	_ =	shalt  }
0x5f: {  	_ =	shalt  }
0x60: {  	_ =	shalt  }
0x61: {  	_ =	shalt  }
0x62: {  	_ =	shalt  }
0x63: {  	_ =	shalt  }
0x64: {  	_ =	shalt  }
0x65: {  	_ =	shalt  }
0x66: {  	_ =	shalt  }
0x67: {  	_ =	shalt  }
0x68: {  	_ =	shalt  }
0x69: {  	_ =	shalt  }
0x6a: {  	_ =	shalt  }
0x6b: {  	_ =	shalt  }
0x6c: {  	_ =	shalt  }
0x6d: {  	_ =	shalt  }
0x6e: {  	_ =	shalt  }
0x6f: {  	_ =	shalt  }
0x70: {  	_ =	shalt  }
0x71: {  	_ =	shalt  }
0x72: {  	_ =	shalt  }
0x73: {  	_ =	shalt  }
0x74: {  	_ =	shalt  }
0x75: {  	_ =	shalt  }
0x76: {  	_ =	shalt  }
0x77: {  	_ =	shalt  }
0x78: {  	_ =	shalt  }
0x79: {  	_ =	shalt  }
0x7a: {  	_ =	shalt  }
0x7b: {  	_ =	shalt  }
0x7c: {  	_ =	shalt  }
0x7d: {  	_ =	shalt  }
0x7e: {  	_ =	shalt  }
0x7f: {  	_ =	shalt  }
0x80: {  	_ =	shalt  }
0x81: {  	_ =	shalt  }
0x82: {  	_ =	shalt  }
0x83: {  	_ =	shalt  }
0x84: {  	_ =	shalt  }
0x85: {  	_ =	shalt  }
0x86: {  	_ =	shalt  }
0x87: {  	_ =	shalt  }
.Lfunc_end0:
.L_simem_size_0:
called_computation.6_lowered:
.L_overlay_start_0:
0x88: {  	s0 =	sld [smem:$0x3FD9]  }
0x89: {  	s1 =	sld [smem:$0x3FFE];
	_ =	sdelay $0x3  }
0x8a: {  	s0 =	sadd.s32 s1, s0  }
0x8b: {  	[smem:$0x3FBD] =	sst s0  }
0x8c: {  	_ = 	snop  }
0x8d: {  	(tm) =	ssettm $0x1  }
0x8e: {  	s15 =	sld [smem:$0x3FFB];
	_ =	sdelay $0x3  }
0x8f: {  	_ =	strace s15  }
0x90: {  	s0 =	sld [smem:$0x3FFC];
	_ =	sdelay $0x3  }
0x91: {  	_ =	strace s0  }
0x92: {  	s0 =	sld [smem:$0x3FFD];
	_ =	sdelay $0x3  }
0x93: {  	_ =	strace s0  }
0x94: {  	_ =	strace $0x8FFFFFFF  }
0x95: {  	s16 =	sld [smem:$0x3FDB];
	_ =	sdelay $0x1  }
0x96: {  	s17 =	simm.s32 $_scs_section_size  }
0x97: {  	s2 =	simm.s32 $_size__tile_overlayer_lowered;
	s3 =	simm.s32 $_tile_overlayer_lowered  }
0x98: {  	s20 =	simm.s32 $0x1BFF;
	s19 =	sshll.u32 s3, $0x1;
	s0 =	sadd.s32 s17, s16  }
0x99: {  	s4 =	simm.s32 $0x0;
	s18 =	sshll.u32 s2, $0x1;
	s2 =	sadd.s32 s19, s0  }
0x9a: {  	[timem:s4], [sflag:s20] =	dma.local [hbm:s2], s18  }
0x9b: {  	_ =	swait.ge [sflag:s20], s18  }
0x9c: {  	s1 =	ssub.s32 $0x0, s18;
	[sflag:s20] =	ssyncset.done $0x0  }
0x9d: {  	[sflag:s20] =	ssyncadd.s32 s1;
	_ =	sdelay $0x1  }
0x9e: {  	s21 =	simm.s32 $0x1B8B  }
0x9f: {  	_ =	swait.ge [sflag:s21], $0x1  }
0xa0: {  	[sflag:s21] =	ssyncset.done $0x0  }
0xa1: {  	s23 =	simm.s32 $0x1B8E;
	s22 =	sld [smem:$0x3FFE];
	[sflag:s21] =	ssyncadd.s32 $0xFFFFFFFF  }
0xa2: {  	s24 =	simm.s32 $execute0_lowered;
	[smem:$0x3FD2] =	sst s23  }
0xa3: {  	s2 =	sshll.u32 s24, $0x1;
	_ =	strace $0x80000064;
	[dreg:$0x1] =	wrdreg $0xFFFFFFFF  }
0xa4: {  	s25 =	simm.s32 $_size_execute0_lowered;
	s0 =	sadd.s32 s0, s2;
	[dreg:$0x0] =	wrdreg $0x0  }
0xa5: {  	s2 =	sshll.u32 s25, $0x1;
	[dreg:$0x2] =	wrdreg s0  }
0xa6: {  	[dreg:$0x3] =	wrdreg s2  }
0xa7: {  	[dreg:$0x4] =	wrdreg $0xC0  }
0xa8: {  	_ =	task [dreg:s4], $0x5FFFF  }
0xa9: {  	[dreg:$0x1] =	wrdreg $0xFFFFFFFF  }
0xaa: {  	[dreg:$0x0] =	wrdreg $0x60  }
0xab: {  	[dreg:$0x2] =	wrdreg s22  }
0xac: {  	[dreg:$0x3] =	wrdreg $0x9  }
0xad: {  	_ =	task.clear_ibuf [dreg:s4], $0x4FFFF;
	_ =	strace $0x90000064  }
0xae: {  	s26 =	simm.s32 $0x9;
	_ =	strace $0x80000066  }
0xaf: {  	_ =	swait.ge [sflag:s26], $0x1  }
0xb0: {  	[sflag:s26] =	ssyncadd.s32 $0xFFFFFFFF  }
0xb1: {  	_ =	strace $0x90000066  }
0xb2: {  	_ =	sfence  }
0xb3: {  	s28 =	sld [smem:$0x0];
	_ =	sdelay $0x1  }
0xb4: {  	s29 =	srdreg.scid  }
0xb5: {  	s30 =	sshll.u32 s29, $0xD;
	s31 =	sshrl.u32 s29, $0x2  }
0xb6: {  	s1 =	sand.u32 $0x1, s29;
	s2 =	sand.u32 $0x4000, s30;
	s0 =	sadd.s32 s31, s28  }
0xb7: {  	s1 =	sor.u32 s2, s1;
	s0 =	sshll.u32 s0, $0x11  }
0xb8: {  	s0 =	sor.u32 s0, s1  }
0xb9: {  	s0 =	sadd.s32 $0x8F2B, s0  }
0xba: {  	[sflag:s0] =	ssyncadd.remote.s32 $0x1  }
0xbb: {  	_ =	sfence.sel $0xFFFF  }
0xbc: {  	[dreg:$0x0] =	wrdreg $0xFFFFFFFF;
	(pc) =	sbr.abs _section_cstart, $3  }
0xbd: {  	[dreg:$0x1] =	wrdreg $0xFFFFFFFF  }
0xbe: {  	_ =	task.clear_ibuf [dreg:s4], $0x2FFFF;
	_ =	strace $0x9FFFFFFF  }
0xbf: {  	(tm) =	ssettm $0x7FFFFFFF  }
tec
execute0_lowered:
.L_overlay_start_1:
0x0: {  	(tag) =	ssettag $0x1  }
0x1: {  	s2 =	rddreg [dreg:$0x0]  }
0x2: {  	s0 =	rddreg [dreg:$0x1];
	s1 =	stileid.u32;
	_ =	strace $0x80000065  }
0x3: {  	s6 =	simm.s32 $0x1;
	s8 =	simm.s32 $0x2;
	s30 =	simm.s32 $0x3  }
0x4: {  	s12 =	simm.s32 $0x0;
	s9 =	simm.s32 $0x0;
	s4 =	sshll.u32 s1, $0x4  }
0x5: {  	s10 =	simm.s32 $0x0;
	s3 =	sadd.s32 $0x600, s2;
	s7 =	ssub.s32 $0x1380, s4  }
0x6: {  	s5 =	sadd.s32 $0xA00, s2;
	[sflag:s6] =	ssyncpa.u1 $0x0;
	s6 =	sshrl.u32 s7, $0x8  }
0x7: {  	[sflag:s8] =	ssyncpa.u1 $0x0;
	s11 =	smov.u32 s4;
	s31 =	sshll.u32 s6, $0x4  }
0x8: {  	[sflag:s30] =	ssyncpa.u1 $0x0;
	s7 =	sadd.s32 $0x2, s6;
	s8 =	sadd.s32 $0x30, s31  }
.LBB2_1:
0x9: {  	p0 =	sgt.u32 s10, s6  }
0xa: {  	s13 =	sxor.u32 @!p0 $0xFFFFFFFF, s9;
	s14 =	sshrl.u32 @!p0 s11, $0x3  }
0xb: {  	s15 =	sand.u32 @!p0 $0x7, s11;
	s13 =	sand.u32 @!p0 $0x10, s13;
	s14 =	sadd.s32 @!p0 s3, s14  }
0xc: {  	[tilespmem:s13], [sflag:$0x2] =	stream.linear.gather @!p0 [hbm4b:s14+s15], $0x10, $0x38;
	[tilespmem:$0x40] =	vst v63  }
0xd: {  	p0 =	seq.s32 s9, $0x0  }
0xe: {  	p1 =	sge.u32 @!p0 s10, s7  }
0xf: {  	p0 =	por p1, p0  }
0x10: {  	s13 =	simm.s32 @!p0 $0x2  }
0x11: {  	_ =	swait.ge @!p0 [sflag:s13], $0x10  }
0x12: {  	[sflag:s13] =	ssyncset.done @!p0 $0x0  }
0x13: {  	[sflag:s13] =	ssyncadd.s32 @!p0 $0xFFFFFFF0;
	s13 =	sand.u32 @!p0 $0x10, s9  }
0x14: {  	(ifvalue) =	ssetifvalue @!p0 $0x7FFFFFFF;
	v0 =	vld.msk @!p0 [tilespmem:s13+$0x0 ss:$0x1], $0xffff;
	_ =	sdelay $0x4  }
0x15: {  	vm0 =	vgt.s32 @!p0 v0, $0x0  }
0x16: {  	v0 =	vnsel @!p0 vm0, $0x0, v0  }
0x17: {  	v0 =	vmin.u32 @!p0 v0, $0x270F;
	_ =	sdelay $0x3  }
0x18: {  	s14 =	simm.s32 @!p0 $0x0;
	s13 =	sor.u32 @!p0 $0x20, s13;
	(ifvalue) =	ssetifvalue @!p0 $0x7FFFFFFF;
	vm0 =	vmmov @!p0 $0xffff  }
0x19: {  	[tilespmem:s13], [sflag:$0x1] =	stream.indirect_vreg.gather @!p0 [hbm4b:s2+s14], $0x1, v0, vm0, $0x4038;
	[tilespmem:$0x40] =	vst v63  }
0x1a: {  	s14 =	simm.s32 @!p0 $0x1  }
0x1b: {  	_ =	swait.ge @!p0 [sflag:s14], $0x10  }
0x1c: {  	s15 =	sshrl.u32 @!p0 s12, $0x3;
	[sflag:s14] =	ssyncset.done @!p0 $0x0  }
0x1d: {  	s12 =	sand.u32 @!p0 $0x7, s12;
	[sflag:s14] =	ssyncadd.s32 @!p0 $0xFFFFFFF0;
	s14 =	sadd.s32 @!p0 s5, s15  }
0x1e: {  	[hbm4b:s14+s12] =	stream.linear.scatter @!p0 [tilespmem:s13], [sflag:$0x3], $0x10, $0x38;
	[tilespmem:$0x40] =	vst v63  }
0x1f: {  	s14 =	sadd.s32 $0x100, s11  }
0x20: {  	s9 =	sadd.s32 $0x10, s9;
	p1 =	sgt.s32 s14, $0x1387  }
0x21: {  	s14 =	smov.u32 @p1 s4;
	p1 =	sne.s32 s8, s9  }
.Ltmp0:
0x22: {  	p0 =	slt.u32 s10, $0x2;
	(pc) =	sbr.rel @p1 .LBB2_1-.Ltmp0, $4  }
0x23: {  	s13 =	simm.s32 @!p0 $0x3  }
0x24: {  	_ =	swait.ge @!p0 [sflag:s13], $0x10  }
0x25: {  	s12 =	smov.u32 s11;
	[sflag:s13] =	ssyncset.done @!p0 $0x0  }
0x26: {  	s10 =	sadd.s32 $0x1, s10;
	s11 =	smov.u32 s14;
	[sflag:s13] =	ssyncadd.s32 @!p0 $0xFFFFFFF0  }
0x27: {  	_ =	sfence.sel $0x180000  }
0x28: {  	s2 =	simm.s32 $0x2;
	[bflag:$0x0] =	sbarrier.arrive $0xFFFF  }
0x29: {  	s30 =	simm.s32 $0x3;
	[sflag:s2] =	ssyncpa.u1 $0x1  }
0x2a: {  	s31 =	simm.s32 $0x1;
	[sflag:s30] =	ssyncpa.u1 $0x1  }
0x2b: {  	[sflag:s31] =	ssyncpa.u1 $0x1  }
0x2c: {  	p0 =	sne.s32 s1, $0x0;
	_ =	strace $0x90000065  }
0x2d: {  	s0 =	sadd.s32 @!p0 $0x100000, s0;
	[bflag:$0x2] =	sbarrier.arrive $0xFFFF  }
0x2e: {  	[sflag:s0] =	ssyncadd.tile.s32 @!p0 $0x1;
	_ =	shalt  }
.Lfunc_end2:
_tile_overlayer_lowered:
.L_overlay_start_2:
0x2f: {  	(tag) =	ssettag $0x2  }
0x30: {  	s0 =	rddreg [dreg:$0x0];
	s2 =	stileid.u32  }
0x31: {  	s1 =	rddreg [dreg:$0x1];
	p0 =	sne.s32 s2, $0x0  }
0x32: {  	s3 =	rddreg [dreg:$0x2];
	[bflag:$0x3] =	sbarrier.arrive $0xFFFF;
	s2 =	simm.s32 @!p0 $0x1C01  }
0x33: {  	[timem:s3], [sflag:s2] =	dma.local @!p0 [hbm:s0], s1  }
0x34: {  	s0 =	simm.s32 @!p0 $0x1  }
0x35: {  	_ =	swait.ge @!p0 [sflag:s0], s1  }
0x36: {  	s1 =	ssub.s32 @!p0 $0x0, s1;
	[sflag:s0] =	ssyncset.done @!p0 $0x0  }
0x37: {  	[sflag:s0] =	ssyncadd.s32 @!p0 s1  }
0x38: {  	[bflag:$0x3] =	sbarrier.arrive $0xFFFF  }
0x39: {  	_ =	shalt  }

// kernel: scatter_offload_async_start.1
scs
__scs_entry_jumppad:
0x0: {  	(pc) =	sbr.rel $0x88, $3  }
0x1: {  	(tag) =	ssettag $0x0;
	lr =	simm.s32 $0x1  }
0x2: {  	[smem:$0x3F96] =	sst lr;
	_ =	strace $0xD0000000  }
0x3: {  	_ = 	snop  }
0x4: {  	_ = 	snop  }
0x5: {  	_ = 	snop  }
0x6: {  	_ = 	snop  }
0x7: {  	_ = 	snop  }
__scs_overlays_trampoline_lowered:
0x8: {  	[smem:$0x3FA5] =	sst s0  }
0x9: {  	[smem:$0x3FA6] =	sst s1  }
0xa: {  	[smem:$0x3FA7] =	sst s2  }
0xb: {  	[smem:$0x3FA8] =	sst s3  }
0xc: {  	[smem:$0x3FA9] =	sst s4  }
0xd: {  	[smem:$0x3FAA] =	sst s5  }
0xe: {  	[smem:$0x3FAB] =	sst s6  }
0xf: {  	[smem:$0x3FAC] =	sst s7  }
0x10: {  	[smem:$0x3FAD] =	sst s8  }
0x11: {  	[smem:$0x3FAE] =	sst s9;
	s0 =	simm.s32 @!p0 $0x0  }
0x12: {  	s1 =	sld [smem:$0x3F94];
	s0 =	simm.s32 @p0 $0x1  }
0x13: {  	[smem:$0x3FAF] =	sst s0;
	s0 =	simm.s32 @!p1 $0x0  }
0x14: {  	s2 =	sld [smem:$0x3F93];
	s0 =	simm.s32 @p1 $0x1  }
0x15: {  	[smem:$0x3FB0] =	sst s0;
	s0 =	simm.s32 @!p2 $0x0  }
0x16: {  	s3 =	sld [smem:$0x3FDB];
	s0 =	simm.s32 @p2 $0x1  }
0x17: {  	s4 =	simm.s32 $0x1BF5;
	[smem:$0x3FB2] =	sst s0  }
0x18: {  	s0 =	sld [smem:$0x3F95];
	_ =	swait.ge [sflag:s4], $0x0  }
0x19: {  	s7 =	sld [smem:$0x3F96]  }
0x1a: {  	s8 =	sadd.s32 $0xFFFFE003, lr  }
0x1b: {  	s9 =	sadd.s32 $0xFFFFFEF7, lr;
	s5 =	simm.s32 $0xFFFFFFFF;
	p2 =	slt.u32 s8, $0xFFFFF086  }
0x1c: {  	p1 =	slt.u32 s9, $0xF7A;
	s5 =	simm.s32 @!p2 $0x0  }
0x1d: {  	s5 =	simm.s32 @p1 $0x1;
	p0 =	seq.s32 s7, s2  }
0x1e: {  	s7 =	smul.u32 @!p0 $0xF7A, s2;
	p2 =	seq.s32 @!p0 s5, $0x0  }
0x1f: {  	s9 =	smul.u32 $0xF7A, s1;
	s8 =	simm.s32 @!p0 $0x1BF5;
	p2 =	por !p2, p0  }
0x20: {  	[sflag:s8] =	ssyncset.s32 @!p0 $0xFFFFF086;
	s6 =	sadd.s32 @!p0 s3, s7;
	s7 =	simm.s32 @!p0 $0x108  }
0x21: {  	s3 =	sadd.s32 s3, s9;
	s6 =	sadd.s32 @!p0 $0x88, s6;
	s7 =	simm.s32 @p2 $0x1082  }
0x22: {  	[simem:s7], [sflag:s8] =	dma.local @!p0 [hbm:s6], $0xF7A  }
0x23: {  	s9 =	sor.u32 $0xD0000000, s2;
	s6 =	simm.s32 $0x108;
	_ =	swait.ge @!p0 [sflag:s8], $0x0  }
0x24: {  	s3 =	sadd.s32 $0x88, s3;
	s6 =	simm.s32 @!p1 $0x1082;
	[sflag:s4] =	ssyncset.s32 $0xFFFFF086  }
0x25: {  	[simem:s6], [sflag:s4] =	dma.local [hbm:s3], $0xF7A  }
0x26: {  	[smem:$0x3F96] =	sst s1;
	(tag) =	ssettag s2;
	_ =	strace s9  }
0x27: {  	s1 =	sld [smem:$0x3FA6]  }
0x28: {  	s2 =	sld [smem:$0x3FA7]  }
0x29: {  	s4 =	sld [smem:$0x3FA9]  }
0x2a: {  	p0 =	seq.s32 s5, $0x0;
	s5 =	sld [smem:$0x3FAA]  }
0x2b: {  	s6 =	sld [smem:$0x3FAB]  }
0x2c: {  	s7 =	sld [smem:$0x3FAC]  }
0x2d: {  	s3 =	simm.s32 $0x108;
	s8 =	sld [smem:$0x3FAD]  }
0x2e: {  	s3 =	simm.s32 @!p0 $0x1082;
	s9 =	sld [smem:$0x3FAE]  }
0x2f: {  	lr =	sadd.s32 s0, s3;
	s0 =	sld [smem:$0x3FA5]  }
0x30: {  	s3 =	sld [smem:$0x3FA8]  }
0x31: {  	[smem:$0x3FB1] =	sst s10  }
0x32: {  	s10 =	sld [smem:$0x3FAF];
	_ =	sdelay $0x3  }
0x33: {  	p0 =	seq.s32 s10, $0x1;
	s10 =	sld [smem:$0x3FB1];
	_ =	sdelay $0x3  }
0x34: {  	[smem:$0x3FB1] =	sst s10  }
0x35: {  	s10 =	sld [smem:$0x3FB0];
	_ =	sdelay $0x3  }
0x36: {  	p1 =	seq.s32 s10, $0x1;
	s10 =	sld [smem:$0x3FB1];
	_ =	sdelay $0x3  }
0x37: {  	[smem:$0x3FB1] =	sst s10  }
0x38: {  	s10 =	sld [smem:$0x3FB2]  }
0x39: {  	_ = 	snop;
	(pc) =	sbr.ind lr, $3  }
0x3a: {  	_ = 	snop  }
0x3b: {  	_ = 	snop  }
0x3c: {  	p2 =	seq.s32 s10, $0x1;
	s10 =	sld [smem:$0x3FB1]  }
0x3d: {  	_ =	shalt  }
0x3e: {  	_ =	shalt  }
0x3f: {  	_ =	shalt  }
0x40: {  	_ =	shalt  }
0x41: {  	_ =	shalt  }
0x42: {  	_ =	shalt  }
0x43: {  	_ =	shalt  }
0x44: {  	_ =	shalt  }
0x45: {  	_ =	shalt  }
0x46: {  	_ =	shalt  }
0x47: {  	_ =	shalt  }
0x48: {  	_ =	shalt  }
0x49: {  	_ =	shalt  }
0x4a: {  	_ =	shalt  }
0x4b: {  	_ =	shalt  }
0x4c: {  	_ =	shalt  }
0x4d: {  	_ =	shalt  }
0x4e: {  	_ =	shalt  }
0x4f: {  	_ =	shalt  }
0x50: {  	_ =	shalt  }
0x51: {  	_ =	shalt  }
0x52: {  	_ =	shalt  }
0x53: {  	_ =	shalt  }
0x54: {  	_ =	shalt  }
0x55: {  	_ =	shalt  }
0x56: {  	_ =	shalt  }
0x57: {  	_ =	shalt  }
0x58: {  	_ =	shalt  }
0x59: {  	_ =	shalt  }
0x5a: {  	_ =	shalt  }
0x5b: {  	_ =	shalt  }
0x5c: {  	_ =	shalt  }
0x5d: {  	_ =	shalt  }
0x5e: {  	_ =	shalt  }
0x5f: {  	_ =	shalt  }
0x60: {  	_ =	shalt  }
0x61: {  	_ =	shalt  }
0x62: {  	_ =	shalt  }
0x63: {  	_ =	shalt  }
0x64: {  	_ =	shalt  }
0x65: {  	_ =	shalt  }
0x66: {  	_ =	shalt  }
0x67: {  	_ =	shalt  }
0x68: {  	_ =	shalt  }
0x69: {  	_ =	shalt  }
0x6a: {  	_ =	shalt  }
0x6b: {  	_ =	shalt  }
0x6c: {  	_ =	shalt  }
0x6d: {  	_ =	shalt  }
0x6e: {  	_ =	shalt  }
0x6f: {  	_ =	shalt  }
0x70: {  	_ =	shalt  }
0x71: {  	_ =	shalt  }
0x72: {  	_ =	shalt  }
0x73: {  	_ =	shalt  }
0x74: {  	_ =	shalt  }
0x75: {  	_ =	shalt  }
0x76: {  	_ =	shalt  }
0x77: {  	_ =	shalt  }
0x78: {  	_ =	shalt  }
0x79: {  	_ =	shalt  }
0x7a: {  	_ =	shalt  }
0x7b: {  	_ =	shalt  }
0x7c: {  	_ =	shalt  }
0x7d: {  	_ =	shalt  }
0x7e: {  	_ =	shalt  }
0x7f: {  	_ =	shalt  }
0x80: {  	_ =	shalt  }
0x81: {  	_ =	shalt  }
0x82: {  	_ =	shalt  }
0x83: {  	_ =	shalt  }
0x84: {  	_ =	shalt  }
0x85: {  	_ =	shalt  }
0x86: {  	_ =	shalt  }
0x87: {  	_ =	shalt  }
.Lfunc_end0:
.L_simem_size_0:
called_computation.1_lowered:
.L_overlay_start_0:
0x88: {  	s0 =	sld [smem:$0x3FD9]  }
0x89: {  	s1 =	sld [smem:$0x3FFE];
	_ =	sdelay $0x3  }
0x8a: {  	s0 =	sadd.s32 s1, s0  }
0x8b: {  	[smem:$0x3FBD] =	sst s0  }
0x8c: {  	_ = 	snop  }
0x8d: {  	(tm) =	ssettm $0x1  }
0x8e: {  	s14 =	sld [smem:$0x3FFB];
	_ =	sdelay $0x3  }
0x8f: {  	_ =	strace s14  }
0x90: {  	s0 =	sld [smem:$0x3FFC];
	_ =	sdelay $0x3  }
0x91: {  	_ =	strace s0  }
0x92: {  	s0 =	sld [smem:$0x3FFD];
	_ =	sdelay $0x3  }
0x93: {  	_ =	strace s0  }
0x94: {  	_ =	strace $0x8FFFFFFF  }
0x95: {  	s15 =	sld [smem:$0x3FDB];
	_ =	sdelay $0x1  }
0x96: {  	s16 =	simm.s32 $_scs_section_size  }
0x97: {  	s2 =	simm.s32 $_size__tile_overlayer_lowered;
	s3 =	simm.s32 $_tile_overlayer_lowered  }
0x98: {  	s4 =	simm.s32 $0x1BFF;
	s17 =	sshll.u32 s3, $0x1;
	s1 =	sadd.s32 s16, s15  }
0x99: {  	s18 =	simm.s32 $0x0;
	s2 =	sshll.u32 s2, $0x1;
	s3 =	sadd.s32 s17, s1  }
0x9a: {  	[timem:s18], [sflag:s4] =	dma.local [hbm:s3], s2  }
0x9b: {  	_ =	swait.ge [sflag:s4], s2  }
0x9c: {  	s2 =	ssub.s32 $0x0, s2;
	[sflag:s4] =	ssyncset.done $0x0  }
0x9d: {  	[sflag:s4] =	ssyncadd.s32 s2;
	_ =	sdelay $0x1  }
0x9e: {  	s19 =	simm.s32 $0x1B8B  }
0x9f: {  	_ =	swait.ge [sflag:s19], $0x1  }
0xa0: {  	[sflag:s19] =	ssyncset.done $0x0  }
0xa1: {  	s21 =	simm.s32 $0x1B8E;
	s20 =	sld [smem:$0x3FFE];
	[sflag:s19] =	ssyncadd.s32 $0xFFFFFFFF  }
0xa2: {  	s22 =	simm.s32 $execute0_lowered;
	[smem:$0x3FD2] =	sst s21  }
0xa3: {  	s3 =	sshll.u32 s22, $0x1;
	_ =	strace $0x8000004C;
	[dreg:$0x1] =	wrdreg $0xFFFFFFFF  }
0xa4: {  	s23 =	simm.s32 $_size_execute0_lowered;
	s3 =	sadd.s32 s1, s3;
	[dreg:$0x0] =	wrdreg $0x0  }
0xa5: {  	s4 =	sshll.u32 s23, $0x1;
	[dreg:$0x2] =	wrdreg s3  }
0xa6: {  	[dreg:$0x3] =	wrdreg s4  }
0xa7: {  	[dreg:$0x4] =	wrdreg $0xC0  }
0xa8: {  	s24 =	simm.s32 $execute1_lowered;
	_ =	task [dreg:s18], $0x5FFFF  }
0xa9: {  	s3 =	sshll.u32 s24, $0x1;
	[dreg:$0x1] =	wrdreg $0xFFFFFFFF  }
0xaa: {  	s1 =	sadd.s32 s1, s3;
	[dreg:$0x0] =	wrdreg $0x60  }
0xab: {  	[dreg:$0x2] =	wrdreg s1  }
0xac: {  	[dreg:$0x3] =	wrdreg s20  }
0xad: {  	[dreg:$0x4] =	wrdreg $0xB  }
0xae: {  	_ =	task.clear_ibuf [dreg:s18], $0x5FFFF;
	_ =	strace $0x9000004C  }
0xaf: {  	s25 =	simm.s32 $0xB;
	_ =	strace $0x8000004E  }
0xb0: {  	_ =	swait.ge [sflag:s25], $0x1  }
0xb1: {  	[sflag:s25] =	ssyncadd.s32 $0xFFFFFFFF  }
0xb2: {  	_ =	strace $0x9000004E  }
0xb3: {  	_ =	strace $0x8000004F;
	[dreg:$0x1] =	wrdreg $0xFFFFFFFF  }
0xb4: {  	[dreg:$0x0] =	wrdreg $0x2030  }
0xb5: {  	[dreg:$0x2] =	wrdreg s20  }
0xb6: {  	[dreg:$0x3] =	wrdreg $0xC  }
0xb7: {  	_ =	task.clear_ibuf [dreg:s18], $0x4FFFF;
	_ =	strace $0x9000004F  }
0xb8: {  	s26 =	simm.s32 $0xC;
	_ =	strace $0x80000051  }
0xb9: {  	_ =	swait.ge [sflag:s26], $0x1  }
0xba: {  	[sflag:s26] =	ssyncadd.s32 $0xFFFFFFFF  }
0xbb: {  	_ =	strace $0x90000051  }
0xbc: {  	_ =	sfence  }
0xbd: {  	s28 =	sld [smem:$0x0];
	_ =	sdelay $0x1  }
0xbe: {  	s29 =	srdreg.scid  }
0xbf: {  	s30 =	sshll.u32 s29, $0xD;
	s31 =	sshrl.u32 s29, $0x2  }
0xc0: {  	s2 =	sand.u32 $0x1, s29;
	s3 =	sand.u32 $0x4000, s30;
	s1 =	sadd.s32 s31, s28  }
0xc1: {  	s2 =	sor.u32 s3, s2;
	s1 =	sshll.u32 s1, $0x11  }
0xc2: {  	s1 =	sor.u32 s1, s2  }
0xc3: {  	s1 =	sadd.s32 $0x8F2B, s1  }
0xc4: {  	[sflag:s1] =	ssyncadd.remote.s32 $0x1  }
0xc5: {  	_ =	sfence.sel $0xFFFF  }
0xc6: {  	[dreg:$0x0] =	wrdreg $0xFFFFFFFF;
	(pc) =	sbr.abs _section_cstart, $3  }
0xc7: {  	[dreg:$0x1] =	wrdreg $0xFFFFFFFF  }
0xc8: {  	_ =	task.clear_ibuf [dreg:s18], $0x2FFFF;
	_ =	strace $0x9FFFFFFF  }
0xc9: {  	(tm) =	ssettm $0x7FFFFFFF  }
tec
execute0_lowered:
.L_overlay_start_1:
0x0: {  	(tag) =	ssettag $0x1  }
0x1: {  	s2 =	rddreg [dreg:$0x0]  }
0x2: {  	s4 =	rddreg [dreg:$0x1]  }
0x3: {  	s0 =	rddreg [dreg:$0x2];
	s3 =	stileid.u32  }
0x4: {  	[bflag:$0x3] =	sbarrier.arrive $0xFFFF;
	s1 =	simm.s32 $_size_execute1_lowered;
	p0 =	sne.s32 s3, $0x0  }
0x5: {  	s1 =	sshll.u32 s1, $0x1;
	s5 =	simm.s32 @!p0 $0x1C3F;
	s6 =	simm.s32 @!p0 $0x4060  }
0x6: {  	[timem:s6], [sflag:s5] =	dma.local @!p0 [hbm:s2], s1  }
0x7: {  	s2 =	smul.u32 $0x280, s3  }
.Ltmp0:
0x8: {  	s31 =	simm.s32 $0x2;
	s7 =	simm.s32 $0x280;
	(pc) =	sbr.rel .LBB2_1-.Ltmp0, $4  }
0x9: {  	s8 =	simm.s32 $0x780;
	s10 =	simm.s32 $0x0;
	s9 =	simm.s32 $0x0  }
0xa: {  	s3 =	simm.s32 $0x1;
	_ =	strace $0x8000004D;
	s30 =	sshrl.u32 s2, $0x3  }
0xb: {  	s6 =	simm.s32 $0x0;
	[sflag:s3] =	ssyncpa.u1 $0x0;
	s5 =	sadd.s32 s30, s4  }
0xc: {  	s4 =	sadd.s32 $0xA400, s4;
	[sflag:s31] =	ssyncpa.u1 $0x0;
	s5 =	sadd.s32 $0x9E00, s5  }
.LBB2_8:
0xd: {  	p1 =	seq.s32 s9, $0x2  }
.Ltmp1:
0xe: {  	_ = 	snop;
	(pc) =	sbr.rel @p1 .LBB2_10-.Ltmp1, $1  }
0xf: {  	_ =	sdelay $0x3  }
.LBB2_9:
0x10: {  	s9 =	sadd.s32 $0x1, s9;
	s10 =	smov.u32 s2  }
.LBB2_1:
0x11: {  	p1 =	sne.s32 s9, $0x0  }
.Ltmp2:
0x12: {  	_ = 	snop;
	(pc) =	sbr.rel @!p1 .LBB2_2-.Ltmp2, $1  }
0x13: {  	_ =	sdelay $0x3  }
0x14: {  	s11 =	sand.u32 $0x1, s9  }
0x15: {  	p1 =	seq.s32 s11, $0x0  }
.Ltmp3:
0x16: {  	_ = 	snop;
	(pc) =	sbr.rel @p1 .LBB2_8-.Ltmp3, $1  }
0x17: {  	_ =	sdelay $0x3  }
0x18: {  	_ =	swait.ge [sflag:s3], $0x280  }
0x19: {  	[sflag:s3] =	ssyncset.done $0x0  }
0x1a: {  	s11 =	simm.s32 $0x0;
	p1 =	por $0x1, $0x1;
	[sflag:s3] =	ssyncadd.s32 $0xFFFFFD80  }
.LBB2_5:
0x1b: {  	v0 =	vld [tilespmem:s11+$0x280]  }
0x1c: {  	v1 =	vld [tilespmem:s11+$0x290]  }
0x1d: {  	v2 =	vld [tilespmem:s11+$0x2A0]  }
0x1e: {  	v3 =	vld [tilespmem:s11+$0x2B0]  }
0x1f: {  	v4 =	vld [tilespmem:s11+$0x2C0]  }
0x20: {  	v53 =	vld [tilespmem:s11+$0x2D0];
	[tilespmem:s11+$0x780] =	vst v0  }
0x21: {  	v54 =	vld [tilespmem:s11+$0x2E0];
	[tilespmem:s11+$0x790] =	vst v1  }
0x22: {  	v55 =	vld [tilespmem:s11+$0x2F0];
	[tilespmem:s11+$0x7A0] =	vst v2  }
0x23: {  	v56 =	vld [tilespmem:s11+$0x300];
	[tilespmem:s11+$0x7B0] =	vst v3  }
0x24: {  	v57 =	vld [tilespmem:s11+$0x310];
	[tilespmem:s11+$0x7C0] =	vst v4  }
0x25: {  	v58 =	vld [tilespmem:s11+$0x320];
	[tilespmem:s11+$0x7D0] =	vst v53  }
0x26: {  	v59 =	vld [tilespmem:s11+$0x330];
	[tilespmem:s11+$0x7E0] =	vst v54  }
0x27: {  	v60 =	vld [tilespmem:s11+$0x340];
	[tilespmem:s11+$0x7F0] =	vst v55  }
0x28: {  	v61 =	vld [tilespmem:s11+$0x350];
	[tilespmem:s11+$0x800] =	vst v56  }
0x29: {  	v62 =	vld [tilespmem:s11+$0x360];
	[tilespmem:s11+$0x810] =	vst v57  }
0x2a: {  	v63 =	vld [tilespmem:s11+$0x370];
	p2 =	por p1, p1;
	[tilespmem:s11+$0x820] =	vst v58  }
.Ltmp4:
0x2b: {  	[tilespmem:s11+$0x830] =	vst v59;
	(pc) =	sbr.rel @p2 .LBB2_5-.Ltmp4, $4  }
0x2c: {  	[tilespmem:s11+$0x840] =	vst v60  }
0x2d: {  	[tilespmem:s11+$0x850] =	vst v61  }
0x2e: {  	s12 =	simm.s32 $0x1F0;
	s13 =	simm.s32 $0x980;
	[tilespmem:s11+$0x860] =	vst v62  }
0x2f: {  	s14 =	simm.s32 $0x480;
	p1 =	por $0x0, $0x0;
	[tilespmem:s11+$0x870] =	vst v63;
	s11 =	simm.s32 $0x100  }
.LBB2_6:
0x30: {  	s12 =	sadd.s32 $0x10, s12  }
0x31: {  	v0 =	vld [tilespmem:s14+$0x0];
	p1 =	slt.u32 s12, $0x270  }
.Ltmp5:
0x32: {  	_ = 	snop;
	(pc) =	sbr.rel @p1 .LBB2_6-.Ltmp5, $2  }
0x33: {  	_ =	sdelay $0x2  }
0x34: {  	s14 =	sadd.s32 $0x10, s14;
	[tilespmem:s13+$0x0] =	vst v0;
	s13 =	sadd.s32 $0x10, s13  }
.Ltmp6:
0x35: {  	(pc) =	sbr.rel .LBB2_8-.Ltmp6, $4  }
0x36: {  	_ = 	snop  }
0x37: {  	s10 =	sshrl.u32 s10, $0x3  }
0x38: {  	s10 =	sadd.s32 s4, s10  }
0x39: {  	[hbm4b:s10+s6] =	stream.linear.scatter [tilespmem:s8], [sflag:$0x2], $0x280, $0x38;
	[tilespmem:$0xA00] =	vst v63  }
.LBB2_2:
.Ltmp7:
0x3a: {  	(pc) =	sbr.rel .LBB2_9-.Ltmp7, $2  }
0x3b: {  	_ =	sdelay $0x2  }
0x3c: {  	[tilespmem:s7], [sflag:$0x1] =	stream.linear.gather [hbm4b:s5+s6], $0x280, $0x38;
	[tilespmem:$0xA00] =	vst v63  }
.LBB2_10:
0x3d: {  	s2 =	simm.s32 $0x2  }
0x3e: {  	_ =	swait.ge [sflag:s2], $0x280  }
0x3f: {  	[sflag:s2] =	ssyncset.done $0x0  }
0x40: {  	[sflag:s2] =	ssyncadd.s32 $0xFFFFFD80  }
0x41: {  	_ =	sfence.sel $0x180000  }
0x42: {  	s3 =	simm.s32 $0x1;
	[bflag:$0x0] =	sbarrier.arrive $0xFFFF  }
0x43: {  	[sflag:s3] =	ssyncpa.u1 $0x1  }
0x44: {  	[sflag:s2] =	ssyncpa.u1 $0x1  }
0x45: {  	_ =	strace $0x9000004D  }
0x46: {  	s0 =	sadd.s32 @!p0 $0x100000, s0;
	[bflag:$0x2] =	sbarrier.arrive $0xFFFF  }
0x47: {  	[sflag:s0] =	ssyncadd.tile.s32 @!p0 $0x1;
	s0 =	simm.s32 @!p0 $0x3F  }
0x48: {  	_ =	swait.ge @!p0 [sflag:s0], s1  }
0x49: {  	s1 =	ssub.s32 @!p0 $0x0, s1;
	[sflag:s0] =	ssyncset.done @!p0 $0x0  }
0x4a: {  	[sflag:s0] =	ssyncadd.s32 @!p0 s1  }
0x4b: {  	[bflag:$0x3] =	sbarrier.arrive $0xFFFF  }
0x4c: {  	_ =	shalt  }
.Lfunc_end2:
execute1_lowered:
.L_overlay_start_2:
0x4d: {  	(tag) =	ssettag $0x2  }
0x4e: {  	s0 =	rddreg [dreg:$0x0];
	_ =	strace $0x80000050;
	s15 =	stileid.u32  }
0x4f: {  	s2 =	simm.s32 $0x1;
	s1 =	smin.u32 s15, $0x8;
	s3 =	sshll.u32 s15, $0x1  }
0x50: {  	v1 =	vimm.s32 $0xFFFFFFFF;
	[sflag:s2] =	ssyncpa.u1 $0x0;
	s1 =	sadd.s32 s1, s3  }
0x51: {  	p0 =	slt.u32 s15, $0x8;
	[tilespmem:$0x10] =	vst v1;
	s4 =	smul.u32 $0x1F40, s1;
	s1 =	simm.s32 $0x5DC0  }
0x52: {  	v0 =	vimm.f32 $0.0e+00;
	[tilespmem:$0x20] =	vst v1;
	s1 =	simm.s32 @!p0 $0x3E80  }
0x53: {  	[tilespmem:$0x30] =	vst v0;
	s1 =	sadd.s32 s1, s4  }
0x54: {  	[tilespmem:$0x40] =	vst v0;
	s5 =	smin.u32 s1, $0x4E200  }
0x55: {  	s7 =	simm.s32 $0x2;
	s8 =	simm.s32 $0x8;
	[tilespmem:$0x50] =	vst v0;
	s9 =	ssub.s32 s5, s4  }
0x56: {  	s31 =	simm.s32 $0x9;
	s16 =	simm.s32 $0x0;
	[tilespmem:$0x60] =	vst v1;
	p0 =	sgt.s32 s9, $0x0  }
0x57: {  	s17 =	simm.s32 $0xF0;
	s18 =	simm.s32 $0xFFFFFFFF;
	[tilespmem:$0x70] =	vst v1;
	s9 =	simm.s32 @!p0 $0x0  }
0x58: {  	s19 =	simm.s32 $0xFFFFC280;
	s20 =	simm.s32 $0xFFFFFFFE;
	[tilespmem:$0x80] =	vst v1;
	s30 =	smulhi.u32 $0x10624DD3, s9  }
0x59: {  	s21 =	simm.s32 $0xF;
	s25 =	simm.s32 $0x0;
	s24 =	simm.s32 $0x0;
	v1 =	vimm.s32 $0x0;
	[tilespmem:$0xB0] =	vst v0  }
0x5a: {  	s6 =	sadd.s32 $0x2EA00, s0;
	s15 =	sshllo.u32 s15, $0x1;
	[tilespmem:$0x90] =	vst v1;
	s10 =	sshrl.u32 s30, $0x9  }
0x5b: {  	[tilespmem:$0xA0] =	vst v1;
	[sflag:s7] =	ssyncpa.u1 $0x0;
	s7 =	simm.s32 $0x7;
	s11 =	smul.u32 $0x1F40, s10  }
.Ltmp8:
0x5c: {  	s13 =	sor.u32 $0x80, s3;
	[sflag:s7] =	ssyncpa.u1 $0x0;
	(pc) =	sbr.rel .LBB3_1-.Ltmp8, $4  }
0x5d: {  	s14 =	sor.u32 $0x81, s3;
	[sflag:s8] =	ssyncpa.u1 $0x0;
	p0 =	sne.s32 s9, s11  }
0x5e: {  	s23 =	smov.u32 s4;
	s1 =	sadd.s32 $0xA400, s0;
	s2 =	simm.s32 @!p0 $0x0  }
0x5f: {  	vm0 =	vmmov $0xffff;
	v2 =	vlaneseq.u32;
	[sflag:s31] =	ssyncpa.u1 $0x0;
	s9 =	sadd.s32 $0x38800, s0;
	s10 =	sadd.s32 s2, s10  }
0x60: {  	vm1 =	vmxor vm1, vm1;
	vm2 =	vmmov $0x1;
	vm3 =	vcmask $0x3F3C;
	p0 =	por $0x0, $0x0;
	s11 =	sadd.s32 $0x1, s10;
	s12 =	sadd.s32 $0x2, s10  }
.LBB3_9:
0x61: {  	p1 =	slt.u32 s24, $0x3  }
0x62: {  	s0 =	simm.s32 @!p1 $0x2  }
0x63: {  	_ =	swait.ge @!p1 [sflag:s0], $0x1F40  }
0x64: {  	[sflag:s0] =	ssyncset.done @!p1 $0x0  }
0x65: {  	[sflag:s0] =	ssyncadd.s32 @!p1 $0xFFFFE0C0;
	s0 =	simm.s32 @!p1 $0x9  }
0x66: {  	_ =	swait.ge @!p1 [sflag:s0], $0x10  }
0x67: {  	[sflag:s0] =	ssyncset.done @!p1 $0x0  }
0x68: {  	[sflag:s0] =	ssyncadd.s32 @!p1 $0xFFFFFFF0;
	p1 =	sne.s32 s24, s12  }
.Ltmp9:
0x69: {  	s2 =	sadd.s32 $0x1F40, s23;
	(pc) =	sbr.rel @!p1 .LBB3_10-.Ltmp9, $4  }
0x6a: {  	s22 =	smov.u32 s4;
	s31 =	sadd.s32 $0x1, s24;
	s17 =	sadd.s32 $0x1F40, s17  }
0x6b: {  	s18 =	sadd.s32 $0x1, s18;
	s25 =	smov.u32 s23;
	p2 =	slt.s32 s2, s5  }
0x6c: {  	p0 =	por !p0, !p0;
	s19 =	sadd.s32 $0x1F40, s19;
	s22 =	smov.u32 @p2 s2  }
0x6d: {  	s20 =	sadd.s32 $0x1, s20;
	s23 =	smov.u32 s22;
	s24 =	smov.u32 s31  }
.LBB3_1:
0x6e: {  	p1 =	sge.u32 s24, s10  }
0x6f: {  	s0 =	smulhi.u32 @!p1 $0xAAAAAAAB, s24;
	_ =	sdelay $0x1  }
0x70: {  	s0 =	sshrl.u32 @!p1 s0, $0x1  }
0x71: {  	s0 =	smul.u32 @!p1 $0x3, s0;
	_ =	sdelay $0x1  }
0x72: {  	s0 =	ssub.s32 @!p1 s24, s0  }
0x73: {  	s0 =	smul.u32 @!p1 $0x7D00, s0;
	_ =	sdelay $0x1  }
0x74: {  	s2 =	sshrl.u32 @!p1 s23, $0x3;
	s0 =	sshrl.u32 @!p1 s0, $0x2  }
0x75: {  	s22 =	sand.u32 @!p1 $0x7, s23;
	s2 =	sadd.s32 @!p1 s6, s2;
	s0 =	sadd.s32 @!p1 $0x100, s0  }
0x76: {  	[tilespmem:s0], [sflag:$0x7] =	stream.linear.gather @!p1 [hbm4b:s2+s22], $0x1F40, $0x38;
	[tilespmem:$0x11A60] =	vst v63  }
0x77: {  	s0 =	sadd.s32 $0xFFFFFFFF, s24  }
0x78: {  	p1 =	sge.u32 s0, s10  }
.Ltmp10:
0x79: {  	_ = 	snop;
	(pc) =	sbr.rel @p1 .LBB3_5-.Ltmp10, $1  }
0x7a: {  	_ =	sdelay $0x3  }
0x7b: {  	s2 =	smulhi.u32 $0xAAAAAAAB, s0;
	_ =	sdelay $0x1  }
0x7c: {  	s2 =	sshrl.u32 s2, $0x1  }
0x7d: {  	s2 =	smul.u32 $0x3, s2;
	_ =	sdelay $0x1  }
0x7e: {  	s2 =	ssub.s32 s0, s2  }
0x7f: {  	s2 =	smul.u32 $0x7D00, s2  }
0x80: {  	_ =	swait.ge [sflag:s7], $0x1F40  }
0x81: {  	[sflag:s7] =	ssyncset.done $0x0;
	s2 =	sshrl.u32 s2, $0x2  }
0x82: {  	[sflag:s7] =	ssyncadd.s32 $0xFFFFE0C0;
	(ifvalue) =	ssetifvalue $0xFFFFFFFF;
	v3 =	vld.msk [tilespmem:s2+$0x100 ss:$0x1], $0xffff;
	_ =	sdelay $0x2  }
0x83: {  	s30 =	smulhi.u32 $0xAAAAAAAB, s18;
	p1 =	sne.s32 s24, $0x1  }
0x84: {  	v4 =	vimm.s32 @!p1 $0x0  }
0x85: {  	s2 =	sshrl.u32 s30, $0x1;
	v4 =	vperm.xlane @!p1 v3, v4  }
0x86: {  	s22 =	sshll.u32 s24, $0x4;
	s2 =	smul.u32 $0xFFFE8900, s2;
	vm4 =	vlt.u32 v3, $0x2800  }
0x87: {  	s22 =	sand.u32 $0x10, s22;
	v3 =	vnsel vm4, $0xFFFFFFFE, v3;
	vm4 =	vlt.u32 @!p1 v4, $0x2800  }
0x88: {  	s2 =	sshra.s32 s2, $0x2;
	[tilespmem:s22+$0x60] =	vst v3;
	v3 =	vnsel @!p1 vm4, $0xFFFFFFFE, v4  }
0x89: {  	s28 =	sadd.s32 s2, s17;
	[tilespmem:$0x80] =	vst @!p1 v3  }
0x8a: {  	v3 =	vld.msk [tilespmem:s28+$0x0 ss:$0x1], $0xffff;
	_ =	sdelay $0x4  }
0x8b: {  	(xrf1) =	vunique.msk.u32 $0xffff, v3;
	_ =	sdelay $0xd  }
0x8c: {  	v4 =	vimm.s32 $0xFFFFFFFF;
	v5, _, _ =	vpop (xrf1)  }
0x8d: {  	vm5 =	vne.s32 v3, v4;
	vm4 =	veq.s32 v5, v2  }
0x8e: {  	vm6 =	vlt.u32 v3, $0x2800;
	vm4 =	vmand vm5, vm4  }
0x8f: {  	vm4 =	vmand vm6, vm4  }
0x90: {  	v4 =	vnsel vm4, $0xFFFFFFFF, v3  }
0x91: {  	s31 =	sand.u32 $0x1, s0  }
0x92: {  	s0 =	simm.s32 $0x1F40;
	p1 =	seq.s32 s31, $0x1  }
0x93: {  	s0 =	simm.s32 @!p1 $0x0  }
0x94: {  	s26 =	sadd.s32 $0x7DF0, s0;
	(ifvalue) =	ssetifvalue $0xFFFFFFFF  }
0x95: {  	v3 =	vperm.xlane v3, v1;
	[tilespmem:s26], [sflag:$0x8] =	stream.indirect_vreg.gather [hbm4b:s1+s16], $0x1, v4, vm0, $0x4038;
	v4 =	vnsel vm6, $0xFFFFFFFE, v4;
	[tilespmem:$0x11A60] =	vst v63  }
0x96: {  	s2 =	simm.s32 $0x0;
	s22 =	sadd.s32 $0xFFFFFFF0, s28;
	[tilespmem:s28+$0x0] =	vst v4  }
.LBB3_3:
0x97: {  	v4 =	vld.msk [tilespmem:s22+$0x0 ss:$0x1], $0xffff;
	s2 =	sadd.s32 $0x10, s2;
	v5 =	vmov v3;
	s28 =	smov.u32 s22  }
0x98: {  	p1 =	slt.u32 s2, $0x1F30;
	_ =	sdelay $0x4  }
0x99: {  	v3 =	vperm.xlane v4, v1;
	(xrf1) =	vunique.msk.u32 $0xffff, v4;
	_ =	sdelay $0xd  }
0x9a: {  	v6, _, _ =	vpop (xrf1)  }
0x9b: {  	vm5 =	vne.s32 v4, v5;
	vm4 =	veq.s32 v6, v2  }
0x9c: {  	vm6 =	vlt.u32 v4, $0x2800;
	vm4 =	vmand vm5, vm4  }
0x9d: {  	vm4 =	vmand vm6, vm4  }
0x9e: {  	v4 =	vnsel vm4, $0xFFFFFFFF, v4  }
.Ltmp11:
0x9f: {  	v5 =	vnsel vm6, $0xFFFFFFFE, v4;
	(pc) =	sbr.rel @p1 .LBB3_3-.Ltmp11, $3  }
0xa0: {  	_ =	sdelay $0x1  }
0xa1: {  	s22 =	sadd.s32 $0xFFFFFFF0, s22;
	s26 =	sadd.s32 $0xFFFFFFF0, s26;
	(ifvalue) =	ssetifvalue $0xFFFFFFFF  }
0xa2: {  	[tilespmem:s26], [sflag:$0x8] =	stream.indirect_vreg.gather [hbm4b:s1+s16], $0x1, v4, vm0, $0x4038;
	[tilespmem:s28+$0x0] =	vst v5  }
0xa3: {  	s2 =	sshrl.u32 s25, $0x3  }
0xa4: {  	s0 =	sadd.s32 $0x9D40, s0;
	s2 =	sadd.s32 s9, s2  }
0xa5: {  	[tilespmem:s0], [sflag:$0x8] =	stream.linear.gather [hbm:s2], $0x1F40, $0x38;
	[tilespmem:$0x11A60] =	vst v63  }
.LBB3_5:
0xa6: {  	p1 =	slt.u32 s24, $0x2  }
0xa7: {  	p2 =	sge.u32 @!p1 s24, s12  }
0xa8: {  	p1 =	por p1, p2  }
.Ltmp12:
0xa9: {  	_ = 	snop;
	(pc) =	sbr.rel @p1 .LBB3_9-.Ltmp12, $1  }
0xaa: {  	_ =	sdelay $0x3  }
0xab: {  	s0 =	sadd.s32 $0xFFFFFFFE, s24  }
0xac: {  	s2 =	smulhi.u32 $0xAAAAAAAB, s0;
	_ =	sdelay $0x1  }
0xad: {  	s2 =	sshrl.u32 s2, $0x1  }
0xae: {  	s2 =	smul.u32 $0x3, s2;
	_ =	sdelay $0x1  }
0xaf: {  	s0 =	ssub.s32 s0, s2  }
0xb0: {  	_ =	swait.ge [sflag:s8], $0x3E80;
	s0 =	smul.u32 $0x1F40, s0  }
0xb1: {  	p1 =	sne.s32 s24, s11;
	[sflag:s8] =	ssyncset.done $0x0  }
0xb2: {  	[sflag:s8] =	ssyncadd.s32 $0xFFFFC180;
	s2 =	sadd.s32 @!p1 $0x203F, s0  }
0xb3: {  	[spmem:s14] =	stream.linear.scatter @!p1 [tilespmem:s2], [sflag:$0x1], $0x1, $0x38;
	[tilespmem:$0x11A60] =	vst v63  }
0xb4: {  	s2 =	simm.s32 @!p1 $0x1  }
0xb5: {  	_ =	swait.ge @!p1 [sflag:s2], $0x1  }
0xb6: {  	s22 =	sshll.u32 s24, $0x4;
	[sflag:s2] =	ssyncset.done @!p1 $0x0  }
0xb7: {  	s25 =	sand.u32 $0x10, s22;
	[sflag:s2] =	ssyncadd.s32 @!p1 $0xFFFFFFFF  }
0xb8: {  	s2 =	sxor.u32 $0x10, s25;
	v4 =	vld [tilespmem:s25+$0x10]  }
0xb9: {  	v5 =	vld [tilespmem:s2+$0x60]  }
0xba: {  	v3 =	vld [tilespmem:$0x80];
	_ =	sdelay $0x2  }
0xbb: {  	(v2sf) =	vpush v4, $0x0  }
0xbc: {  	(v2sf) =	vpush v5, $0x0  }
0xbd: {  	(v2sf) =	vpush v3, $0x0;
	_ =	sdelay $0xc  }
0xbe: {  	s22 =	spop (v2sf)  }
0xbf: {  	s26 =	spop (v2sf)  }
0xc0: {  	s28 =	spop (v2sf)  }
0xc1: {  	p2 =	seq.s32 s22, s26;
	p3 =	seq.s32 s28, s22  }
0xc2: {  	p3 =	por p2, p3  }
0xc3: {  	s26 =	sand.u32 $0x1, s24;
	v4 =	vpsel p3, $0xFFFFFFFF, v4  }
0xc4: {  	s29 =	smul.u32 $0x1F40, s26;
	[tilespmem:s25+$0x10] =	vst.msk $0x1, v4  }
0xc5: {  	v4 =	vld [tilespmem:$0x30]  }
0xc6: {  	v5 =	vld [tilespmem:s29+$0x9D40]  }
0xc7: {  	v6 =	vld [tilespmem:s25+$0x40];
	_ =	sdelay $0x3  }
0xc8: {  	vm4 =	vmmov vm1;
	v5 =	vadd.f32 v5, v4  }
0xc9: {  	vm5 =	vmmov vm2;
	vm4 =	vmmov @p2 vm2;
	s22 =	sshll.u32 s26, $0x4;
	v4 =	vadd.f32 v6, v4  }
0xca: {  	s26 =	sor.u32 $0x11A40, s22;
	vm5 =	vmmov @p3 vm1;
	[tilespmem:s29+$0x9D40] =	vst.msk vm4, v5  }
0xcb: {  	[tilespmem:s26+$0x0] =	vst.msk vm5, v4  }
0xcc: {  	v4 =	vld [tilespmem:s29+$0x7DF0];
	_ =	sdelay $0x3  }
0xcd: {  	v5 =	vimm.f32 $0.0e+00  }
0xce: {  	v4 =	vshift.insert v4, v5, s21  }
0xcf: {  	s22 =	sor.u32 $0x40, s2  }
0xd0: {  	[tilespmem:s22+$0x0] =	vst.msk $0x1, v4  }
0xd1: {  	[tilespmem:s29+$0x7DFF] =	vst.msk $0x1, v5  }
0xd2: {  	v4 =	vld [tilespmem:s0+$0x2030];
	_ =	sdelay $0x1  }
0xd3: {  	s22 =	smulhi.u32 $0xAAAAAAAB, s20;
	s0 =	simm.s32 $0x1  }
0xd4: {  	s0 =	simm.s32 @!p0 $0x0  }
0xd5: {  	s22 =	sshrl.u32 s22, $0x1;
	s0 =	smul.u32 $0x7D00, s0  }
0xd6: {  	s22 =	smul.u32 $0xFFFE8900, s22;
	v4 =	vshift.insert v4, v1, s21  }
0xd7: {  	s0 =	sshrl.u32 s0, $0x2  }
0xd8: {  	s22 =	sshra.s32 s22, $0x2;
	s30 =	sadd.s32 $0x9D40, s0;
	[tilespmem:s2+$0x10] =	vst.msk $0x1, v4  }
0xd9: {  	s22 =	sadd.s32 s22, s19;
	v6 =	vld [tilespmem:s30+$0x0]  }
0xda: {  	v7 =	vld [tilespmem:s22+$0x0];
	_ =	sdelay $0x3  }
0xdb: {  	v5 =	vadd.f32 v6, v5  }
0xdc: {  	vm4 =	vne.s32 v7, $0xFFFFFFFF  }
0xdd: {  	(xrf2) =	vadd.seg.scan.f32 vm4, v5;
	_ =	sdelay $0x3  }
0xde: {  	s31 =	sadd.s32 $0x5EC0, s0;
	v5 =	vperm.xlane v4, v1  }
0xdf: {  	v6 =	vld [tilespmem:s31+$0x0]  }
0xe0: {  	vm5 =	veq.s32 v7, v3;
	vm6 =	veq.s32 v7, v5  }
0xe1: {  	vm7 =	vgt.u32 v7, $0xFFFFFFFD;
	vm6 =	vmor vm6, vm5  }
0xe2: {  	vm6 =	vmor vm6, vm7  }
0xe3: {  	v9 =	vld [tilespmem:$0xA0];
	v7 =	vsel vm6, $0xFFFFFFFF, v7  }
0xe4: {  	v10 =	vld [tilespmem:$0x90];
	v6 =	vsel vm5, $0x0, v6;
	v8, _, _ =	vpop (xrf2)  }
0xe5: {  	v6 =	vadd.f32 v8, v6  }
0xe6: {  	s0 =	sadd.s32 $0xDBC0, s0  }
0xe7: {  	vm4 =	vmand vm4, vm3;
	[tilespmem:s0+$0x0] =	vst v6;
	(ifvalue) =	ssetifvalue $0xFFFFFFFF  }
0xe8: {  	vm6 =	veq.s32 v9, $0x1;
	[hbm4b:s1+s16] =	stream.indirect_vreg.scatter [tilespmem:s0], [sflag:$0x2], $0x1, v7, vm0, $0x4038;
	v7 =	vsel vm4, $0x0, v8;
	[tilespmem:$0x11A60] =	vst v63  }
0xe9: {  	s2 =	simm.s32 $0x0;
	s22 =	sadd.s32 $0x10, s22;
	vm4 =	vmor vm6, vm5;
	v6 =	vsel vm5, v8, v10;
	v7 =	vshift.insert v7, v0, s21  }
.LBB3_7:
0xea: {  	v8 =	vld [tilespmem:s22+$0x0];
	s30 =	sadd.s32 $0x10, s30  }
0xeb: {  	s31 =	sadd.s32 $0x10, s31;
	v9 =	vld [tilespmem:s30+$0x0]  }
0xec: {  	s2 =	sadd.s32 $0x10, s2;
	v10 =	vld [tilespmem:s31+$0x0]  }
0xed: {  	p2 =	slt.u32 s2, $0x1F30;
	_ =	sdelay $0x2  }
0xee: {  	v7 =	vadd.f32 v9, v7  }
0xef: {  	vm5 =	vne.s32 v8, $0xFFFFFFFF  }
0xf0: {  	vm6 =	vmand vm5, vm3;
	(xrf2) =	vadd.seg.scan.f32 vm5, v7;
	_ =	sdelay $0x5  }
0xf1: {  	vm7 =	veq.s32 v8, v5;
	vm5 =	veq.s32 v8, v3  }
0xf2: {  	vm8 =	vgt.u32 v8, $0xFFFFFFFD;
	vm4 =	vmor vm4, vm5;
	vm7 =	vmor vm7, vm5  }
0xf3: {  	vm7 =	vmor vm7, vm8  }
0xf4: {  	v8 =	vsel vm7, $0xFFFFFFFF, v8  }
.Ltmp13:
0xf5: {  	v7 =	vsel vm5, $0x0, v10;
	v9, _, _ =	vpop (xrf2);
	(pc) =	sbr.rel @p2 .LBB3_7-.Ltmp13, $4  }
0xf6: {  	v6 =	vsel vm5, v9, v6;
	v10 =	vadd.f32 v9, v7;
	v7 =	vsel vm6, $0x0, v9  }
0xf7: {  	s0 =	sadd.s32 $0x10, s0;
	v7 =	vshift.insert v7, v0, s21  }
0xf8: {  	s22 =	sadd.s32 $0x10, s22;
	[tilespmem:s0+$0x0] =	vst v10;
	(ifvalue) =	ssetifvalue $0xFFFFFFFF  }
0xf9: {  	[hbm4b:s1+s16] =	stream.indirect_vreg.scatter [tilespmem:s0], [sflag:$0x2], $0x1, v8, vm0, $0x4038;
	[tilespmem:$0x11A60] =	vst v63  }
0xfa: {  	v3 =	vld [tilespmem:s29+$0xFAF0];
	_ =	sdelay $0x4  }
0xfb: {  	v3 =	vshift.insert v3, v0, s21  }
0xfc: {  	s0 =	simm.s32 $0x30  }
0xfd: {  	[tilespmem:s0+$0x0] =	vst.msk $0x1, v3  }
0xfe: {  	v3 =	vsel vm4, $0x1, v1;
	[tilespmem:$0x90] =	vst v6  }
0xff: {  	s0 =	sadd.s32 @!p1 $0xFAFF, s29;
	[tilespmem:$0xA0] =	vst v3  }
0x100: {  	[spmem:s15] =	stream.linear.scatter @!p1 [tilespmem:s0], [sflag:$0x1], $0x1, $0x38;
	[tilespmem:$0x11A60] =	vst v63  }
0x101: {  	s0 =	simm.s32 @!p1 $0x1  }
0x102: {  	v3 =	vmctz.xlane @!p1 vm4;
	_ =	swait.ge @!p1 [sflag:s0], $0x1  }
0x103: {  	(v2sf) =	vpush @!p1 v4, $0x0  }
0x104: {  	(v2sf) =	vpush @!p1 v3, $0x0;
	_ =	sdelay $0xd  }
0x105: {  	s2 =	spop @!p1 (v2sf)  }
0x106: {  	s22 =	spop @!p1 (v2sf)  }
0x107: {  	p2 =	sne.s32 @!p1 s28, s2;
	p3 =	slt.s32 @!p1 s22, $0xF  }
0x108: {  	[sflag:s0] =	ssyncset.done @!p1 $0x0;
	p2 =	por p2, p1;
	p3 =	por !p3, p1  }
0x109: {  	[sflag:s0] =	ssyncadd.s32 @!p1 $0xFFFFFFFF;
	v3 =	vimm.s32 @!p2 $0xFFFFFFFF;
	s22 =	simm.s32 @p3 $0xF  }
0x10a: {  	[tilespmem:$0x80] =	vst @!p2 v3;
	s2 =	sadd.s32 @!p1 $0x90, s22  }
0x10b: {  	[spmem:s3] =	stream.linear.scatter @!p1 [tilespmem:s2], [sflag:$0x1], $0x1, $0x38;
	[tilespmem:$0x11A60] =	vst v63  }
0x10c: {  	_ =	swait.ge @!p1 [sflag:s0], $0x1  }
0x10d: {  	[sflag:s0] =	ssyncset.done @!p1 $0x0  }
0x10e: {  	s2 =	simm.s32 @!p1 $0x80;
	[sflag:s0] =	ssyncadd.s32 @!p1 $0xFFFFFFFF  }
0x10f: {  	[spmem:s13] =	stream.linear.scatter @!p1 [tilespmem:s2], [sflag:$0x1], $0x1, $0x38;
	[tilespmem:$0x11A60] =	vst v63  }
0x110: {  	_ =	swait.ge @!p1 [sflag:s0], $0x1  }
0x111: {  	[sflag:s0] =	ssyncset.done @!p1 $0x0  }
0x112: {  	[sflag:s0] =	ssyncadd.s32 @!p1 $0xFFFFFFFF;
	(ifvalue) =	ssetifvalue $0xFFFFFFFF;
	v3 =	vld [tilespmem:s25+$0x10];
	_ =	sdelay $0x3  }
.Ltmp14:
0x113: {  	_ = 	snop;
	(pc) =	sbr.rel .LBB3_9-.Ltmp14, $3  }
0x114: {  	_ =	sdelay $0x1  }
0x115: {  	(ifvalue) =	ssetifvalue $0xFFFFFFFF  }
0x116: {  	[hbm4b:s1+s16] =	stream.indirect_vreg.scatter [tilespmem:s26], [sflag:$0x9], $0x1, v3, vm0, $0x4038;
	[tilespmem:$0x11A60] =	vst v63  }
.LBB3_10:
0x117: {  	_ =	sfence.sel $0x180000  }
0x118: {  	s0 =	simm.s32 $0x7;
	[bflag:$0x0] =	sbarrier.arrive $0xFFFF  }
0x119: {  	s26 =	simm.s32 $0x8;
	[sflag:s0] =	ssyncpa.u1 $0x1  }
0x11a: {  	s28 =	simm.s32 $0x9;
	[sflag:s26] =	ssyncpa.u1 $0x1  }
0x11b: {  	[sflag:s28] =	ssyncpa.u1 $0x1  }
0x11c: {  	_ =	sfence.stream.spmem  }
0x11d: {  	s29 =	simm.s32 $0x3;
	[bflag:$0x0] =	sbarrier.arrive $0xFFFF  }
0x11e: {  	s30 =	simm.s32 $0x4;
	[sflag:s29] =	ssyncpa.u1 $0x1  }
0x11f: {  	s31 =	simm.s32 $0x3C;
	s2 =	stileid.u32;
	[sflag:s30] =	ssyncpa.u1 $0x1  }
0x120: {  	p0 =	sne.s32 s2, $0x0;
	[sflag:s31] =	ssyncpa.u1 $0x1  }
0x121: {  	s0 =	simm.s32 @p0 $0x1;
	_ =	sfence @p0  }
0x122: {  	[sflag:s0] =	ssyncpa.u1 @p0 $0x1;
	s0 =	simm.s32 @p0 $0x2  }
0x123: {  	[sflag:s0] =	ssyncpa.u1 @p0 $0x1  }
0x124: {  	_ =	strace @p0 $0x90000050  }
0x125: {  	[bflag:$0x2] =	sbarrier.arrive @p0 $0xFFFF  }
0x126: {  	_ =	shalt @p0  }
.LBB3_11:
0x127: {  	_ =	sfence.stream.spmem;
	s0 =	simm.s32 $0x5  }
0x128: {  	s2 =	simm.s32 $0x80;
	s3 =	simm.s32 $0xC0;
	[sflag:s0] =	ssyncpa.u1 $0x0  }
0x129: {  	[tilespmem:s3], [sflag:$0x5] =	stream.linear.gather [spmem:s2], $0x20, $0x38;
	[tilespmem:$0x11A60] =	vst v63  }
0x12a: {  	s2 =	simm.s32 $0x0;
	s3 =	simm.s32 $0xE0  }
0x12b: {  	[tilespmem:s3], [sflag:$0x5] =	stream.linear.gather [spmem:s2], $0x20, $0x38;
	[tilespmem:$0x11A60] =	vst v63  }
.Ltmp15:
0x12c: {  	_ = 	snop;
	(pc) =	sbr.rel .LBB3_12-.Ltmp15, $4  }
0x12d: {  	_ =	swait.ge [sflag:s0], $0x40  }
0x12e: {  	[sflag:s0] =	ssyncset.done $0x0  }
0x12f: {  	s31 =	simm.s32 $0x6;
	[sflag:s0] =	ssyncadd.s32 $0xFFFFFFC0  }
0x130: {  	s4 =	simm.s32 $0x0;
	[sflag:s31] =	ssyncpa.u1 $0x0  }
.LBB3_17:
0x131: {  	p0 =	sgt.u32 s5, $0x27FF  }
0x132: {  	s0 =	sshrl.u32 @!p0 s5, $0x3  }
0x133: {  	s5 =	sand.u32 @!p0 $0x7, s5;
	s6 =	simm.s32 @!p0 $0xB0;
	s0 =	sadd.s32 @!p0 s1, s0  }
0x134: {  	[tilespmem:s6], [sflag:$0x6] =	stream.linear.gather @!p0 [hbm4b:s0+s5], $0x1, $0x38;
	[tilespmem:$0x11A60] =	vst v63  }
0x135: {  	s0 =	simm.s32 @!p0 $0x6  }
0x136: {  	_ =	swait.ge @!p0 [sflag:s0], $0x1  }
0x137: {  	[sflag:s0] =	ssyncset.done @!p0 $0x0  }
0x138: {  	[sflag:s0] =	ssyncadd.s32 @!p0 $0xFFFFFFFF  }
0x139: {  	v2 =	vmov @!p0 s4;
	v1 =	vld.msk @!p0 [tilespmem:$0xB0], $0x1;
	_ =	sdelay $0x3  }
0x13a: {  	s0 =	simm.s32 @!p0 $0xE0  }
0x13b: {  	[tilespmem:v2+s0+$0x0], v1 =	vst.idx.ret.add.f32.msk @!p0 $0x1, v1  }
0x13c: {  	[tilespmem:s2+$0xC0] =	vst.msk $0x1, v0  }
0x13d: {  	v0 =	vld.msk [tilespmem:s4+$0xE0], $0x1;
	_ =	sdelay $0x4  }
0x13e: {  	[tilespmem:s2+$0xE0] =	vst.msk $0x1, v0;
	s2 =	sadd.s32 $0x1, s2  }
.LBB3_19:
0x13f: {  	s4 =	sadd.s32 $0x1, s4  }
0x140: {  	p0 =	sne.s32 s4, $0x20  }
.Ltmp16:
0x141: {  	_ = 	snop;
	(pc) =	sbr.rel @!p0 .LBB3_20-.Ltmp16, $1  }
0x142: {  	_ =	sdelay $0x3  }
.LBB3_12:
0x143: {  	v0 =	vld.msk [tilespmem:s4+$0xC0], $0x1;
	_ =	sdelay $0x4  }
0x144: {  	(v2sf) =	vpush v0, $0x0;
	_ =	sdelay $0xe  }
0x145: {  	s5 =	spop (v2sf)  }
0x146: {  	p0 =	seq.s32 s5, $0xFFFFFFFF  }
.Ltmp17:
0x147: {  	_ = 	snop;
	(pc) =	sbr.rel @p0 .LBB3_19-.Ltmp17, $1  }
0x148: {  	_ =	sdelay $0x3  }
0x149: {  	p0 =	slt.s32 s2, $0x1  }
.Ltmp18:
0x14a: {  	_ = 	snop;
	(pc) =	sbr.rel @p0 .LBB3_17-.Ltmp18, $1  }
0x14b: {  	_ =	sdelay $0x3  }
0x14c: {  	s0 =	simm.s32 $0xC0;
	p0 =	por $0x0, $0x0  }
0x14d: {  	v1 =	vld.msk @!p0 [tilespmem:s0+$0x0], $0x1;
	_ =	sdelay $0x4  }
0x14e: {  	(v2sf) =	vpush @!p0 v1, $0x0;
	_ =	sdelay $0xd  }
0x14f: {  	p2 =	sne.s32 s2, $0x1  }
.Ltmp19:
0x150: {  	s6 =	spop @!p0 (v2sf);
	(pc) =	sbr.rel @!p2 .LBB3_16-.Ltmp19, $4  }
0x151: {  	p1 =	seq.s32 @!p0 s5, s6  }
0x152: {  	s6 =	simm.s32 $0x0;
	p1 =	por !p1, p0  }
0x153: {  	s8 =	simm.s32 $0xFFFFFFFF;
	s6 =	simm.s32 @p1 $0xFFFFFFFF  }
0x154: {  	s7 =	simm.s32 $0x1;
	s6 =	smov.u32 @p0 s8  }
.LBB3_15:
0x155: {  	s8 =	smov.u32 s6;
	p0 =	sne.s32 s6, $0xFFFFFFFF  }
0x156: {  	s0 =	sadd.s32 $0x1, s0;
	s6 =	smov.u32 s7;
	s7 =	sadd.s32 $0x1, s7  }
0x157: {  	p1 =	sne.s32 s2, s7;
	v1 =	vld.msk @!p0 [tilespmem:s0+$0x0], $0x1;
	_ =	sdelay $0x4  }
0x158: {  	(v2sf) =	vpush @!p0 v1, $0x0;
	_ =	sdelay $0xe  }
.Ltmp20:
0x159: {  	s9 =	spop @!p0 (v2sf);
	(pc) =	sbr.rel @p1 .LBB3_15-.Ltmp20, $4  }
0x15a: {  	p2 =	seq.s32 @!p0 s5, s9  }
0x15b: {  	p2 =	por !p2, p0  }
0x15c: {  	s6 =	simm.s32 @p2 $0xFFFFFFFF  }
0x15d: {  	s6 =	smov.u32 @p0 s8  }
.LBB3_16:
0x15e: {  	p0 =	sne.s32 s6, $0xFFFFFFFF  }
.Ltmp21:
0x15f: {  	_ = 	snop;
	(pc) =	sbr.rel @!p0 .LBB3_17-.Ltmp21, $1  }
0x160: {  	_ =	sdelay $0x3  }
0x161: {  	v0 =	vld.msk [tilespmem:s4+$0xE0], $0x1;
	v1 =	vmov s6  }
.Ltmp22:
0x162: {  	_ = 	snop;
	(pc) =	sbr.rel .LBB3_19-.Ltmp22, $2  }
0x163: {  	_ =	sdelay $0x2  }
0x164: {  	[tilespmem:v1+s3+$0x0], v0 =	vst.idx.ret.add.f32.msk $0x1, v0  }
.LBB3_20:
0x165: {  	p0 =	slt.s32 s2, $0x1  }
.Ltmp23:
0x166: {  	_ = 	snop;
	(pc) =	sbr.rel @p0 .LBB3_24-.Ltmp23, $3  }
0x167: {  	_ =	sdelay $0x1  }
0x168: {  	s0 =	simm.s32 $0x6  }
0x169: {  	s3 =	simm.s32 $0x0;
	[sflag:s0] =	ssyncpa.u1 $0x1  }
0x16a: {  	s0 =	simm.s32 $0xC0  }
0x16b: {  	v0 =	vld.msk [tilespmem:s0+$0x0], $0x1;
	_ =	sdelay $0x4  }
0x16c: {  	(v2sf) =	vpush v0, $0x0;
	_ =	sdelay $0xe  }
0x16d: {  	s2 =	sadd.s32 $0xFFFFFFFF, s2;
	s4 =	spop (v2sf)  }
0x16e: {  	p1 =	sne.s32 s2, $0x0;
	p0 =	sgt.u32 s4, $0x27FF  }
.Ltmp24:
0x16f: {  	s5 =	sshrl.u32 @!p0 s4, $0x3;
	(pc) =	sbr.rel @!p1 .LBB3_23-.Ltmp24, $4  }
0x170: {  	s0 =	simm.s32 $0xE0;
	s4 =	sand.u32 @!p0 $0x7, s4;
	s5 =	sadd.s32 @!p0 s1, s5  }
0x171: {  	[hbm4b:s5+s4] =	stream.linear.scatter @!p0 [tilespmem:s0], [sflag:$0x5], $0x1, $0x38;
	[tilespmem:$0x11A60] =	vst v63  }
0x172: {  	s5 =	simm.s32 $0x0  }
0x173: {  	s4 =	simm.s32 $0xC1;
	s5 =	simm.s32 @!p0 $0x4  }
.LBB3_22:
0x174: {  	v0 =	vld.msk [tilespmem:s4+$0x0], $0x1;
	s2 =	sadd.s32 $0xFFFFFFFF, s2;
	s3 =	sadd.s32 s3, s5  }
0x175: {  	p0 =	sne.s32 s2, $0x0;
	_ =	sdelay $0x3  }
0x176: {  	(v2sf) =	vpush v0, $0x0;
	_ =	sdelay $0xe  }
.Ltmp25:
0x177: {  	s6 =	spop (v2sf);
	(pc) =	sbr.rel @p0 .LBB3_22-.Ltmp25, $4  }
0x178: {  	s5 =	simm.s32 $0x0;
	p1 =	sgt.u32 s6, $0x27FF  }
0x179: {  	s0 =	sadd.s32 $0x1, s0;
	s5 =	simm.s32 @!p1 $0x4;
	s7 =	sshrl.u32 @!p1 s6, $0x3  }
0x17a: {  	s4 =	sadd.s32 $0x1, s4;
	s6 =	sand.u32 @!p1 $0x7, s6;
	s7 =	sadd.s32 @!p1 s1, s7  }
0x17b: {  	[hbm4b:s7+s6] =	stream.linear.scatter @!p1 [tilespmem:s0], [sflag:$0x5], $0x1, $0x38;
	[tilespmem:$0x11A60] =	vst v63  }
.LBB3_23:
0x17c: {  	s0 =	sadd.s32 s3, s5  }
0x17d: {  	s3 =	sshrl.u32 s0, $0x2  }
.LBB3_24:
0x17e: {  	s0 =	simm.s32 $0x5  }
0x17f: {  	_ =	swait.ge [sflag:s0], s3  }
0x180: {  	s1 =	ssub.s32 $0x0, s3;
	[sflag:s0] =	ssyncset.done $0x0  }
0x181: {  	[sflag:s0] =	ssyncadd.s32 s1  }
0x182: {  	[sflag:s0] =	ssyncpa.u1 $0x1  }
0x183: {  	s29 =	simm.s32 $0x1;
	_ =	sfence  }
0x184: {  	s30 =	simm.s32 $0x2;
	[sflag:s29] =	ssyncpa.u1 $0x1  }
0x185: {  	[sflag:s30] =	ssyncpa.u1 $0x1  }
0x186: {  	_ =	strace $0x90000050  }
0x187: {  	[bflag:$0x2] =	sbarrier.arrive $0xFFFF  }
0x188: {  	s31 =	rddreg [dreg:$0x1]  }
0x189: {  	s0 =	sadd.s32 $0x100000, s31  }
0x18a: {  	[sflag:s0] =	ssyncadd.tile.s32 $0x1;
	_ =	shalt  }
.Lfunc_end3:
_tile_overlayer_lowered:
.L_overlay_start_3:
0x18b: {  	(tag) =	ssettag $0x3  }
0x18c: {  	s0 =	rddreg [dreg:$0x0];
	s2 =	stileid.u32  }
0x18d: {  	s1 =	rddreg [dreg:$0x1];
	p0 =	sne.s32 s2, $0x0  }
0x18e: {  	s3 =	rddreg [dreg:$0x2];
	[bflag:$0x3] =	sbarrier.arrive $0xFFFF;
	s2 =	simm.s32 @!p0 $0x1C01  }
0x18f: {  	[timem:s3], [sflag:s2] =	dma.local @!p0 [hbm:s0], s1  }
0x190: {  	s0 =	simm.s32 @!p0 $0x1  }
0x191: {  	_ =	swait.ge @!p0 [sflag:s0], s1  }
0x192: {  	s1 =	ssub.s32 @!p0 $0x0, s1;
	[sflag:s0] =	ssyncset.done @!p0 $0x0  }
0x193: {  	[sflag:s0] =	ssyncadd.s32 @!p0 s1  }
0x194: {  	[bflag:$0x3] =	sbarrier.arrive $0xFFFF  }
0x195: {  	_ =	shalt  }

// kernel: scatter_offload_async_start.2
scs
__scs_entry_jumppad:
0x0: {  	(pc) =	sbr.rel $0x88, $3  }
0x1: {  	(tag) =	ssettag $0x0;
	lr =	simm.s32 $0x1  }
0x2: {  	[smem:$0x3F96] =	sst lr;
	_ =	strace $0xD0000000  }
0x3: {  	_ = 	snop  }
0x4: {  	_ = 	snop  }
0x5: {  	_ = 	snop  }
0x6: {  	_ = 	snop  }
0x7: {  	_ = 	snop  }
__scs_overlays_trampoline_lowered:
0x8: {  	[smem:$0x3FA5] =	sst s0  }
0x9: {  	[smem:$0x3FA6] =	sst s1  }
0xa: {  	[smem:$0x3FA7] =	sst s2  }
0xb: {  	[smem:$0x3FA8] =	sst s3  }
0xc: {  	[smem:$0x3FA9] =	sst s4  }
0xd: {  	[smem:$0x3FAA] =	sst s5  }
0xe: {  	[smem:$0x3FAB] =	sst s6  }
0xf: {  	[smem:$0x3FAC] =	sst s7  }
0x10: {  	[smem:$0x3FAD] =	sst s8  }
0x11: {  	[smem:$0x3FAE] =	sst s9;
	s0 =	simm.s32 @!p0 $0x0  }
0x12: {  	s1 =	sld [smem:$0x3F94];
	s0 =	simm.s32 @p0 $0x1  }
0x13: {  	[smem:$0x3FAF] =	sst s0;
	s0 =	simm.s32 @!p1 $0x0  }
0x14: {  	s2 =	sld [smem:$0x3F93];
	s0 =	simm.s32 @p1 $0x1  }
0x15: {  	[smem:$0x3FB0] =	sst s0;
	s0 =	simm.s32 @!p2 $0x0  }
0x16: {  	s3 =	sld [smem:$0x3FDB];
	s0 =	simm.s32 @p2 $0x1  }
0x17: {  	s4 =	simm.s32 $0x1BF5;
	[smem:$0x3FB2] =	sst s0  }
0x18: {  	s0 =	sld [smem:$0x3F95];
	_ =	swait.ge [sflag:s4], $0x0  }
0x19: {  	s7 =	sld [smem:$0x3F96]  }
0x1a: {  	s8 =	sadd.s32 $0xFFFFE003, lr  }
0x1b: {  	s9 =	sadd.s32 $0xFFFFFEF7, lr;
	s5 =	simm.s32 $0xFFFFFFFF;
	p2 =	slt.u32 s8, $0xFFFFF086  }
0x1c: {  	p1 =	slt.u32 s9, $0xF7A;
	s5 =	simm.s32 @!p2 $0x0  }
0x1d: {  	s5 =	simm.s32 @p1 $0x1;
	p0 =	seq.s32 s7, s2  }
0x1e: {  	s7 =	smul.u32 @!p0 $0xF7A, s2;
	p2 =	seq.s32 @!p0 s5, $0x0  }
0x1f: {  	s9 =	smul.u32 $0xF7A, s1;
	s8 =	simm.s32 @!p0 $0x1BF5;
	p2 =	por !p2, p0  }
0x20: {  	[sflag:s8] =	ssyncset.s32 @!p0 $0xFFFFF086;
	s6 =	sadd.s32 @!p0 s3, s7;
	s7 =	simm.s32 @!p0 $0x108  }
0x21: {  	s3 =	sadd.s32 s3, s9;
	s6 =	sadd.s32 @!p0 $0x88, s6;
	s7 =	simm.s32 @p2 $0x1082  }
0x22: {  	[simem:s7], [sflag:s8] =	dma.local @!p0 [hbm:s6], $0xF7A  }
0x23: {  	s9 =	sor.u32 $0xD0000000, s2;
	s6 =	simm.s32 $0x108;
	_ =	swait.ge @!p0 [sflag:s8], $0x0  }
0x24: {  	s3 =	sadd.s32 $0x88, s3;
	s6 =	simm.s32 @!p1 $0x1082;
	[sflag:s4] =	ssyncset.s32 $0xFFFFF086  }
0x25: {  	[simem:s6], [sflag:s4] =	dma.local [hbm:s3], $0xF7A  }
0x26: {  	[smem:$0x3F96] =	sst s1;
	(tag) =	ssettag s2;
	_ =	strace s9  }
0x27: {  	s1 =	sld [smem:$0x3FA6]  }
0x28: {  	s2 =	sld [smem:$0x3FA7]  }
0x29: {  	s4 =	sld [smem:$0x3FA9]  }
0x2a: {  	p0 =	seq.s32 s5, $0x0;
	s5 =	sld [smem:$0x3FAA]  }
0x2b: {  	s6 =	sld [smem:$0x3FAB]  }
0x2c: {  	s7 =	sld [smem:$0x3FAC]  }
0x2d: {  	s3 =	simm.s32 $0x108;
	s8 =	sld [smem:$0x3FAD]  }
0x2e: {  	s3 =	simm.s32 @!p0 $0x1082;
	s9 =	sld [smem:$0x3FAE]  }
0x2f: {  	lr =	sadd.s32 s0, s3;
	s0 =	sld [smem:$0x3FA5]  }
0x30: {  	s3 =	sld [smem:$0x3FA8]  }
0x31: {  	[smem:$0x3FB1] =	sst s10  }
0x32: {  	s10 =	sld [smem:$0x3FAF];
	_ =	sdelay $0x3  }
0x33: {  	p0 =	seq.s32 s10, $0x1;
	s10 =	sld [smem:$0x3FB1];
	_ =	sdelay $0x3  }
0x34: {  	[smem:$0x3FB1] =	sst s10  }
0x35: {  	s10 =	sld [smem:$0x3FB0];
	_ =	sdelay $0x3  }
0x36: {  	p1 =	seq.s32 s10, $0x1;
	s10 =	sld [smem:$0x3FB1];
	_ =	sdelay $0x3  }
0x37: {  	[smem:$0x3FB1] =	sst s10  }
0x38: {  	s10 =	sld [smem:$0x3FB2]  }
0x39: {  	_ = 	snop;
	(pc) =	sbr.ind lr, $3  }
0x3a: {  	_ = 	snop  }
0x3b: {  	_ = 	snop  }
0x3c: {  	p2 =	seq.s32 s10, $0x1;
	s10 =	sld [smem:$0x3FB1]  }
0x3d: {  	_ =	shalt  }
0x3e: {  	_ =	shalt  }
0x3f: {  	_ =	shalt  }
0x40: {  	_ =	shalt  }
0x41: {  	_ =	shalt  }
0x42: {  	_ =	shalt  }
0x43: {  	_ =	shalt  }
0x44: {  	_ =	shalt  }
0x45: {  	_ =	shalt  }
0x46: {  	_ =	shalt  }
0x47: {  	_ =	shalt  }
0x48: {  	_ =	shalt  }
0x49: {  	_ =	shalt  }
0x4a: {  	_ =	shalt  }
0x4b: {  	_ =	shalt  }
0x4c: {  	_ =	shalt  }
0x4d: {  	_ =	shalt  }
0x4e: {  	_ =	shalt  }
0x4f: {  	_ =	shalt  }
0x50: {  	_ =	shalt  }
0x51: {  	_ =	shalt  }
0x52: {  	_ =	shalt  }
0x53: {  	_ =	shalt  }
0x54: {  	_ =	shalt  }
0x55: {  	_ =	shalt  }
0x56: {  	_ =	shalt  }
0x57: {  	_ =	shalt  }
0x58: {  	_ =	shalt  }
0x59: {  	_ =	shalt  }
0x5a: {  	_ =	shalt  }
0x5b: {  	_ =	shalt  }
0x5c: {  	_ =	shalt  }
0x5d: {  	_ =	shalt  }
0x5e: {  	_ =	shalt  }
0x5f: {  	_ =	shalt  }
0x60: {  	_ =	shalt  }
0x61: {  	_ =	shalt  }
0x62: {  	_ =	shalt  }
0x63: {  	_ =	shalt  }
0x64: {  	_ =	shalt  }
0x65: {  	_ =	shalt  }
0x66: {  	_ =	shalt  }
0x67: {  	_ =	shalt  }
0x68: {  	_ =	shalt  }
0x69: {  	_ =	shalt  }
0x6a: {  	_ =	shalt  }
0x6b: {  	_ =	shalt  }
0x6c: {  	_ =	shalt  }
0x6d: {  	_ =	shalt  }
0x6e: {  	_ =	shalt  }
0x6f: {  	_ =	shalt  }
0x70: {  	_ =	shalt  }
0x71: {  	_ =	shalt  }
0x72: {  	_ =	shalt  }
0x73: {  	_ =	shalt  }
0x74: {  	_ =	shalt  }
0x75: {  	_ =	shalt  }
0x76: {  	_ =	shalt  }
0x77: {  	_ =	shalt  }
0x78: {  	_ =	shalt  }
0x79: {  	_ =	shalt  }
0x7a: {  	_ =	shalt  }
0x7b: {  	_ =	shalt  }
0x7c: {  	_ =	shalt  }
0x7d: {  	_ =	shalt  }
0x7e: {  	_ =	shalt  }
0x7f: {  	_ =	shalt  }
0x80: {  	_ =	shalt  }
0x81: {  	_ =	shalt  }
0x82: {  	_ =	shalt  }
0x83: {  	_ =	shalt  }
0x84: {  	_ =	shalt  }
0x85: {  	_ =	shalt  }
0x86: {  	_ =	shalt  }
0x87: {  	_ =	shalt  }
.Lfunc_end0:
.L_simem_size_0:
called_computation.2_lowered:
.L_overlay_start_0:
0x88: {  	s0 =	sld [smem:$0x3FD9]  }
0x89: {  	s1 =	sld [smem:$0x3FFE];
	_ =	sdelay $0x3  }
0x8a: {  	s0 =	sadd.s32 s1, s0  }
0x8b: {  	[smem:$0x3FBD] =	sst s0  }
0x8c: {  	_ = 	snop  }
0x8d: {  	s0 =	sld [smem:$0x3FD0];
	_ =	sdelay $0x2  }
0x8e: {  	s13 =	simm.s32 $0x11;
	s2 =	simm.s32 $0x10  }
0x8f: {  	[smem:s2], [sflag:s13] =	dma.local [hbm:s0], $0x1  }
0x90: {  	_ =	swait.eq [sflag:s13], $0x1  }
0x91: {  	[sflag:s13] =	ssyncset.done $0x0  }
0x92: {  	[sflag:s13] =	ssyncadd.s32 $0xFFFFFFFF  }
0x93: {  	s1 =	sld [smem:$0x10];
	(tm) =	ssettm $0x1  }
0x94: {  	s14 =	sld [smem:$0x3FFB];
	_ =	sdelay $0x3  }
0x95: {  	_ =	strace s14  }
0x96: {  	s0 =	sld [smem:$0x3FFC];
	_ =	sdelay $0x3  }
0x97: {  	_ =	strace s0  }
0x98: {  	s0 =	sld [smem:$0x3FFD];
	_ =	sdelay $0x3  }
0x99: {  	_ =	strace s0  }
0x9a: {  	_ =	strace $0x8FFFFFFF  }
0x9b: {  	s15 =	sld [smem:$0x3FDB];
	_ =	sdelay $0x1  }
0x9c: {  	s16 =	simm.s32 $_scs_section_size  }
0x9d: {  	s3 =	simm.s32 $_size__tile_overlayer_lowered;
	s4 =	simm.s32 $_tile_overlayer_lowered  }
0x9e: {  	s5 =	simm.s32 $0x1BFF;
	s17 =	sshll.u32 s4, $0x1;
	s2 =	sadd.s32 s16, s15  }
0x9f: {  	s18 =	simm.s32 $0x0;
	s3 =	sshll.u32 s3, $0x1;
	s4 =	sadd.s32 s17, s2  }
0xa0: {  	[timem:s18], [sflag:s5] =	dma.local [hbm:s4], s3  }
0xa1: {  	_ =	swait.ge [sflag:s5], s3  }
0xa2: {  	s3 =	ssub.s32 $0x0, s3;
	[sflag:s5] =	ssyncset.done $0x0  }
0xa3: {  	[sflag:s5] =	ssyncadd.s32 s3;
	_ =	sdelay $0x1  }
0xa4: {  	s19 =	simm.s32 $0x1B8B  }
0xa5: {  	_ =	swait.ge [sflag:s19], $0x1  }
0xa6: {  	[sflag:s19] =	ssyncset.done $0x0  }
0xa7: {  	s21 =	simm.s32 $0x1B8E;
	s20 =	sld [smem:$0x3FFE];
	[sflag:s19] =	ssyncadd.s32 $0xFFFFFFFF  }
0xa8: {  	s22 =	simm.s32 $execute0_lowered;
	[smem:$0x3FD2] =	sst s21  }
0xa9: {  	s4 =	sshll.u32 s22, $0x1;
	_ =	strace $0x8000005E;
	[dreg:$0x1] =	wrdreg $0xFFFFFFFF  }
0xaa: {  	s23 =	simm.s32 $_size_execute0_lowered;
	s4 =	sadd.s32 s2, s4;
	[dreg:$0x0] =	wrdreg $0x0  }
0xab: {  	s5 =	sshll.u32 s23, $0x1;
	[dreg:$0x2] =	wrdreg s4  }
0xac: {  	[dreg:$0x3] =	wrdreg s5  }
0xad: {  	[dreg:$0x4] =	wrdreg $0xC0  }
0xae: {  	s24 =	simm.s32 $execute1_lowered;
	_ =	task [dreg:s18], $0x5FFFF  }
0xaf: {  	s4 =	sshll.u32 s24, $0x1;
	[dreg:$0x1] =	wrdreg $0xFFFFFFFF  }
0xb0: {  	s2 =	sadd.s32 s2, s4;
	[dreg:$0x0] =	wrdreg $0x60  }
0xb1: {  	[dreg:$0x2] =	wrdreg s2  }
0xb2: {  	[dreg:$0x3] =	wrdreg s20  }
0xb3: {  	[dreg:$0x4] =	wrdreg $0xD  }
0xb4: {  	_ =	task.clear_ibuf [dreg:s18], $0x5FFFF;
	_ =	strace $0x9000005E  }
0xb5: {  	s25 =	simm.s32 $0xD;
	_ =	strace $0x80000060  }
0xb6: {  	_ =	swait.ge [sflag:s25], $0x1  }
0xb7: {  	[sflag:s25] =	ssyncadd.s32 $0xFFFFFFFF  }
0xb8: {  	_ =	strace $0x90000060  }
0xb9: {  	_ =	strace $0x80000061;
	[dreg:$0x1] =	wrdreg $0xFFFFFFFF  }
0xba: {  	[dreg:$0x0] =	wrdreg $0x2030  }
0xbb: {  	[dreg:$0x2] =	wrdreg s20  }
0xbc: {  	[dreg:$0x3] =	wrdreg s1  }
0xbd: {  	[dreg:$0x4] =	wrdreg $0xE  }
0xbe: {  	_ =	task.clear_ibuf [dreg:s18], $0x5FFFF;
	_ =	strace $0x90000061  }
0xbf: {  	s26 =	simm.s32 $0xE;
	_ =	strace $0x80000063  }
0xc0: {  	_ =	swait.ge [sflag:s26], $0x1  }
0xc1: {  	[sflag:s26] =	ssyncadd.s32 $0xFFFFFFFF  }
0xc2: {  	_ =	strace $0x90000063  }
0xc3: {  	_ =	sfence  }
0xc4: {  	s28 =	sld [smem:$0x0];
	_ =	sdelay $0x1  }
0xc5: {  	s29 =	srdreg.scid  }
0xc6: {  	s30 =	sshll.u32 s29, $0xD;
	s31 =	sshrl.u32 s29, $0x2  }
0xc7: {  	s3 =	sand.u32 $0x4000, s30;
	s2 =	sand.u32 $0x1, s29;
	s1 =	sadd.s32 s31, s28  }
0xc8: {  	s2 =	sor.u32 s3, s2;
	s1 =	sshll.u32 s1, $0x11  }
0xc9: {  	s1 =	sor.u32 s1, s2  }
0xca: {  	s1 =	sadd.s32 $0x8F2B, s1  }
0xcb: {  	[sflag:s1] =	ssyncadd.remote.s32 $0x1  }
0xcc: {  	_ =	sfence.sel $0xFFFF  }
0xcd: {  	[dreg:$0x0] =	wrdreg $0xFFFFFFFF;
	(pc) =	sbr.abs _section_cstart, $3  }
0xce: {  	[dreg:$0x1] =	wrdreg $0xFFFFFFFF  }
0xcf: {  	_ =	task.clear_ibuf [dreg:s18], $0x2FFFF;
	_ =	strace $0x9FFFFFFF  }
0xd0: {  	(tm) =	ssettm $0x7FFFFFFF  }
0xd1: {  	_ =	shalt  }
tec
execute0_lowered:
.L_overlay_start_1:
0x0: {  	(tag) =	ssettag $0x1  }
0x1: {  	s2 =	rddreg [dreg:$0x0]  }
0x2: {  	s4 =	rddreg [dreg:$0x1]  }
0x3: {  	s0 =	rddreg [dreg:$0x2];
	s3 =	stileid.u32  }
0x4: {  	[bflag:$0x3] =	sbarrier.arrive $0xFFFF;
	s1 =	simm.s32 $_size_execute1_lowered;
	p0 =	sne.s32 s3, $0x0  }
0x5: {  	s1 =	sshll.u32 s1, $0x1;
	s5 =	simm.s32 @!p0 $0x1C3F;
	s6 =	simm.s32 @!p0 $0x4060  }
0x6: {  	[timem:s6], [sflag:s5] =	dma.local @!p0 [hbm:s2], s1  }
0x7: {  	s2 =	smul.u32 $0x280, s3  }
.Ltmp0:
0x8: {  	s31 =	simm.s32 $0x2;
	s7 =	simm.s32 $0x280;
	(pc) =	sbr.rel .LBB2_1-.Ltmp0, $4  }
0x9: {  	s8 =	simm.s32 $0x780;
	s10 =	simm.s32 $0x0;
	s9 =	simm.s32 $0x0  }
0xa: {  	s3 =	simm.s32 $0x1;
	_ =	strace $0x8000005F;
	s30 =	sshrl.u32 s2, $0x3  }
0xb: {  	s6 =	simm.s32 $0x0;
	[sflag:s3] =	ssyncpa.u1 $0x0;
	s5 =	sadd.s32 s30, s4  }
0xc: {  	s4 =	sadd.s32 $0xBC00, s4;
	[sflag:s31] =	ssyncpa.u1 $0x0;
	s5 =	sadd.s32 $0xAA00, s5  }
.LBB2_8:
0xd: {  	p1 =	seq.s32 s9, $0x2  }
.Ltmp1:
0xe: {  	_ = 	snop;
	(pc) =	sbr.rel @p1 .LBB2_10-.Ltmp1, $1  }
0xf: {  	_ =	sdelay $0x3  }
.LBB2_9:
0x10: {  	s9 =	sadd.s32 $0x1, s9;
	s10 =	smov.u32 s2  }
.LBB2_1:
0x11: {  	p1 =	sne.s32 s9, $0x0  }
.Ltmp2:
0x12: {  	_ = 	snop;
	(pc) =	sbr.rel @!p1 .LBB2_2-.Ltmp2, $1  }
0x13: {  	_ =	sdelay $0x3  }
0x14: {  	s11 =	sand.u32 $0x1, s9  }
0x15: {  	p1 =	seq.s32 s11, $0x0  }
.Ltmp3:
0x16: {  	_ = 	snop;
	(pc) =	sbr.rel @p1 .LBB2_8-.Ltmp3, $1  }
0x17: {  	_ =	sdelay $0x3  }
0x18: {  	_ =	swait.ge [sflag:s3], $0x280  }
0x19: {  	[sflag:s3] =	ssyncset.done $0x0  }
0x1a: {  	s11 =	simm.s32 $0x0;
	p1 =	por $0x1, $0x1;
	[sflag:s3] =	ssyncadd.s32 $0xFFFFFD80  }
.LBB2_5:
0x1b: {  	v0 =	vld [tilespmem:s11+$0x280]  }
0x1c: {  	v1 =	vld [tilespmem:s11+$0x290]  }
0x1d: {  	v2 =	vld [tilespmem:s11+$0x2A0]  }
0x1e: {  	v3 =	vld [tilespmem:s11+$0x2B0]  }
0x1f: {  	v4 =	vld [tilespmem:s11+$0x2C0]  }
0x20: {  	v53 =	vld [tilespmem:s11+$0x2D0];
	[tilespmem:s11+$0x780] =	vst v0  }
0x21: {  	v54 =	vld [tilespmem:s11+$0x2E0];
	[tilespmem:s11+$0x790] =	vst v1  }
0x22: {  	v55 =	vld [tilespmem:s11+$0x2F0];
	[tilespmem:s11+$0x7A0] =	vst v2  }
0x23: {  	v56 =	vld [tilespmem:s11+$0x300];
	[tilespmem:s11+$0x7B0] =	vst v3  }
0x24: {  	v57 =	vld [tilespmem:s11+$0x310];
	[tilespmem:s11+$0x7C0] =	vst v4  }
0x25: {  	v58 =	vld [tilespmem:s11+$0x320];
	[tilespmem:s11+$0x7D0] =	vst v53  }
0x26: {  	v59 =	vld [tilespmem:s11+$0x330];
	[tilespmem:s11+$0x7E0] =	vst v54  }
0x27: {  	v60 =	vld [tilespmem:s11+$0x340];
	[tilespmem:s11+$0x7F0] =	vst v55  }
0x28: {  	v61 =	vld [tilespmem:s11+$0x350];
	[tilespmem:s11+$0x800] =	vst v56  }
0x29: {  	v62 =	vld [tilespmem:s11+$0x360];
	[tilespmem:s11+$0x810] =	vst v57  }
0x2a: {  	v63 =	vld [tilespmem:s11+$0x370];
	p2 =	por p1, p1;
	[tilespmem:s11+$0x820] =	vst v58  }
.Ltmp4:
0x2b: {  	[tilespmem:s11+$0x830] =	vst v59;
	(pc) =	sbr.rel @p2 .LBB2_5-.Ltmp4, $4  }
0x2c: {  	[tilespmem:s11+$0x840] =	vst v60  }
0x2d: {  	[tilespmem:s11+$0x850] =	vst v61  }
0x2e: {  	s12 =	simm.s32 $0x1F0;
	s13 =	simm.s32 $0x980;
	[tilespmem:s11+$0x860] =	vst v62  }
0x2f: {  	s14 =	simm.s32 $0x480;
	p1 =	por $0x0, $0x0;
	[tilespmem:s11+$0x870] =	vst v63;
	s11 =	simm.s32 $0x100  }
.LBB2_6:
0x30: {  	s12 =	sadd.s32 $0x10, s12  }
0x31: {  	v0 =	vld [tilespmem:s14+$0x0];
	p1 =	slt.u32 s12, $0x270  }
.Ltmp5:
0x32: {  	_ = 	snop;
	(pc) =	sbr.rel @p1 .LBB2_6-.Ltmp5, $2  }
0x33: {  	_ =	sdelay $0x2  }
0x34: {  	s14 =	sadd.s32 $0x10, s14;
	[tilespmem:s13+$0x0] =	vst v0;
	s13 =	sadd.s32 $0x10, s13  }
.Ltmp6:
0x35: {  	(pc) =	sbr.rel .LBB2_8-.Ltmp6, $4  }
0x36: {  	_ = 	snop  }
0x37: {  	s10 =	sshrl.u32 s10, $0x3  }
0x38: {  	s10 =	sadd.s32 s4, s10  }
0x39: {  	[hbm4b:s10+s6] =	stream.linear.scatter [tilespmem:s8], [sflag:$0x2], $0x280, $0x38;
	[tilespmem:$0xA00] =	vst v63  }
.LBB2_2:
.Ltmp7:
0x3a: {  	(pc) =	sbr.rel .LBB2_9-.Ltmp7, $2  }
0x3b: {  	_ =	sdelay $0x2  }
0x3c: {  	[tilespmem:s7], [sflag:$0x1] =	stream.linear.gather [hbm4b:s5+s6], $0x280, $0x38;
	[tilespmem:$0xA00] =	vst v63  }
.LBB2_10:
0x3d: {  	s2 =	simm.s32 $0x2  }
0x3e: {  	_ =	swait.ge [sflag:s2], $0x280  }
0x3f: {  	[sflag:s2] =	ssyncset.done $0x0  }
0x40: {  	[sflag:s2] =	ssyncadd.s32 $0xFFFFFD80  }
0x41: {  	_ =	sfence.sel $0x180000  }
0x42: {  	s3 =	simm.s32 $0x1;
	[bflag:$0x0] =	sbarrier.arrive $0xFFFF  }
0x43: {  	[sflag:s3] =	ssyncpa.u1 $0x1  }
0x44: {  	[sflag:s2] =	ssyncpa.u1 $0x1  }
0x45: {  	_ =	strace $0x9000005F  }
0x46: {  	s0 =	sadd.s32 @!p0 $0x100000, s0;
	[bflag:$0x2] =	sbarrier.arrive $0xFFFF  }
0x47: {  	[sflag:s0] =	ssyncadd.tile.s32 @!p0 $0x1;
	s0 =	simm.s32 @!p0 $0x3F  }
0x48: {  	_ =	swait.ge @!p0 [sflag:s0], s1  }
0x49: {  	s1 =	ssub.s32 @!p0 $0x0, s1;
	[sflag:s0] =	ssyncset.done @!p0 $0x0  }
0x4a: {  	[sflag:s0] =	ssyncadd.s32 @!p0 s1  }
0x4b: {  	[bflag:$0x3] =	sbarrier.arrive $0xFFFF  }
0x4c: {  	_ =	shalt  }
.Lfunc_end2:
execute1_lowered:
.L_overlay_start_2:
0x4d: {  	(tag) =	ssettag $0x2  }
0x4e: {  	s0 =	rddreg [dreg:$0x0]  }
0x4f: {  	s3 =	rddreg [dreg:$0x1];
	_ =	strace $0x80000062;
	s15 =	stileid.u32  }
0x50: {  	s2 =	simm.s32 $0x1;
	s1 =	smin.u32 s15, $0x8;
	s4 =	sshll.u32 s15, $0x1  }
0x51: {  	v1 =	vimm.s32 $0xFFFFFFFF;
	[sflag:s2] =	ssyncpa.u1 $0x0;
	s1 =	sadd.s32 s1, s4  }
0x52: {  	p0 =	slt.u32 s15, $0x8;
	[tilespmem:$0x10] =	vst v1;
	s5 =	smul.u32 $0x1F40, s1;
	s1 =	simm.s32 $0x5DC0  }
0x53: {  	v0 =	vimm.f32 $0.0e+00;
	[tilespmem:$0x20] =	vst v1;
	s1 =	simm.s32 @!p0 $0x3E80  }
0x54: {  	[tilespmem:$0x30] =	vst v0;
	s1 =	sadd.s32 s1, s5  }
0x55: {  	[tilespmem:$0x40] =	vst v0;
	s6 =	smin.u32 s1, $0x4E200  }
0x56: {  	s7 =	simm.s32 $0x2;
	[tilespmem:$0x50] =	vst v0;
	s9 =	ssub.s32 s6, s5  }
0x57: {  	s8 =	simm.s32 $0x8;
	s31 =	simm.s32 $0x9;
	[tilespmem:$0x60] =	vst v1;
	p0 =	sgt.s32 s9, $0x0  }
0x58: {  	s16 =	simm.s32 $0x0;
	s17 =	simm.s32 $0xF0;
	[tilespmem:$0x70] =	vst v1;
	s9 =	simm.s32 @!p0 $0x0  }
0x59: {  	s18 =	simm.s32 $0xFFFFFFFF;
	s19 =	simm.s32 $0xFFFFC280;
	[tilespmem:$0x80] =	vst v1;
	s30 =	smulhi.u32 $0x10624DD3, s9  }
0x5a: {  	s20 =	simm.s32 $0xFFFFFFFE;
	s21 =	simm.s32 $0xF;
	s25 =	simm.s32 $0x0;
	v1 =	vimm.s32 $0x0;
	[tilespmem:$0xB0] =	vst v0  }
0x5b: {  	s24 =	simm.s32 $0x0;
	s15 =	sshllo.u32 s15, $0x1;
	[tilespmem:$0x90] =	vst v1;
	s10 =	sshrl.u32 s30, $0x9  }
0x5c: {  	[tilespmem:$0xA0] =	vst v1;
	[sflag:s7] =	ssyncpa.u1 $0x0;
	s7 =	simm.s32 $0x7;
	s11 =	smul.u32 $0x1F40, s10  }
.Ltmp8:
0x5d: {  	s13 =	sor.u32 $0x80, s4;
	[sflag:s7] =	ssyncpa.u1 $0x0;
	(pc) =	sbr.rel .LBB3_1-.Ltmp8, $4  }
0x5e: {  	s14 =	sor.u32 $0x81, s4;
	[sflag:s8] =	ssyncpa.u1 $0x0;
	p0 =	sne.s32 s9, s11  }
0x5f: {  	s23 =	smov.u32 s5;
	s1 =	sadd.s32 $0xBC00, s0;
	s2 =	simm.s32 @!p0 $0x0  }
0x60: {  	vm0 =	vmmov $0xffff;
	v2 =	vlaneseq.u32;
	[sflag:s31] =	ssyncpa.u1 $0x0;
	s9 =	sadd.s32 $0x11000, s0;
	s10 =	sadd.s32 s2, s10  }
0x61: {  	vm1 =	vmxor vm1, vm1;
	vm2 =	vmmov $0x1;
	vm3 =	vcmask $0x3F3C;
	p0 =	por $0x0, $0x0;
	s11 =	sadd.s32 $0x1, s10;
	s12 =	sadd.s32 $0x2, s10  }
.LBB3_9:
0x62: {  	p1 =	slt.u32 s24, $0x3  }
0x63: {  	s0 =	simm.s32 @!p1 $0x2  }
0x64: {  	_ =	swait.ge @!p1 [sflag:s0], $0x1F40  }
0x65: {  	[sflag:s0] =	ssyncset.done @!p1 $0x0  }
0x66: {  	[sflag:s0] =	ssyncadd.s32 @!p1 $0xFFFFE0C0;
	s0 =	simm.s32 @!p1 $0x9  }
0x67: {  	_ =	swait.ge @!p1 [sflag:s0], $0x10  }
0x68: {  	[sflag:s0] =	ssyncset.done @!p1 $0x0  }
0x69: {  	[sflag:s0] =	ssyncadd.s32 @!p1 $0xFFFFFFF0;
	p1 =	sne.s32 s24, s12  }
.Ltmp9:
0x6a: {  	s2 =	sadd.s32 $0x1F40, s23;
	(pc) =	sbr.rel @!p1 .LBB3_10-.Ltmp9, $4  }
0x6b: {  	s22 =	smov.u32 s5;
	s31 =	sadd.s32 $0x1, s24;
	s17 =	sadd.s32 $0x1F40, s17  }
0x6c: {  	s18 =	sadd.s32 $0x1, s18;
	s25 =	smov.u32 s23;
	p2 =	slt.s32 s2, s6  }
0x6d: {  	p0 =	por !p0, !p0;
	s19 =	sadd.s32 $0x1F40, s19;
	s22 =	smov.u32 @p2 s2  }
0x6e: {  	s20 =	sadd.s32 $0x1, s20;
	s23 =	smov.u32 s22;
	s24 =	smov.u32 s31  }
.LBB3_1:
0x6f: {  	p1 =	sge.u32 s24, s10  }
0x70: {  	s0 =	smulhi.u32 @!p1 $0xAAAAAAAB, s24;
	_ =	sdelay $0x1  }
0x71: {  	s0 =	sshrl.u32 @!p1 s0, $0x1  }
0x72: {  	s0 =	smul.u32 @!p1 $0x3, s0;
	_ =	sdelay $0x1  }
0x73: {  	s0 =	ssub.s32 @!p1 s24, s0  }
0x74: {  	s0 =	smul.u32 @!p1 $0x7D00, s0;
	_ =	sdelay $0x1  }
0x75: {  	s2 =	sshrl.u32 @!p1 s23, $0x3;
	s0 =	sshrl.u32 @!p1 s0, $0x2  }
0x76: {  	s22 =	sand.u32 @!p1 $0x7, s23;
	s2 =	sadd.s32 @!p1 s3, s2;
	s0 =	sadd.s32 @!p1 $0x100, s0  }
0x77: {  	[tilespmem:s0], [sflag:$0x7] =	stream.linear.gather @!p1 [hbm4b:s2+s22], $0x1F40, $0x38;
	[tilespmem:$0x11A60] =	vst v63  }
0x78: {  	s0 =	sadd.s32 $0xFFFFFFFF, s24  }
0x79: {  	p1 =	sge.u32 s0, s10  }
.Ltmp10:
0x7a: {  	_ = 	snop;
	(pc) =	sbr.rel @p1 .LBB3_5-.Ltmp10, $1  }
0x7b: {  	_ =	sdelay $0x3  }
0x7c: {  	s2 =	smulhi.u32 $0xAAAAAAAB, s0;
	_ =	sdelay $0x1  }
0x7d: {  	s2 =	sshrl.u32 s2, $0x1  }
0x7e: {  	s2 =	smul.u32 $0x3, s2;
	_ =	sdelay $0x1  }
0x7f: {  	s2 =	ssub.s32 s0, s2  }
0x80: {  	s2 =	smul.u32 $0x7D00, s2  }
0x81: {  	_ =	swait.ge [sflag:s7], $0x1F40  }
0x82: {  	[sflag:s7] =	ssyncset.done $0x0;
	s2 =	sshrl.u32 s2, $0x2  }
0x83: {  	[sflag:s7] =	ssyncadd.s32 $0xFFFFE0C0;
	(ifvalue) =	ssetifvalue $0xFFFFFFFF;
	v3 =	vld.msk [tilespmem:s2+$0x100 ss:$0x1], $0xffff;
	_ =	sdelay $0x2  }
0x84: {  	s30 =	smulhi.u32 $0xAAAAAAAB, s18;
	p1 =	sne.s32 s24, $0x1  }
0x85: {  	v4 =	vimm.s32 @!p1 $0x0  }
0x86: {  	s2 =	sshrl.u32 s30, $0x1;
	v4 =	vperm.xlane @!p1 v3, v4  }
0x87: {  	s22 =	sshll.u32 s24, $0x4;
	s2 =	smul.u32 $0xFFFE8900, s2;
	vm4 =	vlt.u32 v3, $0x2800  }
0x88: {  	s22 =	sand.u32 $0x10, s22;
	v3 =	vnsel vm4, $0xFFFFFFFE, v3;
	vm4 =	vlt.u32 @!p1 v4, $0x2800  }
0x89: {  	s2 =	sshra.s32 s2, $0x2;
	[tilespmem:s22+$0x60] =	vst v3;
	v3 =	vnsel @!p1 vm4, $0xFFFFFFFE, v4  }
0x8a: {  	s28 =	sadd.s32 s2, s17;
	[tilespmem:$0x80] =	vst @!p1 v3  }
0x8b: {  	v3 =	vld.msk [tilespmem:s28+$0x0 ss:$0x1], $0xffff;
	_ =	sdelay $0x4  }
0x8c: {  	(xrf1) =	vunique.msk.u32 $0xffff, v3;
	_ =	sdelay $0xd  }
0x8d: {  	v4 =	vimm.s32 $0xFFFFFFFF;
	v5, _, _ =	vpop (xrf1)  }
0x8e: {  	vm5 =	vne.s32 v3, v4;
	vm4 =	veq.s32 v5, v2  }
0x8f: {  	vm6 =	vlt.u32 v3, $0x2800;
	vm4 =	vmand vm5, vm4  }
0x90: {  	vm4 =	vmand vm6, vm4  }
0x91: {  	v4 =	vnsel vm4, $0xFFFFFFFF, v3  }
0x92: {  	s31 =	sand.u32 $0x1, s0  }
0x93: {  	s0 =	simm.s32 $0x1F40;
	p1 =	seq.s32 s31, $0x1  }
0x94: {  	s0 =	simm.s32 @!p1 $0x0  }
0x95: {  	s26 =	sadd.s32 $0x7DF0, s0;
	(ifvalue) =	ssetifvalue $0xFFFFFFFF  }
0x96: {  	v3 =	vperm.xlane v3, v1;
	[tilespmem:s26], [sflag:$0x8] =	stream.indirect_vreg.gather [hbm4b:s1+s16], $0x1, v4, vm0, $0x4038;
	v4 =	vnsel vm6, $0xFFFFFFFE, v4;
	[tilespmem:$0x11A60] =	vst v63  }
0x97: {  	s2 =	simm.s32 $0x0;
	s22 =	sadd.s32 $0xFFFFFFF0, s28;
	[tilespmem:s28+$0x0] =	vst v4  }
.LBB3_3:
0x98: {  	v4 =	vld.msk [tilespmem:s22+$0x0 ss:$0x1], $0xffff;
	s2 =	sadd.s32 $0x10, s2;
	v5 =	vmov v3;
	s28 =	smov.u32 s22  }
0x99: {  	p1 =	slt.u32 s2, $0x1F30;
	_ =	sdelay $0x4  }
0x9a: {  	v3 =	vperm.xlane v4, v1;
	(xrf1) =	vunique.msk.u32 $0xffff, v4;
	_ =	sdelay $0xd  }
0x9b: {  	v6, _, _ =	vpop (xrf1)  }
0x9c: {  	vm5 =	vne.s32 v4, v5;
	vm4 =	veq.s32 v6, v2  }
0x9d: {  	vm6 =	vlt.u32 v4, $0x2800;
	vm4 =	vmand vm5, vm4  }
0x9e: {  	vm4 =	vmand vm6, vm4  }
0x9f: {  	v4 =	vnsel vm4, $0xFFFFFFFF, v4  }
.Ltmp11:
0xa0: {  	v5 =	vnsel vm6, $0xFFFFFFFE, v4;
	(pc) =	sbr.rel @p1 .LBB3_3-.Ltmp11, $3  }
0xa1: {  	_ =	sdelay $0x1  }
0xa2: {  	s22 =	sadd.s32 $0xFFFFFFF0, s22;
	s26 =	sadd.s32 $0xFFFFFFF0, s26;
	(ifvalue) =	ssetifvalue $0xFFFFFFFF  }
0xa3: {  	[tilespmem:s26], [sflag:$0x8] =	stream.indirect_vreg.gather [hbm4b:s1+s16], $0x1, v4, vm0, $0x4038;
	[tilespmem:s28+$0x0] =	vst v5  }
0xa4: {  	s2 =	sshrl.u32 s25, $0x3  }
0xa5: {  	s0 =	sadd.s32 $0x9D40, s0;
	s2 =	sadd.s32 s9, s2  }
0xa6: {  	[tilespmem:s0], [sflag:$0x8] =	stream.linear.gather [hbm:s2], $0x1F40, $0x38;
	[tilespmem:$0x11A60] =	vst v63  }
.LBB3_5:
0xa7: {  	p1 =	slt.u32 s24, $0x2  }
0xa8: {  	p2 =	sge.u32 @!p1 s24, s12  }
0xa9: {  	p1 =	por p1, p2  }
.Ltmp12:
0xaa: {  	_ = 	snop;
	(pc) =	sbr.rel @p1 .LBB3_9-.Ltmp12, $1  }
0xab: {  	_ =	sdelay $0x3  }
0xac: {  	s0 =	sadd.s32 $0xFFFFFFFE, s24  }
0xad: {  	s2 =	smulhi.u32 $0xAAAAAAAB, s0;
	_ =	sdelay $0x1  }
0xae: {  	s2 =	sshrl.u32 s2, $0x1  }
0xaf: {  	s2 =	smul.u32 $0x3, s2;
	_ =	sdelay $0x1  }
0xb0: {  	s0 =	ssub.s32 s0, s2  }
0xb1: {  	_ =	swait.ge [sflag:s8], $0x3E80;
	s0 =	smul.u32 $0x1F40, s0  }
0xb2: {  	p1 =	sne.s32 s24, s11;
	[sflag:s8] =	ssyncset.done $0x0  }
0xb3: {  	[sflag:s8] =	ssyncadd.s32 $0xFFFFC180;
	s2 =	sadd.s32 @!p1 $0x203F, s0  }
0xb4: {  	[spmem:s14] =	stream.linear.scatter @!p1 [tilespmem:s2], [sflag:$0x1], $0x1, $0x38;
	[tilespmem:$0x11A60] =	vst v63  }
0xb5: {  	s2 =	simm.s32 @!p1 $0x1  }
0xb6: {  	_ =	swait.ge @!p1 [sflag:s2], $0x1  }
0xb7: {  	s22 =	sshll.u32 s24, $0x4;
	[sflag:s2] =	ssyncset.done @!p1 $0x0  }
0xb8: {  	s25 =	sand.u32 $0x10, s22;
	[sflag:s2] =	ssyncadd.s32 @!p1 $0xFFFFFFFF  }
0xb9: {  	s2 =	sxor.u32 $0x10, s25;
	v4 =	vld [tilespmem:s25+$0x10]  }
0xba: {  	v5 =	vld [tilespmem:s2+$0x60]  }
0xbb: {  	v3 =	vld [tilespmem:$0x80];
	_ =	sdelay $0x2  }
0xbc: {  	(v2sf) =	vpush v4, $0x0  }
0xbd: {  	(v2sf) =	vpush v5, $0x0  }
0xbe: {  	(v2sf) =	vpush v3, $0x0;
	_ =	sdelay $0xc  }
0xbf: {  	s22 =	spop (v2sf)  }
0xc0: {  	s26 =	spop (v2sf)  }
0xc1: {  	s28 =	spop (v2sf)  }
0xc2: {  	p2 =	seq.s32 s22, s26;
	p3 =	seq.s32 s28, s22  }
0xc3: {  	p3 =	por p2, p3  }
0xc4: {  	s26 =	sand.u32 $0x1, s24;
	v4 =	vpsel p3, $0xFFFFFFFF, v4  }
0xc5: {  	s29 =	smul.u32 $0x1F40, s26;
	[tilespmem:s25+$0x10] =	vst.msk $0x1, v4  }
0xc6: {  	v4 =	vld [tilespmem:$0x30]  }
0xc7: {  	v5 =	vld [tilespmem:s29+$0x9D40]  }
0xc8: {  	v6 =	vld [tilespmem:s25+$0x40];
	_ =	sdelay $0x3  }
0xc9: {  	vm4 =	vmmov vm1;
	v5 =	vadd.f32 v5, v4  }
0xca: {  	vm5 =	vmmov vm2;
	vm4 =	vmmov @p2 vm2;
	s22 =	sshll.u32 s26, $0x4;
	v4 =	vadd.f32 v6, v4  }
0xcb: {  	s26 =	sor.u32 $0x11A40, s22;
	vm5 =	vmmov @p3 vm1;
	[tilespmem:s29+$0x9D40] =	vst.msk vm4, v5  }
0xcc: {  	[tilespmem:s26+$0x0] =	vst.msk vm5, v4  }
0xcd: {  	v4 =	vld [tilespmem:s29+$0x7DF0];
	_ =	sdelay $0x3  }
0xce: {  	v5 =	vimm.f32 $0.0e+00  }
0xcf: {  	v4 =	vshift.insert v4, v5, s21  }
0xd0: {  	s22 =	sor.u32 $0x40, s2  }
0xd1: {  	[tilespmem:s22+$0x0] =	vst.msk $0x1, v4  }
0xd2: {  	[tilespmem:s29+$0x7DFF] =	vst.msk $0x1, v5  }
0xd3: {  	v4 =	vld [tilespmem:s0+$0x2030];
	_ =	sdelay $0x1  }
0xd4: {  	s22 =	smulhi.u32 $0xAAAAAAAB, s20;
	s0 =	simm.s32 $0x1  }
0xd5: {  	s0 =	simm.s32 @!p0 $0x0  }
0xd6: {  	s22 =	sshrl.u32 s22, $0x1;
	s0 =	smul.u32 $0x7D00, s0  }
0xd7: {  	s22 =	smul.u32 $0xFFFE8900, s22;
	v4 =	vshift.insert v4, v1, s21  }
0xd8: {  	s0 =	sshrl.u32 s0, $0x2  }
0xd9: {  	s22 =	sshra.s32 s22, $0x2;
	s30 =	sadd.s32 $0x9D40, s0;
	[tilespmem:s2+$0x10] =	vst.msk $0x1, v4  }
0xda: {  	s22 =	sadd.s32 s22, s19;
	v6 =	vld [tilespmem:s30+$0x0]  }
0xdb: {  	v7 =	vld [tilespmem:s22+$0x0];
	_ =	sdelay $0x3  }
0xdc: {  	v5 =	vadd.f32 v6, v5  }
0xdd: {  	vm4 =	vne.s32 v7, $0xFFFFFFFF  }
0xde: {  	(xrf2) =	vadd.seg.scan.f32 vm4, v5;
	_ =	sdelay $0x3  }
0xdf: {  	s31 =	sadd.s32 $0x5EC0, s0;
	v5 =	vperm.xlane v4, v1  }
0xe0: {  	v6 =	vld [tilespmem:s31+$0x0]  }
0xe1: {  	vm5 =	veq.s32 v7, v3;
	vm6 =	veq.s32 v7, v5  }
0xe2: {  	vm7 =	vgt.u32 v7, $0xFFFFFFFD;
	vm6 =	vmor vm6, vm5  }
0xe3: {  	vm6 =	vmor vm6, vm7  }
0xe4: {  	v9 =	vld [tilespmem:$0xA0];
	v7 =	vsel vm6, $0xFFFFFFFF, v7  }
0xe5: {  	v10 =	vld [tilespmem:$0x90];
	v6 =	vsel vm5, $0x0, v6;
	v8, _, _ =	vpop (xrf2)  }
0xe6: {  	v6 =	vadd.f32 v8, v6  }
0xe7: {  	s0 =	sadd.s32 $0xDBC0, s0  }
0xe8: {  	vm4 =	vmand vm4, vm3;
	[tilespmem:s0+$0x0] =	vst v6;
	(ifvalue) =	ssetifvalue $0xFFFFFFFF  }
0xe9: {  	vm6 =	veq.s32 v9, $0x1;
	[hbm4b:s1+s16] =	stream.indirect_vreg.scatter [tilespmem:s0], [sflag:$0x2], $0x1, v7, vm0, $0x4038;
	v7 =	vsel vm4, $0x0, v8;
	[tilespmem:$0x11A60] =	vst v63  }
0xea: {  	s2 =	simm.s32 $0x0;
	s22 =	sadd.s32 $0x10, s22;
	vm4 =	vmor vm6, vm5;
	v6 =	vsel vm5, v8, v10;
	v7 =	vshift.insert v7, v0, s21  }
.LBB3_7:
0xeb: {  	v8 =	vld [tilespmem:s22+$0x0];
	s30 =	sadd.s32 $0x10, s30  }
0xec: {  	s31 =	sadd.s32 $0x10, s31;
	v9 =	vld [tilespmem:s30+$0x0]  }
0xed: {  	s2 =	sadd.s32 $0x10, s2;
	v10 =	vld [tilespmem:s31+$0x0]  }
0xee: {  	p2 =	slt.u32 s2, $0x1F30;
	_ =	sdelay $0x2  }
0xef: {  	v7 =	vadd.f32 v9, v7  }
0xf0: {  	vm5 =	vne.s32 v8, $0xFFFFFFFF  }
0xf1: {  	vm6 =	vmand vm5, vm3;
	(xrf2) =	vadd.seg.scan.f32 vm5, v7;
	_ =	sdelay $0x5  }
0xf2: {  	vm7 =	veq.s32 v8, v5;
	vm5 =	veq.s32 v8, v3  }
0xf3: {  	vm8 =	vgt.u32 v8, $0xFFFFFFFD;
	vm4 =	vmor vm4, vm5;
	vm7 =	vmor vm7, vm5  }
0xf4: {  	vm7 =	vmor vm7, vm8  }
0xf5: {  	v8 =	vsel vm7, $0xFFFFFFFF, v8  }
.Ltmp13:
0xf6: {  	v7 =	vsel vm5, $0x0, v10;
	v9, _, _ =	vpop (xrf2);
	(pc) =	sbr.rel @p2 .LBB3_7-.Ltmp13, $4  }
0xf7: {  	v6 =	vsel vm5, v9, v6;
	v10 =	vadd.f32 v9, v7;
	v7 =	vsel vm6, $0x0, v9  }
0xf8: {  	s0 =	sadd.s32 $0x10, s0;
	v7 =	vshift.insert v7, v0, s21  }
0xf9: {  	s22 =	sadd.s32 $0x10, s22;
	[tilespmem:s0+$0x0] =	vst v10;
	(ifvalue) =	ssetifvalue $0xFFFFFFFF  }
0xfa: {  	[hbm4b:s1+s16] =	stream.indirect_vreg.scatter [tilespmem:s0], [sflag:$0x2], $0x1, v8, vm0, $0x4038;
	[tilespmem:$0x11A60] =	vst v63  }
0xfb: {  	v3 =	vld [tilespmem:s29+$0xFAF0];
	_ =	sdelay $0x4  }
0xfc: {  	v3 =	vshift.insert v3, v0, s21  }
0xfd: {  	s0 =	simm.s32 $0x30  }
0xfe: {  	[tilespmem:s0+$0x0] =	vst.msk $0x1, v3  }
0xff: {  	v3 =	vsel vm4, $0x1, v1;
	[tilespmem:$0x90] =	vst v6  }
0x100: {  	s0 =	sadd.s32 @!p1 $0xFAFF, s29;
	[tilespmem:$0xA0] =	vst v3  }
0x101: {  	[spmem:s15] =	stream.linear.scatter @!p1 [tilespmem:s0], [sflag:$0x1], $0x1, $0x38;
	[tilespmem:$0x11A60] =	vst v63  }
0x102: {  	s0 =	simm.s32 @!p1 $0x1  }
0x103: {  	v3 =	vmctz.xlane @!p1 vm4;
	_ =	swait.ge @!p1 [sflag:s0], $0x1  }
0x104: {  	(v2sf) =	vpush @!p1 v4, $0x0  }
0x105: {  	(v2sf) =	vpush @!p1 v3, $0x0;
	_ =	sdelay $0xd  }
0x106: {  	s2 =	spop @!p1 (v2sf)  }
0x107: {  	s22 =	spop @!p1 (v2sf)  }
0x108: {  	p2 =	sne.s32 @!p1 s28, s2;
	p3 =	slt.s32 @!p1 s22, $0xF  }
0x109: {  	[sflag:s0] =	ssyncset.done @!p1 $0x0;
	p2 =	por p2, p1;
	p3 =	por !p3, p1  }
0x10a: {  	[sflag:s0] =	ssyncadd.s32 @!p1 $0xFFFFFFFF;
	v3 =	vimm.s32 @!p2 $0xFFFFFFFF;
	s22 =	simm.s32 @p3 $0xF  }
0x10b: {  	[tilespmem:$0x80] =	vst @!p2 v3;
	s2 =	sadd.s32 @!p1 $0x90, s22  }
0x10c: {  	[spmem:s4] =	stream.linear.scatter @!p1 [tilespmem:s2], [sflag:$0x1], $0x1, $0x38;
	[tilespmem:$0x11A60] =	vst v63  }
0x10d: {  	_ =	swait.ge @!p1 [sflag:s0], $0x1  }
0x10e: {  	[sflag:s0] =	ssyncset.done @!p1 $0x0  }
0x10f: {  	s2 =	simm.s32 @!p1 $0x80;
	[sflag:s0] =	ssyncadd.s32 @!p1 $0xFFFFFFFF  }
0x110: {  	[spmem:s13] =	stream.linear.scatter @!p1 [tilespmem:s2], [sflag:$0x1], $0x1, $0x38;
	[tilespmem:$0x11A60] =	vst v63  }
0x111: {  	_ =	swait.ge @!p1 [sflag:s0], $0x1  }
0x112: {  	[sflag:s0] =	ssyncset.done @!p1 $0x0  }
0x113: {  	[sflag:s0] =	ssyncadd.s32 @!p1 $0xFFFFFFFF;
	(ifvalue) =	ssetifvalue $0xFFFFFFFF;
	v3 =	vld [tilespmem:s25+$0x10];
	_ =	sdelay $0x3  }
.Ltmp14:
0x114: {  	_ = 	snop;
	(pc) =	sbr.rel .LBB3_9-.Ltmp14, $3  }
0x115: {  	_ =	sdelay $0x1  }
0x116: {  	(ifvalue) =	ssetifvalue $0xFFFFFFFF  }
0x117: {  	[hbm4b:s1+s16] =	stream.indirect_vreg.scatter [tilespmem:s26], [sflag:$0x9], $0x1, v3, vm0, $0x4038;
	[tilespmem:$0x11A60] =	vst v63  }
.LBB3_10:
0x118: {  	_ =	sfence.sel $0x180000  }
0x119: {  	s0 =	simm.s32 $0x7;
	[bflag:$0x0] =	sbarrier.arrive $0xFFFF  }
0x11a: {  	s26 =	simm.s32 $0x8;
	[sflag:s0] =	ssyncpa.u1 $0x1  }
0x11b: {  	s28 =	simm.s32 $0x9;
	[sflag:s26] =	ssyncpa.u1 $0x1  }
0x11c: {  	[sflag:s28] =	ssyncpa.u1 $0x1  }
0x11d: {  	_ =	sfence.stream.spmem  }
0x11e: {  	s29 =	simm.s32 $0x3;
	[bflag:$0x0] =	sbarrier.arrive $0xFFFF  }
0x11f: {  	s30 =	simm.s32 $0x4;
	[sflag:s29] =	ssyncpa.u1 $0x1  }
0x120: {  	s31 =	simm.s32 $0x3C;
	s2 =	stileid.u32;
	[sflag:s30] =	ssyncpa.u1 $0x1  }
0x121: {  	p0 =	sne.s32 s2, $0x0;
	[sflag:s31] =	ssyncpa.u1 $0x1  }
0x122: {  	s0 =	simm.s32 @p0 $0x1;
	_ =	sfence @p0  }
0x123: {  	[sflag:s0] =	ssyncpa.u1 @p0 $0x1;
	s0 =	simm.s32 @p0 $0x2  }
0x124: {  	[sflag:s0] =	ssyncpa.u1 @p0 $0x1  }
0x125: {  	_ =	strace @p0 $0x90000062  }
0x126: {  	[bflag:$0x2] =	sbarrier.arrive @p0 $0xFFFF  }
0x127: {  	_ =	shalt @p0  }
.LBB3_11:
0x128: {  	_ =	sfence.stream.spmem;
	s0 =	simm.s32 $0x5  }
0x129: {  	s2 =	simm.s32 $0x80;
	s3 =	simm.s32 $0xC0;
	[sflag:s0] =	ssyncpa.u1 $0x0  }
0x12a: {  	[tilespmem:s3], [sflag:$0x5] =	stream.linear.gather [spmem:s2], $0x20, $0x38;
	[tilespmem:$0x11A60] =	vst v63  }
0x12b: {  	s2 =	simm.s32 $0x0;
	s3 =	simm.s32 $0xE0  }
0x12c: {  	[tilespmem:s3], [sflag:$0x5] =	stream.linear.gather [spmem:s2], $0x20, $0x38;
	[tilespmem:$0x11A60] =	vst v63  }
.Ltmp15:
0x12d: {  	_ = 	snop;
	(pc) =	sbr.rel .LBB3_12-.Ltmp15, $4  }
0x12e: {  	_ =	swait.ge [sflag:s0], $0x40  }
0x12f: {  	[sflag:s0] =	ssyncset.done $0x0  }
0x130: {  	s31 =	simm.s32 $0x6;
	[sflag:s0] =	ssyncadd.s32 $0xFFFFFFC0  }
0x131: {  	s4 =	simm.s32 $0x0;
	[sflag:s31] =	ssyncpa.u1 $0x0  }
.LBB3_17:
0x132: {  	p0 =	sgt.u32 s5, $0x27FF  }
0x133: {  	s0 =	sshrl.u32 @!p0 s5, $0x3  }
0x134: {  	s5 =	sand.u32 @!p0 $0x7, s5;
	s6 =	simm.s32 @!p0 $0xB0;
	s0 =	sadd.s32 @!p0 s1, s0  }
0x135: {  	[tilespmem:s6], [sflag:$0x6] =	stream.linear.gather @!p0 [hbm4b:s0+s5], $0x1, $0x38;
	[tilespmem:$0x11A60] =	vst v63  }
0x136: {  	s0 =	simm.s32 @!p0 $0x6  }
0x137: {  	_ =	swait.ge @!p0 [sflag:s0], $0x1  }
0x138: {  	[sflag:s0] =	ssyncset.done @!p0 $0x0  }
0x139: {  	[sflag:s0] =	ssyncadd.s32 @!p0 $0xFFFFFFFF  }
0x13a: {  	v2 =	vmov @!p0 s4;
	v1 =	vld.msk @!p0 [tilespmem:$0xB0], $0x1;
	_ =	sdelay $0x3  }
0x13b: {  	s0 =	simm.s32 @!p0 $0xE0  }
0x13c: {  	[tilespmem:v2+s0+$0x0], v1 =	vst.idx.ret.add.f32.msk @!p0 $0x1, v1  }
0x13d: {  	[tilespmem:s2+$0xC0] =	vst.msk $0x1, v0  }
0x13e: {  	v0 =	vld.msk [tilespmem:s4+$0xE0], $0x1;
	_ =	sdelay $0x4  }
0x13f: {  	[tilespmem:s2+$0xE0] =	vst.msk $0x1, v0;
	s2 =	sadd.s32 $0x1, s2  }
.LBB3_19:
0x140: {  	s4 =	sadd.s32 $0x1, s4  }
0x141: {  	p0 =	sne.s32 s4, $0x20  }
.Ltmp16:
0x142: {  	_ = 	snop;
	(pc) =	sbr.rel @!p0 .LBB3_20-.Ltmp16, $1  }
0x143: {  	_ =	sdelay $0x3  }
.LBB3_12:
0x144: {  	v0 =	vld.msk [tilespmem:s4+$0xC0], $0x1;
	_ =	sdelay $0x4  }
0x145: {  	(v2sf) =	vpush v0, $0x0;
	_ =	sdelay $0xe  }
0x146: {  	s5 =	spop (v2sf)  }
0x147: {  	p0 =	seq.s32 s5, $0xFFFFFFFF  }
.Ltmp17:
0x148: {  	_ = 	snop;
	(pc) =	sbr.rel @p0 .LBB3_19-.Ltmp17, $1  }
0x149: {  	_ =	sdelay $0x3  }
0x14a: {  	p0 =	slt.s32 s2, $0x1  }
.Ltmp18:
0x14b: {  	_ = 	snop;
	(pc) =	sbr.rel @p0 .LBB3_17-.Ltmp18, $1  }
0x14c: {  	_ =	sdelay $0x3  }
0x14d: {  	s0 =	simm.s32 $0xC0;
	p0 =	por $0x0, $0x0  }
0x14e: {  	v1 =	vld.msk @!p0 [tilespmem:s0+$0x0], $0x1;
	_ =	sdelay $0x4  }
0x14f: {  	(v2sf) =	vpush @!p0 v1, $0x0;
	_ =	sdelay $0xd  }
0x150: {  	p2 =	sne.s32 s2, $0x1  }
.Ltmp19:
0x151: {  	s6 =	spop @!p0 (v2sf);
	(pc) =	sbr.rel @!p2 .LBB3_16-.Ltmp19, $4  }
0x152: {  	p1 =	seq.s32 @!p0 s5, s6  }
0x153: {  	s6 =	simm.s32 $0x0;
	p1 =	por !p1, p0  }
0x154: {  	s8 =	simm.s32 $0xFFFFFFFF;
	s6 =	simm.s32 @p1 $0xFFFFFFFF  }
0x155: {  	s7 =	simm.s32 $0x1;
	s6 =	smov.u32 @p0 s8  }
.LBB3_15:
0x156: {  	s8 =	smov.u32 s6;
	p0 =	sne.s32 s6, $0xFFFFFFFF  }
0x157: {  	s0 =	sadd.s32 $0x1, s0;
	s6 =	smov.u32 s7;
	s7 =	sadd.s32 $0x1, s7  }
0x158: {  	p1 =	sne.s32 s2, s7;
	v1 =	vld.msk @!p0 [tilespmem:s0+$0x0], $0x1;
	_ =	sdelay $0x4  }
0x159: {  	(v2sf) =	vpush @!p0 v1, $0x0;
	_ =	sdelay $0xe  }
.Ltmp20:
0x15a: {  	s9 =	spop @!p0 (v2sf);
	(pc) =	sbr.rel @p1 .LBB3_15-.Ltmp20, $4  }
0x15b: {  	p2 =	seq.s32 @!p0 s5, s9  }
0x15c: {  	p2 =	por !p2, p0  }
0x15d: {  	s6 =	simm.s32 @p2 $0xFFFFFFFF  }
0x15e: {  	s6 =	smov.u32 @p0 s8  }
.LBB3_16:
0x15f: {  	p0 =	sne.s32 s6, $0xFFFFFFFF  }
.Ltmp21:
0x160: {  	_ = 	snop;
	(pc) =	sbr.rel @!p0 .LBB3_17-.Ltmp21, $1  }
0x161: {  	_ =	sdelay $0x3  }
0x162: {  	v0 =	vld.msk [tilespmem:s4+$0xE0], $0x1;
	v1 =	vmov s6  }
.Ltmp22:
0x163: {  	_ = 	snop;
	(pc) =	sbr.rel .LBB3_19-.Ltmp22, $2  }
0x164: {  	_ =	sdelay $0x2  }
0x165: {  	[tilespmem:v1+s3+$0x0], v0 =	vst.idx.ret.add.f32.msk $0x1, v0  }
.LBB3_20:
0x166: {  	p0 =	slt.s32 s2, $0x1  }
.Ltmp23:
0x167: {  	_ = 	snop;
	(pc) =	sbr.rel @p0 .LBB3_24-.Ltmp23, $3  }
0x168: {  	_ =	sdelay $0x1  }
0x169: {  	s0 =	simm.s32 $0x6  }
0x16a: {  	s3 =	simm.s32 $0x0;
	[sflag:s0] =	ssyncpa.u1 $0x1  }
0x16b: {  	s0 =	simm.s32 $0xC0  }
0x16c: {  	v0 =	vld.msk [tilespmem:s0+$0x0], $0x1;
	_ =	sdelay $0x4  }
0x16d: {  	(v2sf) =	vpush v0, $0x0;
	_ =	sdelay $0xe  }
0x16e: {  	s2 =	sadd.s32 $0xFFFFFFFF, s2;
	s4 =	spop (v2sf)  }
0x16f: {  	p1 =	sne.s32 s2, $0x0;
	p0 =	sgt.u32 s4, $0x27FF  }
.Ltmp24:
0x170: {  	s5 =	sshrl.u32 @!p0 s4, $0x3;
	(pc) =	sbr.rel @!p1 .LBB3_23-.Ltmp24, $4  }
0x171: {  	s0 =	simm.s32 $0xE0;
	s4 =	sand.u32 @!p0 $0x7, s4;
	s5 =	sadd.s32 @!p0 s1, s5  }
0x172: {  	[hbm4b:s5+s4] =	stream.linear.scatter @!p0 [tilespmem:s0], [sflag:$0x5], $0x1, $0x38;
	[tilespmem:$0x11A60] =	vst v63  }
0x173: {  	s5 =	simm.s32 $0x0  }
0x174: {  	s4 =	simm.s32 $0xC1;
	s5 =	simm.s32 @!p0 $0x4  }
.LBB3_22:
0x175: {  	v0 =	vld.msk [tilespmem:s4+$0x0], $0x1;
	s2 =	sadd.s32 $0xFFFFFFFF, s2;
	s3 =	sadd.s32 s3, s5  }
0x176: {  	p0 =	sne.s32 s2, $0x0;
	_ =	sdelay $0x3  }
0x177: {  	(v2sf) =	vpush v0, $0x0;
	_ =	sdelay $0xe  }
.Ltmp25:
0x178: {  	s6 =	spop (v2sf);
	(pc) =	sbr.rel @p0 .LBB3_22-.Ltmp25, $4  }
0x179: {  	s5 =	simm.s32 $0x0;
	p1 =	sgt.u32 s6, $0x27FF  }
0x17a: {  	s0 =	sadd.s32 $0x1, s0;
	s5 =	simm.s32 @!p1 $0x4;
	s7 =	sshrl.u32 @!p1 s6, $0x3  }
0x17b: {  	s4 =	sadd.s32 $0x1, s4;
	s6 =	sand.u32 @!p1 $0x7, s6;
	s7 =	sadd.s32 @!p1 s1, s7  }
0x17c: {  	[hbm4b:s7+s6] =	stream.linear.scatter @!p1 [tilespmem:s0], [sflag:$0x5], $0x1, $0x38;
	[tilespmem:$0x11A60] =	vst v63  }
.LBB3_23:
0x17d: {  	s0 =	sadd.s32 s3, s5  }
0x17e: {  	s3 =	sshrl.u32 s0, $0x2  }
.LBB3_24:
0x17f: {  	s0 =	simm.s32 $0x5  }
0x180: {  	_ =	swait.ge [sflag:s0], s3  }
0x181: {  	s1 =	ssub.s32 $0x0, s3;
	[sflag:s0] =	ssyncset.done $0x0  }
0x182: {  	[sflag:s0] =	ssyncadd.s32 s1  }
0x183: {  	[sflag:s0] =	ssyncpa.u1 $0x1  }
0x184: {  	s29 =	simm.s32 $0x1;
	_ =	sfence  }
0x185: {  	s30 =	simm.s32 $0x2;
	[sflag:s29] =	ssyncpa.u1 $0x1  }
0x186: {  	[sflag:s30] =	ssyncpa.u1 $0x1  }
0x187: {  	_ =	strace $0x90000062  }
0x188: {  	[bflag:$0x2] =	sbarrier.arrive $0xFFFF  }
0x189: {  	s31 =	rddreg [dreg:$0x2]  }
0x18a: {  	s0 =	sadd.s32 $0x100000, s31  }
0x18b: {  	[sflag:s0] =	ssyncadd.tile.s32 $0x1;
	_ =	shalt  }
.Lfunc_end3:
_tile_overlayer_lowered:
.L_overlay_start_3:
0x18c: {  	(tag) =	ssettag $0x3  }
0x18d: {  	s0 =	rddreg [dreg:$0x0];
	s2 =	stileid.u32  }
0x18e: {  	s1 =	rddreg [dreg:$0x1];
	p0 =	sne.s32 s2, $0x0  }
0x18f: {  	s3 =	rddreg [dreg:$0x2];
	[bflag:$0x3] =	sbarrier.arrive $0xFFFF;
	s2 =	simm.s32 @!p0 $0x1C01  }
0x190: {  	[timem:s3], [sflag:s2] =	dma.local @!p0 [hbm:s0], s1  }
0x191: {  	s0 =	simm.s32 @!p0 $0x1  }
0x192: {  	_ =	swait.ge @!p0 [sflag:s0], s1  }
0x193: {  	s1 =	ssub.s32 @!p0 $0x0, s1;
	[sflag:s0] =	ssyncset.done @!p0 $0x0  }
0x194: {  	[sflag:s0] =	ssyncadd.s32 @!p0 s1  }
0x195: {  	[bflag:$0x3] =	sbarrier.arrive $0xFFFF  }
0x196: {  	_ =	shalt  }

// kernel: scatter_offload_async_start.3
scs
__scs_entry_jumppad:
0x0: {  	(pc) =	sbr.rel $0x88, $3  }
0x1: {  	(tag) =	ssettag $0x0;
	lr =	simm.s32 $0x1  }
0x2: {  	[smem:$0x3F96] =	sst lr;
	_ =	strace $0xD0000000  }
0x3: {  	_ = 	snop  }
0x4: {  	_ = 	snop  }
0x5: {  	_ = 	snop  }
0x6: {  	_ = 	snop  }
0x7: {  	_ = 	snop  }
__scs_overlays_trampoline_lowered:
0x8: {  	[smem:$0x3FA5] =	sst s0  }
0x9: {  	[smem:$0x3FA6] =	sst s1  }
0xa: {  	[smem:$0x3FA7] =	sst s2  }
0xb: {  	[smem:$0x3FA8] =	sst s3  }
0xc: {  	[smem:$0x3FA9] =	sst s4  }
0xd: {  	[smem:$0x3FAA] =	sst s5  }
0xe: {  	[smem:$0x3FAB] =	sst s6  }
0xf: {  	[smem:$0x3FAC] =	sst s7  }
0x10: {  	[smem:$0x3FAD] =	sst s8  }
0x11: {  	[smem:$0x3FAE] =	sst s9;
	s0 =	simm.s32 @!p0 $0x0  }
0x12: {  	s1 =	sld [smem:$0x3F94];
	s0 =	simm.s32 @p0 $0x1  }
0x13: {  	[smem:$0x3FAF] =	sst s0;
	s0 =	simm.s32 @!p1 $0x0  }
0x14: {  	s2 =	sld [smem:$0x3F93];
	s0 =	simm.s32 @p1 $0x1  }
0x15: {  	[smem:$0x3FB0] =	sst s0;
	s0 =	simm.s32 @!p2 $0x0  }
0x16: {  	s3 =	sld [smem:$0x3FDB];
	s0 =	simm.s32 @p2 $0x1  }
0x17: {  	s4 =	simm.s32 $0x1BF5;
	[smem:$0x3FB2] =	sst s0  }
0x18: {  	s0 =	sld [smem:$0x3F95];
	_ =	swait.ge [sflag:s4], $0x0  }
0x19: {  	s7 =	sld [smem:$0x3F96]  }
0x1a: {  	s8 =	sadd.s32 $0xFFFFE003, lr  }
0x1b: {  	s9 =	sadd.s32 $0xFFFFFEF7, lr;
	s5 =	simm.s32 $0xFFFFFFFF;
	p2 =	slt.u32 s8, $0xFFFFF086  }
0x1c: {  	p1 =	slt.u32 s9, $0xF7A;
	s5 =	simm.s32 @!p2 $0x0  }
0x1d: {  	s5 =	simm.s32 @p1 $0x1;
	p0 =	seq.s32 s7, s2  }
0x1e: {  	s7 =	smul.u32 @!p0 $0xF7A, s2;
	p2 =	seq.s32 @!p0 s5, $0x0  }
0x1f: {  	s9 =	smul.u32 $0xF7A, s1;
	s8 =	simm.s32 @!p0 $0x1BF5;
	p2 =	por !p2, p0  }
0x20: {  	[sflag:s8] =	ssyncset.s32 @!p0 $0xFFFFF086;
	s6 =	sadd.s32 @!p0 s3, s7;
	s7 =	simm.s32 @!p0 $0x108  }
0x21: {  	s3 =	sadd.s32 s3, s9;
	s6 =	sadd.s32 @!p0 $0x88, s6;
	s7 =	simm.s32 @p2 $0x1082  }
0x22: {  	[simem:s7], [sflag:s8] =	dma.local @!p0 [hbm:s6], $0xF7A  }
0x23: {  	s9 =	sor.u32 $0xD0000000, s2;
	s6 =	simm.s32 $0x108;
	_ =	swait.ge @!p0 [sflag:s8], $0x0  }
0x24: {  	s3 =	sadd.s32 $0x88, s3;
	s6 =	simm.s32 @!p1 $0x1082;
	[sflag:s4] =	ssyncset.s32 $0xFFFFF086  }
0x25: {  	[simem:s6], [sflag:s4] =	dma.local [hbm:s3], $0xF7A  }
0x26: {  	[smem:$0x3F96] =	sst s1;
	(tag) =	ssettag s2;
	_ =	strace s9  }
0x27: {  	s1 =	sld [smem:$0x3FA6]  }
0x28: {  	s2 =	sld [smem:$0x3FA7]  }
0x29: {  	s4 =	sld [smem:$0x3FA9]  }
0x2a: {  	p0 =	seq.s32 s5, $0x0;
	s5 =	sld [smem:$0x3FAA]  }
0x2b: {  	s6 =	sld [smem:$0x3FAB]  }
0x2c: {  	s7 =	sld [smem:$0x3FAC]  }
0x2d: {  	s3 =	simm.s32 $0x108;
	s8 =	sld [smem:$0x3FAD]  }
0x2e: {  	s3 =	simm.s32 @!p0 $0x1082;
	s9 =	sld [smem:$0x3FAE]  }
0x2f: {  	lr =	sadd.s32 s0, s3;
	s0 =	sld [smem:$0x3FA5]  }
0x30: {  	s3 =	sld [smem:$0x3FA8]  }
0x31: {  	[smem:$0x3FB1] =	sst s10  }
0x32: {  	s10 =	sld [smem:$0x3FAF];
	_ =	sdelay $0x3  }
0x33: {  	p0 =	seq.s32 s10, $0x1;
	s10 =	sld [smem:$0x3FB1];
	_ =	sdelay $0x3  }
0x34: {  	[smem:$0x3FB1] =	sst s10  }
0x35: {  	s10 =	sld [smem:$0x3FB0];
	_ =	sdelay $0x3  }
0x36: {  	p1 =	seq.s32 s10, $0x1;
	s10 =	sld [smem:$0x3FB1];
	_ =	sdelay $0x3  }
0x37: {  	[smem:$0x3FB1] =	sst s10  }
0x38: {  	s10 =	sld [smem:$0x3FB2]  }
0x39: {  	_ = 	snop;
	(pc) =	sbr.ind lr, $3  }
0x3a: {  	_ = 	snop  }
0x3b: {  	_ = 	snop  }
0x3c: {  	p2 =	seq.s32 s10, $0x1;
	s10 =	sld [smem:$0x3FB1]  }
0x3d: {  	_ =	shalt  }
0x3e: {  	_ =	shalt  }
0x3f: {  	_ =	shalt  }
0x40: {  	_ =	shalt  }
0x41: {  	_ =	shalt  }
0x42: {  	_ =	shalt  }
0x43: {  	_ =	shalt  }
0x44: {  	_ =	shalt  }
0x45: {  	_ =	shalt  }
0x46: {  	_ =	shalt  }
0x47: {  	_ =	shalt  }
0x48: {  	_ =	shalt  }
0x49: {  	_ =	shalt  }
0x4a: {  	_ =	shalt  }
0x4b: {  	_ =	shalt  }
0x4c: {  	_ =	shalt  }
0x4d: {  	_ =	shalt  }
0x4e: {  	_ =	shalt  }
0x4f: {  	_ =	shalt  }
0x50: {  	_ =	shalt  }
0x51: {  	_ =	shalt  }
0x52: {  	_ =	shalt  }
0x53: {  	_ =	shalt  }
0x54: {  	_ =	shalt  }
0x55: {  	_ =	shalt  }
0x56: {  	_ =	shalt  }
0x57: {  	_ =	shalt  }
0x58: {  	_ =	shalt  }
0x59: {  	_ =	shalt  }
0x5a: {  	_ =	shalt  }
0x5b: {  	_ =	shalt  }
0x5c: {  	_ =	shalt  }
0x5d: {  	_ =	shalt  }
0x5e: {  	_ =	shalt  }
0x5f: {  	_ =	shalt  }
0x60: {  	_ =	shalt  }
0x61: {  	_ =	shalt  }
0x62: {  	_ =	shalt  }
0x63: {  	_ =	shalt  }
0x64: {  	_ =	shalt  }
0x65: {  	_ =	shalt  }
0x66: {  	_ =	shalt  }
0x67: {  	_ =	shalt  }
0x68: {  	_ =	shalt  }
0x69: {  	_ =	shalt  }
0x6a: {  	_ =	shalt  }
0x6b: {  	_ =	shalt  }
0x6c: {  	_ =	shalt  }
0x6d: {  	_ =	shalt  }
0x6e: {  	_ =	shalt  }
0x6f: {  	_ =	shalt  }
0x70: {  	_ =	shalt  }
0x71: {  	_ =	shalt  }
0x72: {  	_ =	shalt  }
0x73: {  	_ =	shalt  }
0x74: {  	_ =	shalt  }
0x75: {  	_ =	shalt  }
0x76: {  	_ =	shalt  }
0x77: {  	_ =	shalt  }
0x78: {  	_ =	shalt  }
0x79: {  	_ =	shalt  }
0x7a: {  	_ =	shalt  }
0x7b: {  	_ =	shalt  }
0x7c: {  	_ =	shalt  }
0x7d: {  	_ =	shalt  }
0x7e: {  	_ =	shalt  }
0x7f: {  	_ =	shalt  }
0x80: {  	_ =	shalt  }
0x81: {  	_ =	shalt  }
0x82: {  	_ =	shalt  }
0x83: {  	_ =	shalt  }
0x84: {  	_ =	shalt  }
0x85: {  	_ =	shalt  }
0x86: {  	_ =	shalt  }
0x87: {  	_ =	shalt  }
.Lfunc_end0:
.L_simem_size_0:
called_computation.3_lowered:
.L_overlay_start_0:
0x88: {  	s0 =	sld [smem:$0x3FD9]  }
0x89: {  	s1 =	sld [smem:$0x3FFE];
	_ =	sdelay $0x3  }
0x8a: {  	s0 =	sadd.s32 s1, s0  }
0x8b: {  	[smem:$0x3FBD] =	sst s0  }
0x8c: {  	_ = 	snop  }
0x8d: {  	(tm) =	ssettm $0x1  }
0x8e: {  	s14 =	sld [smem:$0x3FFB];
	_ =	sdelay $0x3  }
0x8f: {  	_ =	strace s14  }
0x90: {  	s0 =	sld [smem:$0x3FFC];
	_ =	sdelay $0x3  }
0x91: {  	_ =	strace s0  }
0x92: {  	s0 =	sld [smem:$0x3FFD];
	_ =	sdelay $0x3  }
0x93: {  	_ =	strace s0  }
0x94: {  	_ =	strace $0x8FFFFFFF  }
0x95: {  	s15 =	sld [smem:$0x3FDB];
	_ =	sdelay $0x1  }
0x96: {  	s16 =	simm.s32 $_scs_section_size  }
0x97: {  	s2 =	simm.s32 $_size__tile_overlayer_lowered;
	s3 =	simm.s32 $_tile_overlayer_lowered  }
0x98: {  	s4 =	simm.s32 $0x1BFF;
	s17 =	sshll.u32 s3, $0x1;
	s1 =	sadd.s32 s16, s15  }
0x99: {  	s18 =	simm.s32 $0x0;
	s2 =	sshll.u32 s2, $0x1;
	s3 =	sadd.s32 s17, s1  }
0x9a: {  	[timem:s18], [sflag:s4] =	dma.local [hbm:s3], s2  }
0x9b: {  	_ =	swait.ge [sflag:s4], s2  }
0x9c: {  	s2 =	ssub.s32 $0x0, s2;
	[sflag:s4] =	ssyncset.done $0x0  }
0x9d: {  	[sflag:s4] =	ssyncadd.s32 s2;
	_ =	sdelay $0x1  }
0x9e: {  	s19 =	simm.s32 $0x1B8B  }
0x9f: {  	_ =	swait.ge [sflag:s19], $0x1  }
0xa0: {  	[sflag:s19] =	ssyncset.done $0x0  }
0xa1: {  	s21 =	simm.s32 $0x1B8E;
	s20 =	sld [smem:$0x3FFE];
	[sflag:s19] =	ssyncadd.s32 $0xFFFFFFFF  }
0xa2: {  	s22 =	simm.s32 $execute0_lowered;
	[smem:$0x3FD2] =	sst s21  }
0xa3: {  	s3 =	sshll.u32 s22, $0x1;
	_ =	strace $0x80000058;
	[dreg:$0x1] =	wrdreg $0xFFFFFFFF  }
0xa4: {  	s23 =	simm.s32 $_size_execute0_lowered;
	s3 =	sadd.s32 s1, s3;
	[dreg:$0x0] =	wrdreg $0x0  }
0xa5: {  	s4 =	sshll.u32 s23, $0x1;
	[dreg:$0x2] =	wrdreg s3  }
0xa6: {  	[dreg:$0x3] =	wrdreg s4  }
0xa7: {  	[dreg:$0x4] =	wrdreg $0xC0  }
0xa8: {  	s24 =	simm.s32 $execute1_lowered;
	_ =	task [dreg:s18], $0x5FFFF  }
0xa9: {  	s3 =	sshll.u32 s24, $0x1;
	[dreg:$0x1] =	wrdreg $0xFFFFFFFF  }
0xaa: {  	s1 =	sadd.s32 s1, s3;
	[dreg:$0x0] =	wrdreg $0x60  }
0xab: {  	[dreg:$0x2] =	wrdreg s1  }
0xac: {  	[dreg:$0x3] =	wrdreg s20  }
0xad: {  	[dreg:$0x4] =	wrdreg $0xF  }
0xae: {  	_ =	task.clear_ibuf [dreg:s18], $0x5FFFF;
	_ =	strace $0x90000058  }
0xaf: {  	s25 =	simm.s32 $0xF;
	_ =	strace $0x8000005A  }
0xb0: {  	_ =	swait.ge [sflag:s25], $0x1  }
0xb1: {  	[sflag:s25] =	ssyncadd.s32 $0xFFFFFFFF  }
0xb2: {  	_ =	strace $0x9000005A  }
0xb3: {  	_ =	strace $0x8000005B;
	[dreg:$0x1] =	wrdreg $0xFFFFFFFF  }
0xb4: {  	[dreg:$0x0] =	wrdreg $0x2030  }
0xb5: {  	[dreg:$0x2] =	wrdreg s20  }
0xb6: {  	[dreg:$0x3] =	wrdreg $0x10  }
0xb7: {  	_ =	task.clear_ibuf [dreg:s18], $0x4FFFF;
	_ =	strace $0x9000005B  }
0xb8: {  	s26 =	simm.s32 $0x10;
	_ =	strace $0x8000005D  }
0xb9: {  	_ =	swait.ge [sflag:s26], $0x1  }
0xba: {  	[sflag:s26] =	ssyncadd.s32 $0xFFFFFFFF  }
0xbb: {  	_ =	strace $0x9000005D  }
0xbc: {  	_ =	sfence  }
0xbd: {  	s28 =	sld [smem:$0x0];
	_ =	sdelay $0x1  }
0xbe: {  	s29 =	srdreg.scid  }
0xbf: {  	s30 =	sshll.u32 s29, $0xD;
	s31 =	sshrl.u32 s29, $0x2  }
0xc0: {  	s2 =	sand.u32 $0x1, s29;
	s3 =	sand.u32 $0x4000, s30;
	s1 =	sadd.s32 s31, s28  }
0xc1: {  	s2 =	sor.u32 s3, s2;
	s1 =	sshll.u32 s1, $0x11  }
0xc2: {  	s1 =	sor.u32 s1, s2  }
0xc3: {  	s1 =	sadd.s32 $0x8F2B, s1  }
0xc4: {  	[sflag:s1] =	ssyncadd.remote.s32 $0x1  }
0xc5: {  	_ =	sfence.sel $0xFFFF  }
0xc6: {  	[dreg:$0x0] =	wrdreg $0xFFFFFFFF;
	(pc) =	sbr.abs _section_cstart, $3  }
0xc7: {  	[dreg:$0x1] =	wrdreg $0xFFFFFFFF  }
0xc8: {  	_ =	task.clear_ibuf [dreg:s18], $0x2FFFF;
	_ =	strace $0x9FFFFFFF  }
0xc9: {  	(tm) =	ssettm $0x7FFFFFFF  }
tec
execute0_lowered:
.L_overlay_start_1:
0x0: {  	(tag) =	ssettag $0x1  }
0x1: {  	s2 =	rddreg [dreg:$0x0]  }
0x2: {  	s4 =	rddreg [dreg:$0x1]  }
0x3: {  	s0 =	rddreg [dreg:$0x2];
	s3 =	stileid.u32  }
0x4: {  	[bflag:$0x3] =	sbarrier.arrive $0xFFFF;
	s1 =	simm.s32 $_size_execute1_lowered;
	p0 =	sne.s32 s3, $0x0  }
0x5: {  	s1 =	sshll.u32 s1, $0x1;
	s5 =	simm.s32 @!p0 $0x1C3F;
	s6 =	simm.s32 @!p0 $0x4060  }
0x6: {  	[timem:s6], [sflag:s5] =	dma.local @!p0 [hbm:s2], s1  }
0x7: {  	s2 =	smul.u32 $0x280, s3  }
.Ltmp0:
0x8: {  	s31 =	simm.s32 $0x2;
	s7 =	simm.s32 $0x280;
	(pc) =	sbr.rel .LBB2_1-.Ltmp0, $4  }
0x9: {  	s8 =	simm.s32 $0x780;
	s10 =	simm.s32 $0x0;
	s9 =	simm.s32 $0x0  }
0xa: {  	s3 =	simm.s32 $0x1;
	_ =	strace $0x80000059;
	s30 =	sshrl.u32 s2, $0x3  }
0xb: {  	s6 =	simm.s32 $0x0;
	[sflag:s3] =	ssyncpa.u1 $0x0;
	s5 =	sadd.s32 s30, s4  }
0xc: {  	s4 =	sadd.s32 $0xB600, s4;
	[sflag:s31] =	ssyncpa.u1 $0x0;
	s5 =	sadd.s32 $0x9E00, s5  }
.LBB2_8:
0xd: {  	p1 =	seq.s32 s9, $0x2  }
.Ltmp1:
0xe: {  	_ = 	snop;
	(pc) =	sbr.rel @p1 .LBB2_10-.Ltmp1, $1  }
0xf: {  	_ =	sdelay $0x3  }
.LBB2_9:
0x10: {  	s9 =	sadd.s32 $0x1, s9;
	s10 =	smov.u32 s2  }
.LBB2_1:
0x11: {  	p1 =	sne.s32 s9, $0x0  }
.Ltmp2:
0x12: {  	_ = 	snop;
	(pc) =	sbr.rel @!p1 .LBB2_2-.Ltmp2, $1  }
0x13: {  	_ =	sdelay $0x3  }
0x14: {  	s11 =	sand.u32 $0x1, s9  }
0x15: {  	p1 =	seq.s32 s11, $0x0  }
.Ltmp3:
0x16: {  	_ = 	snop;
	(pc) =	sbr.rel @p1 .LBB2_8-.Ltmp3, $1  }
0x17: {  	_ =	sdelay $0x3  }
0x18: {  	_ =	swait.ge [sflag:s3], $0x280  }
0x19: {  	[sflag:s3] =	ssyncset.done $0x0  }
0x1a: {  	s11 =	simm.s32 $0x0;
	p1 =	por $0x1, $0x1;
	[sflag:s3] =	ssyncadd.s32 $0xFFFFFD80  }
.LBB2_5:
0x1b: {  	v0 =	vld [tilespmem:s11+$0x280]  }
0x1c: {  	v1 =	vld [tilespmem:s11+$0x290]  }
0x1d: {  	v2 =	vld [tilespmem:s11+$0x2A0]  }
0x1e: {  	v3 =	vld [tilespmem:s11+$0x2B0]  }
0x1f: {  	v4 =	vld [tilespmem:s11+$0x2C0]  }
0x20: {  	v53 =	vld [tilespmem:s11+$0x2D0];
	[tilespmem:s11+$0x780] =	vst v0  }
0x21: {  	v54 =	vld [tilespmem:s11+$0x2E0];
	[tilespmem:s11+$0x790] =	vst v1  }
0x22: {  	v55 =	vld [tilespmem:s11+$0x2F0];
	[tilespmem:s11+$0x7A0] =	vst v2  }
0x23: {  	v56 =	vld [tilespmem:s11+$0x300];
	[tilespmem:s11+$0x7B0] =	vst v3  }
0x24: {  	v57 =	vld [tilespmem:s11+$0x310];
	[tilespmem:s11+$0x7C0] =	vst v4  }
0x25: {  	v58 =	vld [tilespmem:s11+$0x320];
	[tilespmem:s11+$0x7D0] =	vst v53  }
0x26: {  	v59 =	vld [tilespmem:s11+$0x330];
	[tilespmem:s11+$0x7E0] =	vst v54  }
0x27: {  	v60 =	vld [tilespmem:s11+$0x340];
	[tilespmem:s11+$0x7F0] =	vst v55  }
0x28: {  	v61 =	vld [tilespmem:s11+$0x350];
	[tilespmem:s11+$0x800] =	vst v56  }
0x29: {  	v62 =	vld [tilespmem:s11+$0x360];
	[tilespmem:s11+$0x810] =	vst v57  }
0x2a: {  	v63 =	vld [tilespmem:s11+$0x370];
	p2 =	por p1, p1;
	[tilespmem:s11+$0x820] =	vst v58  }
.Ltmp4:
0x2b: {  	[tilespmem:s11+$0x830] =	vst v59;
	(pc) =	sbr.rel @p2 .LBB2_5-.Ltmp4, $4  }
0x2c: {  	[tilespmem:s11+$0x840] =	vst v60  }
0x2d: {  	[tilespmem:s11+$0x850] =	vst v61  }
0x2e: {  	s12 =	simm.s32 $0x1F0;
	s13 =	simm.s32 $0x980;
	[tilespmem:s11+$0x860] =	vst v62  }
0x2f: {  	s14 =	simm.s32 $0x480;
	p1 =	por $0x0, $0x0;
	[tilespmem:s11+$0x870] =	vst v63;
	s11 =	simm.s32 $0x100  }
.LBB2_6:
0x30: {  	s12 =	sadd.s32 $0x10, s12  }
0x31: {  	v0 =	vld [tilespmem:s14+$0x0];
	p1 =	slt.u32 s12, $0x270  }
.Ltmp5:
0x32: {  	_ = 	snop;
	(pc) =	sbr.rel @p1 .LBB2_6-.Ltmp5, $2  }
0x33: {  	_ =	sdelay $0x2  }
0x34: {  	s14 =	sadd.s32 $0x10, s14;
	[tilespmem:s13+$0x0] =	vst v0;
	s13 =	sadd.s32 $0x10, s13  }
.Ltmp6:
0x35: {  	(pc) =	sbr.rel .LBB2_8-.Ltmp6, $4  }
0x36: {  	_ = 	snop  }
0x37: {  	s10 =	sshrl.u32 s10, $0x3  }
0x38: {  	s10 =	sadd.s32 s4, s10  }
0x39: {  	[hbm4b:s10+s6] =	stream.linear.scatter [tilespmem:s8], [sflag:$0x2], $0x280, $0x38;
	[tilespmem:$0xA00] =	vst v63  }
.LBB2_2:
.Ltmp7:
0x3a: {  	(pc) =	sbr.rel .LBB2_9-.Ltmp7, $2  }
0x3b: {  	_ =	sdelay $0x2  }
0x3c: {  	[tilespmem:s7], [sflag:$0x1] =	stream.linear.gather [hbm4b:s5+s6], $0x280, $0x38;
	[tilespmem:$0xA00] =	vst v63  }
.LBB2_10:
0x3d: {  	s2 =	simm.s32 $0x2  }
0x3e: {  	_ =	swait.ge [sflag:s2], $0x280  }
0x3f: {  	[sflag:s2] =	ssyncset.done $0x0  }
0x40: {  	[sflag:s2] =	ssyncadd.s32 $0xFFFFFD80  }
0x41: {  	_ =	sfence.sel $0x180000  }
0x42: {  	s3 =	simm.s32 $0x1;
	[bflag:$0x0] =	sbarrier.arrive $0xFFFF  }
0x43: {  	[sflag:s3] =	ssyncpa.u1 $0x1  }
0x44: {  	[sflag:s2] =	ssyncpa.u1 $0x1  }
0x45: {  	_ =	strace $0x90000059  }
0x46: {  	s0 =	sadd.s32 @!p0 $0x100000, s0;
	[bflag:$0x2] =	sbarrier.arrive $0xFFFF  }
0x47: {  	[sflag:s0] =	ssyncadd.tile.s32 @!p0 $0x1;
	s0 =	simm.s32 @!p0 $0x3F  }
0x48: {  	_ =	swait.ge @!p0 [sflag:s0], s1  }
0x49: {  	s1 =	ssub.s32 @!p0 $0x0, s1;
	[sflag:s0] =	ssyncset.done @!p0 $0x0  }
0x4a: {  	[sflag:s0] =	ssyncadd.s32 @!p0 s1  }
0x4b: {  	[bflag:$0x3] =	sbarrier.arrive $0xFFFF  }
0x4c: {  	_ =	shalt  }
.Lfunc_end2:
execute1_lowered:
.L_overlay_start_2:
0x4d: {  	(tag) =	ssettag $0x2  }
0x4e: {  	s0 =	rddreg [dreg:$0x0];
	_ =	strace $0x8000005C;
	s15 =	stileid.u32  }
0x4f: {  	s2 =	simm.s32 $0x1;
	s1 =	smin.u32 s15, $0x8;
	s3 =	sshll.u32 s15, $0x1  }
0x50: {  	v1 =	vimm.s32 $0xFFFFFFFF;
	[sflag:s2] =	ssyncpa.u1 $0x0;
	s1 =	sadd.s32 s1, s3  }
0x51: {  	p0 =	slt.u32 s15, $0x8;
	[tilespmem:$0x10] =	vst v1;
	s4 =	smul.u32 $0x1F40, s1;
	s1 =	simm.s32 $0x5DC0  }
0x52: {  	v0 =	vimm.f32 $0.0e+00;
	[tilespmem:$0x20] =	vst v1;
	s1 =	simm.s32 @!p0 $0x3E80  }
0x53: {  	[tilespmem:$0x30] =	vst v0;
	s1 =	sadd.s32 s1, s4  }
0x54: {  	[tilespmem:$0x40] =	vst v0;
	s5 =	smin.u32 s1, $0x4E200  }
0x55: {  	s7 =	simm.s32 $0x2;
	s8 =	simm.s32 $0x8;
	[tilespmem:$0x50] =	vst v0;
	s9 =	ssub.s32 s5, s4  }
0x56: {  	s31 =	simm.s32 $0x9;
	s16 =	simm.s32 $0x0;
	[tilespmem:$0x60] =	vst v1;
	p0 =	sgt.s32 s9, $0x0  }
0x57: {  	s17 =	simm.s32 $0xF0;
	s18 =	simm.s32 $0xFFFFFFFF;
	[tilespmem:$0x70] =	vst v1;
	s9 =	simm.s32 @!p0 $0x0  }
0x58: {  	s19 =	simm.s32 $0xFFFFC280;
	s20 =	simm.s32 $0xFFFFFFFE;
	[tilespmem:$0x80] =	vst v1;
	s30 =	smulhi.u32 $0x10624DD3, s9  }
0x59: {  	s21 =	simm.s32 $0xF;
	s25 =	simm.s32 $0x0;
	s24 =	simm.s32 $0x0;
	v1 =	vimm.s32 $0x0;
	[tilespmem:$0xB0] =	vst v0  }
0x5a: {  	s6 =	sadd.s32 $0x24C00, s0;
	s15 =	sshllo.u32 s15, $0x1;
	[tilespmem:$0x90] =	vst v1;
	s10 =	sshrl.u32 s30, $0x9  }
0x5b: {  	[tilespmem:$0xA0] =	vst v1;
	[sflag:s7] =	ssyncpa.u1 $0x0;
	s7 =	simm.s32 $0x7;
	s11 =	smul.u32 $0x1F40, s10  }
.Ltmp8:
0x5c: {  	s13 =	sor.u32 $0x80, s3;
	[sflag:s7] =	ssyncpa.u1 $0x0;
	(pc) =	sbr.rel .LBB3_1-.Ltmp8, $4  }
0x5d: {  	s14 =	sor.u32 $0x81, s3;
	[sflag:s8] =	ssyncpa.u1 $0x0;
	p0 =	sne.s32 s9, s11  }
0x5e: {  	s23 =	smov.u32 s4;
	s1 =	sadd.s32 $0xB600, s0;
	s2 =	simm.s32 @!p0 $0x0  }
0x5f: {  	vm0 =	vmmov $0xffff;
	v2 =	vlaneseq.u32;
	[sflag:s31] =	ssyncpa.u1 $0x0;
	s9 =	sadd.s32 $0x90A00, s0;
	s10 =	sadd.s32 s2, s10  }
0x60: {  	vm1 =	vmxor vm1, vm1;
	vm2 =	vmmov $0x1;
	vm3 =	vcmask $0x3F3C;
	p0 =	por $0x0, $0x0;
	s11 =	sadd.s32 $0x1, s10;
	s12 =	sadd.s32 $0x2, s10  }
.LBB3_9:
0x61: {  	p1 =	slt.u32 s24, $0x3  }
0x62: {  	s0 =	simm.s32 @!p1 $0x2  }
0x63: {  	_ =	swait.ge @!p1 [sflag:s0], $0x1F40  }
0x64: {  	[sflag:s0] =	ssyncset.done @!p1 $0x0  }
0x65: {  	[sflag:s0] =	ssyncadd.s32 @!p1 $0xFFFFE0C0;
	s0 =	simm.s32 @!p1 $0x9  }
0x66: {  	_ =	swait.ge @!p1 [sflag:s0], $0x10  }
0x67: {  	[sflag:s0] =	ssyncset.done @!p1 $0x0  }
0x68: {  	[sflag:s0] =	ssyncadd.s32 @!p1 $0xFFFFFFF0;
	p1 =	sne.s32 s24, s12  }
.Ltmp9:
0x69: {  	s2 =	sadd.s32 $0x1F40, s23;
	(pc) =	sbr.rel @!p1 .LBB3_10-.Ltmp9, $4  }
0x6a: {  	s22 =	smov.u32 s4;
	s31 =	sadd.s32 $0x1, s24;
	s17 =	sadd.s32 $0x1F40, s17  }
0x6b: {  	s18 =	sadd.s32 $0x1, s18;
	s25 =	smov.u32 s23;
	p2 =	slt.s32 s2, s5  }
0x6c: {  	p0 =	por !p0, !p0;
	s19 =	sadd.s32 $0x1F40, s19;
	s22 =	smov.u32 @p2 s2  }
0x6d: {  	s20 =	sadd.s32 $0x1, s20;
	s23 =	smov.u32 s22;
	s24 =	smov.u32 s31  }
.LBB3_1:
0x6e: {  	p1 =	sge.u32 s24, s10  }
0x6f: {  	s0 =	smulhi.u32 @!p1 $0xAAAAAAAB, s24;
	_ =	sdelay $0x1  }
0x70: {  	s0 =	sshrl.u32 @!p1 s0, $0x1  }
0x71: {  	s0 =	smul.u32 @!p1 $0x3, s0;
	_ =	sdelay $0x1  }
0x72: {  	s0 =	ssub.s32 @!p1 s24, s0  }
0x73: {  	s0 =	smul.u32 @!p1 $0x7D00, s0;
	_ =	sdelay $0x1  }
0x74: {  	s2 =	sshrl.u32 @!p1 s23, $0x3;
	s0 =	sshrl.u32 @!p1 s0, $0x2  }
0x75: {  	s22 =	sand.u32 @!p1 $0x7, s23;
	s2 =	sadd.s32 @!p1 s6, s2;
	s0 =	sadd.s32 @!p1 $0x100, s0  }
0x76: {  	[tilespmem:s0], [sflag:$0x7] =	stream.linear.gather @!p1 [hbm4b:s2+s22], $0x1F40, $0x38;
	[tilespmem:$0x11A60] =	vst v63  }
0x77: {  	s0 =	sadd.s32 $0xFFFFFFFF, s24  }
0x78: {  	p1 =	sge.u32 s0, s10  }
.Ltmp10:
0x79: {  	_ = 	snop;
	(pc) =	sbr.rel @p1 .LBB3_5-.Ltmp10, $1  }
0x7a: {  	_ =	sdelay $0x3  }
0x7b: {  	s2 =	smulhi.u32 $0xAAAAAAAB, s0;
	_ =	sdelay $0x1  }
0x7c: {  	s2 =	sshrl.u32 s2, $0x1  }
0x7d: {  	s2 =	smul.u32 $0x3, s2;
	_ =	sdelay $0x1  }
0x7e: {  	s2 =	ssub.s32 s0, s2  }
0x7f: {  	s2 =	smul.u32 $0x7D00, s2  }
0x80: {  	_ =	swait.ge [sflag:s7], $0x1F40  }
0x81: {  	[sflag:s7] =	ssyncset.done $0x0;
	s2 =	sshrl.u32 s2, $0x2  }
0x82: {  	[sflag:s7] =	ssyncadd.s32 $0xFFFFE0C0;
	(ifvalue) =	ssetifvalue $0xFFFFFFFF;
	v3 =	vld.msk [tilespmem:s2+$0x100 ss:$0x1], $0xffff;
	_ =	sdelay $0x2  }
0x83: {  	s30 =	smulhi.u32 $0xAAAAAAAB, s18;
	p1 =	sne.s32 s24, $0x1  }
0x84: {  	v4 =	vimm.s32 @!p1 $0x0  }
0x85: {  	s2 =	sshrl.u32 s30, $0x1;
	v4 =	vperm.xlane @!p1 v3, v4  }
0x86: {  	s22 =	sshll.u32 s24, $0x4;
	s2 =	smul.u32 $0xFFFE8900, s2;
	vm4 =	vlt.u32 v3, $0x2800  }
0x87: {  	s22 =	sand.u32 $0x10, s22;
	v3 =	vnsel vm4, $0xFFFFFFFE, v3;
	vm4 =	vlt.u32 @!p1 v4, $0x2800  }
0x88: {  	s2 =	sshra.s32 s2, $0x2;
	[tilespmem:s22+$0x60] =	vst v3;
	v3 =	vnsel @!p1 vm4, $0xFFFFFFFE, v4  }
0x89: {  	s28 =	sadd.s32 s2, s17;
	[tilespmem:$0x80] =	vst @!p1 v3  }
0x8a: {  	v3 =	vld.msk [tilespmem:s28+$0x0 ss:$0x1], $0xffff;
	_ =	sdelay $0x4  }
0x8b: {  	(xrf1) =	vunique.msk.u32 $0xffff, v3;
	_ =	sdelay $0xd  }
0x8c: {  	v4 =	vimm.s32 $0xFFFFFFFF;
	v5, _, _ =	vpop (xrf1)  }
0x8d: {  	vm5 =	vne.s32 v3, v4;
	vm4 =	veq.s32 v5, v2  }
0x8e: {  	vm6 =	vlt.u32 v3, $0x2800;
	vm4 =	vmand vm5, vm4  }
0x8f: {  	vm4 =	vmand vm6, vm4  }
0x90: {  	v4 =	vnsel vm4, $0xFFFFFFFF, v3  }
0x91: {  	s31 =	sand.u32 $0x1, s0  }
0x92: {  	s0 =	simm.s32 $0x1F40;
	p1 =	seq.s32 s31, $0x1  }
0x93: {  	s0 =	simm.s32 @!p1 $0x0  }
0x94: {  	s26 =	sadd.s32 $0x7DF0, s0;
	(ifvalue) =	ssetifvalue $0xFFFFFFFF  }
0x95: {  	v3 =	vperm.xlane v3, v1;
	[tilespmem:s26], [sflag:$0x8] =	stream.indirect_vreg.gather [hbm4b:s1+s16], $0x1, v4, vm0, $0x4038;
	v4 =	vnsel vm6, $0xFFFFFFFE, v4;
	[tilespmem:$0x11A60] =	vst v63  }
0x96: {  	s2 =	simm.s32 $0x0;
	s22 =	sadd.s32 $0xFFFFFFF0, s28;
	[tilespmem:s28+$0x0] =	vst v4  }
.LBB3_3:
0x97: {  	v4 =	vld.msk [tilespmem:s22+$0x0 ss:$0x1], $0xffff;
	s2 =	sadd.s32 $0x10, s2;
	v5 =	vmov v3;
	s28 =	smov.u32 s22  }
0x98: {  	p1 =	slt.u32 s2, $0x1F30;
	_ =	sdelay $0x4  }
0x99: {  	v3 =	vperm.xlane v4, v1;
	(xrf1) =	vunique.msk.u32 $0xffff, v4;
	_ =	sdelay $0xd  }
0x9a: {  	v6, _, _ =	vpop (xrf1)  }
0x9b: {  	vm5 =	vne.s32 v4, v5;
	vm4 =	veq.s32 v6, v2  }
0x9c: {  	vm6 =	vlt.u32 v4, $0x2800;
	vm4 =	vmand vm5, vm4  }
0x9d: {  	vm4 =	vmand vm6, vm4  }
0x9e: {  	v4 =	vnsel vm4, $0xFFFFFFFF, v4  }
.Ltmp11:
0x9f: {  	v5 =	vnsel vm6, $0xFFFFFFFE, v4;
	(pc) =	sbr.rel @p1 .LBB3_3-.Ltmp11, $3  }
0xa0: {  	_ =	sdelay $0x1  }
0xa1: {  	s22 =	sadd.s32 $0xFFFFFFF0, s22;
	s26 =	sadd.s32 $0xFFFFFFF0, s26;
	(ifvalue) =	ssetifvalue $0xFFFFFFFF  }
0xa2: {  	[tilespmem:s26], [sflag:$0x8] =	stream.indirect_vreg.gather [hbm4b:s1+s16], $0x1, v4, vm0, $0x4038;
	[tilespmem:s28+$0x0] =	vst v5  }
0xa3: {  	s2 =	sshrl.u32 s25, $0x3  }
0xa4: {  	s0 =	sadd.s32 $0x9D40, s0;
	s2 =	sadd.s32 s9, s2  }
0xa5: {  	[tilespmem:s0], [sflag:$0x8] =	stream.linear.gather [hbm:s2], $0x1F40, $0x38;
	[tilespmem:$0x11A60] =	vst v63  }
.LBB3_5:
0xa6: {  	p1 =	slt.u32 s24, $0x2  }
0xa7: {  	p2 =	sge.u32 @!p1 s24, s12  }
0xa8: {  	p1 =	por p1, p2  }
.Ltmp12:
0xa9: {  	_ = 	snop;
	(pc) =	sbr.rel @p1 .LBB3_9-.Ltmp12, $1  }
0xaa: {  	_ =	sdelay $0x3  }
0xab: {  	s0 =	sadd.s32 $0xFFFFFFFE, s24  }
0xac: {  	s2 =	smulhi.u32 $0xAAAAAAAB, s0;
	_ =	sdelay $0x1  }
0xad: {  	s2 =	sshrl.u32 s2, $0x1  }
0xae: {  	s2 =	smul.u32 $0x3, s2;
	_ =	sdelay $0x1  }
0xaf: {  	s0 =	ssub.s32 s0, s2  }
0xb0: {  	_ =	swait.ge [sflag:s8], $0x3E80;
	s0 =	smul.u32 $0x1F40, s0  }
0xb1: {  	p1 =	sne.s32 s24, s11;
	[sflag:s8] =	ssyncset.done $0x0  }
0xb2: {  	[sflag:s8] =	ssyncadd.s32 $0xFFFFC180;
	s2 =	sadd.s32 @!p1 $0x203F, s0  }
0xb3: {  	[spmem:s14] =	stream.linear.scatter @!p1 [tilespmem:s2], [sflag:$0x1], $0x1, $0x38;
	[tilespmem:$0x11A60] =	vst v63  }
0xb4: {  	s2 =	simm.s32 @!p1 $0x1  }
0xb5: {  	_ =	swait.ge @!p1 [sflag:s2], $0x1  }
0xb6: {  	s22 =	sshll.u32 s24, $0x4;
	[sflag:s2] =	ssyncset.done @!p1 $0x0  }
0xb7: {  	s25 =	sand.u32 $0x10, s22;
	[sflag:s2] =	ssyncadd.s32 @!p1 $0xFFFFFFFF  }
0xb8: {  	s2 =	sxor.u32 $0x10, s25;
	v4 =	vld [tilespmem:s25+$0x10]  }
0xb9: {  	v5 =	vld [tilespmem:s2+$0x60]  }
0xba: {  	v3 =	vld [tilespmem:$0x80];
	_ =	sdelay $0x2  }
0xbb: {  	(v2sf) =	vpush v4, $0x0  }
0xbc: {  	(v2sf) =	vpush v5, $0x0  }
0xbd: {  	(v2sf) =	vpush v3, $0x0;
	_ =	sdelay $0xc  }
0xbe: {  	s22 =	spop (v2sf)  }
0xbf: {  	s26 =	spop (v2sf)  }
0xc0: {  	s28 =	spop (v2sf)  }
0xc1: {  	p2 =	seq.s32 s22, s26;
	p3 =	seq.s32 s28, s22  }
0xc2: {  	p3 =	por p2, p3  }
0xc3: {  	s26 =	sand.u32 $0x1, s24;
	v4 =	vpsel p3, $0xFFFFFFFF, v4  }
0xc4: {  	s29 =	smul.u32 $0x1F40, s26;
	[tilespmem:s25+$0x10] =	vst.msk $0x1, v4  }
0xc5: {  	v4 =	vld [tilespmem:$0x30]  }
0xc6: {  	v5 =	vld [tilespmem:s29+$0x9D40]  }
0xc7: {  	v6 =	vld [tilespmem:s25+$0x40];
	_ =	sdelay $0x3  }
0xc8: {  	vm4 =	vmmov vm1;
	v5 =	vadd.f32 v5, v4  }
0xc9: {  	vm5 =	vmmov vm2;
	vm4 =	vmmov @p2 vm2;
	s22 =	sshll.u32 s26, $0x4;
	v4 =	vadd.f32 v6, v4  }
0xca: {  	s26 =	sor.u32 $0x11A40, s22;
	vm5 =	vmmov @p3 vm1;
	[tilespmem:s29+$0x9D40] =	vst.msk vm4, v5  }
0xcb: {  	[tilespmem:s26+$0x0] =	vst.msk vm5, v4  }
0xcc: {  	v4 =	vld [tilespmem:s29+$0x7DF0];
	_ =	sdelay $0x3  }
0xcd: {  	v5 =	vimm.f32 $0.0e+00  }
0xce: {  	v4 =	vshift.insert v4, v5, s21  }
0xcf: {  	s22 =	sor.u32 $0x40, s2  }
0xd0: {  	[tilespmem:s22+$0x0] =	vst.msk $0x1, v4  }
0xd1: {  	[tilespmem:s29+$0x7DFF] =	vst.msk $0x1, v5  }
0xd2: {  	v4 =	vld [tilespmem:s0+$0x2030];
	_ =	sdelay $0x1  }
0xd3: {  	s22 =	smulhi.u32 $0xAAAAAAAB, s20;
	s0 =	simm.s32 $0x1  }
0xd4: {  	s0 =	simm.s32 @!p0 $0x0  }
0xd5: {  	s22 =	sshrl.u32 s22, $0x1;
	s0 =	smul.u32 $0x7D00, s0  }
0xd6: {  	s22 =	smul.u32 $0xFFFE8900, s22;
	v4 =	vshift.insert v4, v1, s21  }
0xd7: {  	s0 =	sshrl.u32 s0, $0x2  }
0xd8: {  	s22 =	sshra.s32 s22, $0x2;
	s30 =	sadd.s32 $0x9D40, s0;
	[tilespmem:s2+$0x10] =	vst.msk $0x1, v4  }
0xd9: {  	s22 =	sadd.s32 s22, s19;
	v6 =	vld [tilespmem:s30+$0x0]  }
0xda: {  	v7 =	vld [tilespmem:s22+$0x0];
	_ =	sdelay $0x3  }
0xdb: {  	v5 =	vadd.f32 v6, v5  }
0xdc: {  	vm4 =	vne.s32 v7, $0xFFFFFFFF  }
0xdd: {  	(xrf2) =	vadd.seg.scan.f32 vm4, v5;
	_ =	sdelay $0x3  }
0xde: {  	s31 =	sadd.s32 $0x5EC0, s0;
	v5 =	vperm.xlane v4, v1  }
0xdf: {  	v6 =	vld [tilespmem:s31+$0x0]  }
0xe0: {  	vm5 =	veq.s32 v7, v3;
	vm6 =	veq.s32 v7, v5  }
0xe1: {  	vm7 =	vgt.u32 v7, $0xFFFFFFFD;
	vm6 =	vmor vm6, vm5  }
0xe2: {  	vm6 =	vmor vm6, vm7  }
0xe3: {  	v9 =	vld [tilespmem:$0xA0];
	v7 =	vsel vm6, $0xFFFFFFFF, v7  }
0xe4: {  	v10 =	vld [tilespmem:$0x90];
	v6 =	vsel vm5, $0x0, v6;
	v8, _, _ =	vpop (xrf2)  }
0xe5: {  	v6 =	vadd.f32 v8, v6  }
0xe6: {  	s0 =	sadd.s32 $0xDBC0, s0  }
0xe7: {  	vm4 =	vmand vm4, vm3;
	[tilespmem:s0+$0x0] =	vst v6;
	(ifvalue) =	ssetifvalue $0xFFFFFFFF  }
0xe8: {  	vm6 =	veq.s32 v9, $0x1;
	[hbm4b:s1+s16] =	stream.indirect_vreg.scatter [tilespmem:s0], [sflag:$0x2], $0x1, v7, vm0, $0x4038;
	v7 =	vsel vm4, $0x0, v8;
	[tilespmem:$0x11A60] =	vst v63  }
0xe9: {  	s2 =	simm.s32 $0x0;
	s22 =	sadd.s32 $0x10, s22;
	vm4 =	vmor vm6, vm5;
	v6 =	vsel vm5, v8, v10;
	v7 =	vshift.insert v7, v0, s21  }
.LBB3_7:
0xea: {  	v8 =	vld [tilespmem:s22+$0x0];
	s30 =	sadd.s32 $0x10, s30  }
0xeb: {  	s31 =	sadd.s32 $0x10, s31;
	v9 =	vld [tilespmem:s30+$0x0]  }
0xec: {  	s2 =	sadd.s32 $0x10, s2;
	v10 =	vld [tilespmem:s31+$0x0]  }
0xed: {  	p2 =	slt.u32 s2, $0x1F30;
	_ =	sdelay $0x2  }
0xee: {  	v7 =	vadd.f32 v9, v7  }
0xef: {  	vm5 =	vne.s32 v8, $0xFFFFFFFF  }
0xf0: {  	vm6 =	vmand vm5, vm3;
	(xrf2) =	vadd.seg.scan.f32 vm5, v7;
	_ =	sdelay $0x5  }
0xf1: {  	vm7 =	veq.s32 v8, v5;
	vm5 =	veq.s32 v8, v3  }
0xf2: {  	vm8 =	vgt.u32 v8, $0xFFFFFFFD;
	vm4 =	vmor vm4, vm5;
	vm7 =	vmor vm7, vm5  }
0xf3: {  	vm7 =	vmor vm7, vm8  }
0xf4: {  	v8 =	vsel vm7, $0xFFFFFFFF, v8  }
.Ltmp13:
0xf5: {  	v7 =	vsel vm5, $0x0, v10;
	v9, _, _ =	vpop (xrf2);
	(pc) =	sbr.rel @p2 .LBB3_7-.Ltmp13, $4  }
0xf6: {  	v6 =	vsel vm5, v9, v6;
	v10 =	vadd.f32 v9, v7;
	v7 =	vsel vm6, $0x0, v9  }
0xf7: {  	s0 =	sadd.s32 $0x10, s0;
	v7 =	vshift.insert v7, v0, s21  }
0xf8: {  	s22 =	sadd.s32 $0x10, s22;
	[tilespmem:s0+$0x0] =	vst v10;
	(ifvalue) =	ssetifvalue $0xFFFFFFFF  }
0xf9: {  	[hbm4b:s1+s16] =	stream.indirect_vreg.scatter [tilespmem:s0], [sflag:$0x2], $0x1, v8, vm0, $0x4038;
	[tilespmem:$0x11A60] =	vst v63  }
0xfa: {  	v3 =	vld [tilespmem:s29+$0xFAF0];
	_ =	sdelay $0x4  }
0xfb: {  	v3 =	vshift.insert v3, v0, s21  }
0xfc: {  	s0 =	simm.s32 $0x30  }
0xfd: {  	[tilespmem:s0+$0x0] =	vst.msk $0x1, v3  }
0xfe: {  	v3 =	vsel vm4, $0x1, v1;
	[tilespmem:$0x90] =	vst v6  }
0xff: {  	s0 =	sadd.s32 @!p1 $0xFAFF, s29;
	[tilespmem:$0xA0] =	vst v3  }
0x100: {  	[spmem:s15] =	stream.linear.scatter @!p1 [tilespmem:s0], [sflag:$0x1], $0x1, $0x38;
	[tilespmem:$0x11A60] =	vst v63  }
0x101: {  	s0 =	simm.s32 @!p1 $0x1  }
0x102: {  	v3 =	vmctz.xlane @!p1 vm4;
	_ =	swait.ge @!p1 [sflag:s0], $0x1  }
0x103: {  	(v2sf) =	vpush @!p1 v4, $0x0  }
0x104: {  	(v2sf) =	vpush @!p1 v3, $0x0;
	_ =	sdelay $0xd  }
0x105: {  	s2 =	spop @!p1 (v2sf)  }
0x106: {  	s22 =	spop @!p1 (v2sf)  }
0x107: {  	p2 =	sne.s32 @!p1 s28, s2;
	p3 =	slt.s32 @!p1 s22, $0xF  }
0x108: {  	[sflag:s0] =	ssyncset.done @!p1 $0x0;
	p2 =	por p2, p1;
	p3 =	por !p3, p1  }
0x109: {  	[sflag:s0] =	ssyncadd.s32 @!p1 $0xFFFFFFFF;
	v3 =	vimm.s32 @!p2 $0xFFFFFFFF;
	s22 =	simm.s32 @p3 $0xF  }
0x10a: {  	[tilespmem:$0x80] =	vst @!p2 v3;
	s2 =	sadd.s32 @!p1 $0x90, s22  }
0x10b: {  	[spmem:s3] =	stream.linear.scatter @!p1 [tilespmem:s2], [sflag:$0x1], $0x1, $0x38;
	[tilespmem:$0x11A60] =	vst v63  }
0x10c: {  	_ =	swait.ge @!p1 [sflag:s0], $0x1  }
0x10d: {  	[sflag:s0] =	ssyncset.done @!p1 $0x0  }
0x10e: {  	s2 =	simm.s32 @!p1 $0x80;
	[sflag:s0] =	ssyncadd.s32 @!p1 $0xFFFFFFFF  }
0x10f: {  	[spmem:s13] =	stream.linear.scatter @!p1 [tilespmem:s2], [sflag:$0x1], $0x1, $0x38;
	[tilespmem:$0x11A60] =	vst v63  }
0x110: {  	_ =	swait.ge @!p1 [sflag:s0], $0x1  }
0x111: {  	[sflag:s0] =	ssyncset.done @!p1 $0x0  }
0x112: {  	[sflag:s0] =	ssyncadd.s32 @!p1 $0xFFFFFFFF;
	(ifvalue) =	ssetifvalue $0xFFFFFFFF;
	v3 =	vld [tilespmem:s25+$0x10];
	_ =	sdelay $0x3  }
.Ltmp14:
0x113: {  	_ = 	snop;
	(pc) =	sbr.rel .LBB3_9-.Ltmp14, $3  }
0x114: {  	_ =	sdelay $0x1  }
0x115: {  	(ifvalue) =	ssetifvalue $0xFFFFFFFF  }
0x116: {  	[hbm4b:s1+s16] =	stream.indirect_vreg.scatter [tilespmem:s26], [sflag:$0x9], $0x1, v3, vm0, $0x4038;
	[tilespmem:$0x11A60] =	vst v63  }
.LBB3_10:
0x117: {  	_ =	sfence.sel $0x180000  }
0x118: {  	s0 =	simm.s32 $0x7;
	[bflag:$0x0] =	sbarrier.arrive $0xFFFF  }
0x119: {  	s26 =	simm.s32 $0x8;
	[sflag:s0] =	ssyncpa.u1 $0x1  }
0x11a: {  	s28 =	simm.s32 $0x9;
	[sflag:s26] =	ssyncpa.u1 $0x1  }
0x11b: {  	[sflag:s28] =	ssyncpa.u1 $0x1  }
0x11c: {  	_ =	sfence.stream.spmem  }
0x11d: {  	s29 =	simm.s32 $0x3;
	[bflag:$0x0] =	sbarrier.arrive $0xFFFF  }
0x11e: {  	s30 =	simm.s32 $0x4;
	[sflag:s29] =	ssyncpa.u1 $0x1  }
0x11f: {  	s31 =	simm.s32 $0x3C;
	s2 =	stileid.u32;
	[sflag:s30] =	ssyncpa.u1 $0x1  }
0x120: {  	p0 =	sne.s32 s2, $0x0;
	[sflag:s31] =	ssyncpa.u1 $0x1  }
0x121: {  	s0 =	simm.s32 @p0 $0x1;
	_ =	sfence @p0  }
0x122: {  	[sflag:s0] =	ssyncpa.u1 @p0 $0x1;
	s0 =	simm.s32 @p0 $0x2  }
0x123: {  	[sflag:s0] =	ssyncpa.u1 @p0 $0x1  }
0x124: {  	_ =	strace @p0 $0x9000005C  }
0x125: {  	[bflag:$0x2] =	sbarrier.arrive @p0 $0xFFFF  }
0x126: {  	_ =	shalt @p0  }
.LBB3_11:
0x127: {  	_ =	sfence.stream.spmem;
	s0 =	simm.s32 $0x5  }
0x128: {  	s2 =	simm.s32 $0x80;
	s3 =	simm.s32 $0xC0;
	[sflag:s0] =	ssyncpa.u1 $0x0  }
0x129: {  	[tilespmem:s3], [sflag:$0x5] =	stream.linear.gather [spmem:s2], $0x20, $0x38;
	[tilespmem:$0x11A60] =	vst v63  }
0x12a: {  	s2 =	simm.s32 $0x0;
	s3 =	simm.s32 $0xE0  }
0x12b: {  	[tilespmem:s3], [sflag:$0x5] =	stream.linear.gather [spmem:s2], $0x20, $0x38;
	[tilespmem:$0x11A60] =	vst v63  }
.Ltmp15:
0x12c: {  	_ = 	snop;
	(pc) =	sbr.rel .LBB3_12-.Ltmp15, $4  }
0x12d: {  	_ =	swait.ge [sflag:s0], $0x40  }
0x12e: {  	[sflag:s0] =	ssyncset.done $0x0  }
0x12f: {  	s31 =	simm.s32 $0x6;
	[sflag:s0] =	ssyncadd.s32 $0xFFFFFFC0  }
0x130: {  	s4 =	simm.s32 $0x0;
	[sflag:s31] =	ssyncpa.u1 $0x0  }
.LBB3_17:
0x131: {  	p0 =	sgt.u32 s5, $0x27FF  }
0x132: {  	s0 =	sshrl.u32 @!p0 s5, $0x3  }
0x133: {  	s5 =	sand.u32 @!p0 $0x7, s5;
	s6 =	simm.s32 @!p0 $0xB0;
	s0 =	sadd.s32 @!p0 s1, s0  }
0x134: {  	[tilespmem:s6], [sflag:$0x6] =	stream.linear.gather @!p0 [hbm4b:s0+s5], $0x1, $0x38;
	[tilespmem:$0x11A60] =	vst v63  }
0x135: {  	s0 =	simm.s32 @!p0 $0x6  }
0x136: {  	_ =	swait.ge @!p0 [sflag:s0], $0x1  }
0x137: {  	[sflag:s0] =	ssyncset.done @!p0 $0x0  }
0x138: {  	[sflag:s0] =	ssyncadd.s32 @!p0 $0xFFFFFFFF  }
0x139: {  	v2 =	vmov @!p0 s4;
	v1 =	vld.msk @!p0 [tilespmem:$0xB0], $0x1;
	_ =	sdelay $0x3  }
0x13a: {  	s0 =	simm.s32 @!p0 $0xE0  }
0x13b: {  	[tilespmem:v2+s0+$0x0], v1 =	vst.idx.ret.add.f32.msk @!p0 $0x1, v1  }
0x13c: {  	[tilespmem:s2+$0xC0] =	vst.msk $0x1, v0  }
0x13d: {  	v0 =	vld.msk [tilespmem:s4+$0xE0], $0x1;
	_ =	sdelay $0x4  }
0x13e: {  	[tilespmem:s2+$0xE0] =	vst.msk $0x1, v0;
	s2 =	sadd.s32 $0x1, s2  }
.LBB3_19:
0x13f: {  	s4 =	sadd.s32 $0x1, s4  }
0x140: {  	p0 =	sne.s32 s4, $0x20  }
.Ltmp16:
0x141: {  	_ = 	snop;
	(pc) =	sbr.rel @!p0 .LBB3_20-.Ltmp16, $1  }
0x142: {  	_ =	sdelay $0x3  }
.LBB3_12:
0x143: {  	v0 =	vld.msk [tilespmem:s4+$0xC0], $0x1;
	_ =	sdelay $0x4  }
0x144: {  	(v2sf) =	vpush v0, $0x0;
	_ =	sdelay $0xe  }
0x145: {  	s5 =	spop (v2sf)  }
0x146: {  	p0 =	seq.s32 s5, $0xFFFFFFFF  }
.Ltmp17:
0x147: {  	_ = 	snop;
	(pc) =	sbr.rel @p0 .LBB3_19-.Ltmp17, $1  }
0x148: {  	_ =	sdelay $0x3  }
0x149: {  	p0 =	slt.s32 s2, $0x1  }
.Ltmp18:
0x14a: {  	_ = 	snop;
	(pc) =	sbr.rel @p0 .LBB3_17-.Ltmp18, $1  }
0x14b: {  	_ =	sdelay $0x3  }
0x14c: {  	s0 =	simm.s32 $0xC0;
	p0 =	por $0x0, $0x0  }
0x14d: {  	v1 =	vld.msk @!p0 [tilespmem:s0+$0x0], $0x1;
	_ =	sdelay $0x4  }
0x14e: {  	(v2sf) =	vpush @!p0 v1, $0x0;
	_ =	sdelay $0xd  }
0x14f: {  	p2 =	sne.s32 s2, $0x1  }
.Ltmp19:
0x150: {  	s6 =	spop @!p0 (v2sf);
	(pc) =	sbr.rel @!p2 .LBB3_16-.Ltmp19, $4  }
0x151: {  	p1 =	seq.s32 @!p0 s5, s6  }
0x152: {  	s6 =	simm.s32 $0x0;
	p1 =	por !p1, p0  }
0x153: {  	s8 =	simm.s32 $0xFFFFFFFF;
	s6 =	simm.s32 @p1 $0xFFFFFFFF  }
0x154: {  	s7 =	simm.s32 $0x1;
	s6 =	smov.u32 @p0 s8  }
.LBB3_15:
0x155: {  	s8 =	smov.u32 s6;
	p0 =	sne.s32 s6, $0xFFFFFFFF  }
0x156: {  	s0 =	sadd.s32 $0x1, s0;
	s6 =	smov.u32 s7;
	s7 =	sadd.s32 $0x1, s7  }
0x157: {  	p1 =	sne.s32 s2, s7;
	v1 =	vld.msk @!p0 [tilespmem:s0+$0x0], $0x1;
	_ =	sdelay $0x4  }
0x158: {  	(v2sf) =	vpush @!p0 v1, $0x0;
	_ =	sdelay $0xe  }
.Ltmp20:
0x159: {  	s9 =	spop @!p0 (v2sf);
	(pc) =	sbr.rel @p1 .LBB3_15-.Ltmp20, $4  }
0x15a: {  	p2 =	seq.s32 @!p0 s5, s9  }
0x15b: {  	p2 =	por !p2, p0  }
0x15c: {  	s6 =	simm.s32 @p2 $0xFFFFFFFF  }
0x15d: {  	s6 =	smov.u32 @p0 s8  }
.LBB3_16:
0x15e: {  	p0 =	sne.s32 s6, $0xFFFFFFFF  }
.Ltmp21:
0x15f: {  	_ = 	snop;
	(pc) =	sbr.rel @!p0 .LBB3_17-.Ltmp21, $1  }
0x160: {  	_ =	sdelay $0x3  }
0x161: {  	v0 =	vld.msk [tilespmem:s4+$0xE0], $0x1;
	v1 =	vmov s6  }
.Ltmp22:
0x162: {  	_ = 	snop;
	(pc) =	sbr.rel .LBB3_19-.Ltmp22, $2  }
0x163: {  	_ =	sdelay $0x2  }
0x164: {  	[tilespmem:v1+s3+$0x0], v0 =	vst.idx.ret.add.f32.msk $0x1, v0  }
.LBB3_20:
0x165: {  	p0 =	slt.s32 s2, $0x1  }
.Ltmp23:
0x166: {  	_ = 	snop;
	(pc) =	sbr.rel @p0 .LBB3_24-.Ltmp23, $3  }
0x167: {  	_ =	sdelay $0x1  }
0x168: {  	s0 =	simm.s32 $0x6  }
0x169: {  	s3 =	simm.s32 $0x0;
	[sflag:s0] =	ssyncpa.u1 $0x1  }
0x16a: {  	s0 =	simm.s32 $0xC0  }
0x16b: {  	v0 =	vld.msk [tilespmem:s0+$0x0], $0x1;
	_ =	sdelay $0x4  }
0x16c: {  	(v2sf) =	vpush v0, $0x0;
	_ =	sdelay $0xe  }
0x16d: {  	s2 =	sadd.s32 $0xFFFFFFFF, s2;
	s4 =	spop (v2sf)  }
0x16e: {  	p1 =	sne.s32 s2, $0x0;
	p0 =	sgt.u32 s4, $0x27FF  }
.Ltmp24:
0x16f: {  	s5 =	sshrl.u32 @!p0 s4, $0x3;
	(pc) =	sbr.rel @!p1 .LBB3_23-.Ltmp24, $4  }
0x170: {  	s0 =	simm.s32 $0xE0;
	s4 =	sand.u32 @!p0 $0x7, s4;
	s5 =	sadd.s32 @!p0 s1, s5  }
0x171: {  	[hbm4b:s5+s4] =	stream.linear.scatter @!p0 [tilespmem:s0], [sflag:$0x5], $0x1, $0x38;
	[tilespmem:$0x11A60] =	vst v63  }
0x172: {  	s5 =	simm.s32 $0x0  }
0x173: {  	s4 =	simm.s32 $0xC1;
	s5 =	simm.s32 @!p0 $0x4  }
.LBB3_22:
0x174: {  	v0 =	vld.msk [tilespmem:s4+$0x0], $0x1;
	s2 =	sadd.s32 $0xFFFFFFFF, s2;
	s3 =	sadd.s32 s3, s5  }
0x175: {  	p0 =	sne.s32 s2, $0x0;
	_ =	sdelay $0x3  }
0x176: {  	(v2sf) =	vpush v0, $0x0;
	_ =	sdelay $0xe  }
.Ltmp25:
0x177: {  	s6 =	spop (v2sf);
	(pc) =	sbr.rel @p0 .LBB3_22-.Ltmp25, $4  }
0x178: {  	s5 =	simm.s32 $0x0;
	p1 =	sgt.u32 s6, $0x27FF  }
0x179: {  	s0 =	sadd.s32 $0x1, s0;
	s5 =	simm.s32 @!p1 $0x4;
	s7 =	sshrl.u32 @!p1 s6, $0x3  }
0x17a: {  	s4 =	sadd.s32 $0x1, s4;
	s6 =	sand.u32 @!p1 $0x7, s6;
	s7 =	sadd.s32 @!p1 s1, s7  }
0x17b: {  	[hbm4b:s7+s6] =	stream.linear.scatter @!p1 [tilespmem:s0], [sflag:$0x5], $0x1, $0x38;
	[tilespmem:$0x11A60] =	vst v63  }
.LBB3_23:
0x17c: {  	s0 =	sadd.s32 s3, s5  }
0x17d: {  	s3 =	sshrl.u32 s0, $0x2  }
.LBB3_24:
0x17e: {  	s0 =	simm.s32 $0x5  }
0x17f: {  	_ =	swait.ge [sflag:s0], s3  }
0x180: {  	s1 =	ssub.s32 $0x0, s3;
	[sflag:s0] =	ssyncset.done $0x0  }
0x181: {  	[sflag:s0] =	ssyncadd.s32 s1  }
0x182: {  	[sflag:s0] =	ssyncpa.u1 $0x1  }
0x183: {  	s29 =	simm.s32 $0x1;
	_ =	sfence  }
0x184: {  	s30 =	simm.s32 $0x2;
	[sflag:s29] =	ssyncpa.u1 $0x1  }
0x185: {  	[sflag:s30] =	ssyncpa.u1 $0x1  }
0x186: {  	_ =	strace $0x9000005C  }
0x187: {  	[bflag:$0x2] =	sbarrier.arrive $0xFFFF  }
0x188: {  	s31 =	rddreg [dreg:$0x1]  }
0x189: {  	s0 =	sadd.s32 $0x100000, s31  }
0x18a: {  	[sflag:s0] =	ssyncadd.tile.s32 $0x1;
	_ =	shalt  }
.Lfunc_end3:
_tile_overlayer_lowered:
.L_overlay_start_3:
0x18b: {  	(tag) =	ssettag $0x3  }
0x18c: {  	s0 =	rddreg [dreg:$0x0];
	s2 =	stileid.u32  }
0x18d: {  	s1 =	rddreg [dreg:$0x1];
	p0 =	sne.s32 s2, $0x0  }
0x18e: {  	s3 =	rddreg [dreg:$0x2];
	[bflag:$0x3] =	sbarrier.arrive $0xFFFF;
	s2 =	simm.s32 @!p0 $0x1C01  }
0x18f: {  	[timem:s3], [sflag:s2] =	dma.local @!p0 [hbm:s0], s1  }
0x190: {  	s0 =	simm.s32 @!p0 $0x1  }
0x191: {  	_ =	swait.ge @!p0 [sflag:s0], s1  }
0x192: {  	s1 =	ssub.s32 @!p0 $0x0, s1;
	[sflag:s0] =	ssyncset.done @!p0 $0x0  }
0x193: {  	[sflag:s0] =	ssyncadd.s32 @!p0 s1  }
0x194: {  	[bflag:$0x3] =	sbarrier.arrive $0xFFFF  }
0x195: {  	_ =	shalt  }

// kernel: scatter_offload_async_start
scs
__scs_entry_jumppad:
0x0: {  	(pc) =	sbr.rel $0x88, $3  }
0x1: {  	(tag) =	ssettag $0x0;
	lr =	simm.s32 $0x1  }
0x2: {  	[smem:$0x3F96] =	sst lr;
	_ =	strace $0xD0000000  }
0x3: {  	_ = 	snop  }
0x4: {  	_ = 	snop  }
0x5: {  	_ = 	snop  }
0x6: {  	_ = 	snop  }
0x7: {  	_ = 	snop  }
__scs_overlays_trampoline_lowered:
0x8: {  	[smem:$0x3FA5] =	sst s0  }
0x9: {  	[smem:$0x3FA6] =	sst s1  }
0xa: {  	[smem:$0x3FA7] =	sst s2  }
0xb: {  	[smem:$0x3FA8] =	sst s3  }
0xc: {  	[smem:$0x3FA9] =	sst s4  }
0xd: {  	[smem:$0x3FAA] =	sst s5  }
0xe: {  	[smem:$0x3FAB] =	sst s6  }
0xf: {  	[smem:$0x3FAC] =	sst s7  }
0x10: {  	[smem:$0x3FAD] =	sst s8  }
0x11: {  	[smem:$0x3FAE] =	sst s9;
	s0 =	simm.s32 @!p0 $0x0  }
0x12: {  	s1 =	sld [smem:$0x3F94];
	s0 =	simm.s32 @p0 $0x1  }
0x13: {  	[smem:$0x3FAF] =	sst s0;
	s0 =	simm.s32 @!p1 $0x0  }
0x14: {  	s2 =	sld [smem:$0x3F93];
	s0 =	simm.s32 @p1 $0x1  }
0x15: {  	[smem:$0x3FB0] =	sst s0;
	s0 =	simm.s32 @!p2 $0x0  }
0x16: {  	s3 =	sld [smem:$0x3FDB];
	s0 =	simm.s32 @p2 $0x1  }
0x17: {  	s4 =	simm.s32 $0x1BF5;
	[smem:$0x3FB2] =	sst s0  }
0x18: {  	s0 =	sld [smem:$0x3F95];
	_ =	swait.ge [sflag:s4], $0x0  }
0x19: {  	s7 =	sld [smem:$0x3F96]  }
0x1a: {  	s8 =	sadd.s32 $0xFFFFE003, lr  }
0x1b: {  	s9 =	sadd.s32 $0xFFFFFEF7, lr;
	s5 =	simm.s32 $0xFFFFFFFF;
	p2 =	slt.u32 s8, $0xFFFFF086  }
0x1c: {  	p1 =	slt.u32 s9, $0xF7A;
	s5 =	simm.s32 @!p2 $0x0  }
0x1d: {  	s5 =	simm.s32 @p1 $0x1;
	p0 =	seq.s32 s7, s2  }
0x1e: {  	s7 =	smul.u32 @!p0 $0xF7A, s2;
	p2 =	seq.s32 @!p0 s5, $0x0  }
0x1f: {  	s9 =	smul.u32 $0xF7A, s1;
	s8 =	simm.s32 @!p0 $0x1BF5;
	p2 =	por !p2, p0  }
0x20: {  	[sflag:s8] =	ssyncset.s32 @!p0 $0xFFFFF086;
	s6 =	sadd.s32 @!p0 s3, s7;
	s7 =	simm.s32 @!p0 $0x108  }
0x21: {  	s3 =	sadd.s32 s3, s9;
	s6 =	sadd.s32 @!p0 $0x88, s6;
	s7 =	simm.s32 @p2 $0x1082  }
0x22: {  	[simem:s7], [sflag:s8] =	dma.local @!p0 [hbm:s6], $0xF7A  }
0x23: {  	s9 =	sor.u32 $0xD0000000, s2;
	s6 =	simm.s32 $0x108;
	_ =	swait.ge @!p0 [sflag:s8], $0x0  }
0x24: {  	s3 =	sadd.s32 $0x88, s3;
	s6 =	simm.s32 @!p1 $0x1082;
	[sflag:s4] =	ssyncset.s32 $0xFFFFF086  }
0x25: {  	[simem:s6], [sflag:s4] =	dma.local [hbm:s3], $0xF7A  }
0x26: {  	[smem:$0x3F96] =	sst s1;
	(tag) =	ssettag s2;
	_ =	strace s9  }
0x27: {  	s1 =	sld [smem:$0x3FA6]  }
0x28: {  	s2 =	sld [smem:$0x3FA7]  }
0x29: {  	s4 =	sld [smem:$0x3FA9]  }
0x2a: {  	p0 =	seq.s32 s5, $0x0;
	s5 =	sld [smem:$0x3FAA]  }
0x2b: {  	s6 =	sld [smem:$0x3FAB]  }
0x2c: {  	s7 =	sld [smem:$0x3FAC]  }
0x2d: {  	s3 =	simm.s32 $0x108;
	s8 =	sld [smem:$0x3FAD]  }
0x2e: {  	s3 =	simm.s32 @!p0 $0x1082;
	s9 =	sld [smem:$0x3FAE]  }
0x2f: {  	lr =	sadd.s32 s0, s3;
	s0 =	sld [smem:$0x3FA5]  }
0x30: {  	s3 =	sld [smem:$0x3FA8]  }
0x31: {  	[smem:$0x3FB1] =	sst s10  }
0x32: {  	s10 =	sld [smem:$0x3FAF];
	_ =	sdelay $0x3  }
0x33: {  	p0 =	seq.s32 s10, $0x1;
	s10 =	sld [smem:$0x3FB1];
	_ =	sdelay $0x3  }
0x34: {  	[smem:$0x3FB1] =	sst s10  }
0x35: {  	s10 =	sld [smem:$0x3FB0];
	_ =	sdelay $0x3  }
0x36: {  	p1 =	seq.s32 s10, $0x1;
	s10 =	sld [smem:$0x3FB1];
	_ =	sdelay $0x3  }
0x37: {  	[smem:$0x3FB1] =	sst s10  }
0x38: {  	s10 =	sld [smem:$0x3FB2]  }
0x39: {  	_ = 	snop;
	(pc) =	sbr.ind lr, $3  }
0x3a: {  	_ = 	snop  }
0x3b: {  	_ = 	snop  }
0x3c: {  	p2 =	seq.s32 s10, $0x1;
	s10 =	sld [smem:$0x3FB1]  }
0x3d: {  	_ =	shalt  }
0x3e: {  	_ =	shalt  }
0x3f: {  	_ =	shalt  }
0x40: {  	_ =	shalt  }
0x41: {  	_ =	shalt  }
0x42: {  	_ =	shalt  }
0x43: {  	_ =	shalt  }
0x44: {  	_ =	shalt  }
0x45: {  	_ =	shalt  }
0x46: {  	_ =	shalt  }
0x47: {  	_ =	shalt  }
0x48: {  	_ =	shalt  }
0x49: {  	_ =	shalt  }
0x4a: {  	_ =	shalt  }
0x4b: {  	_ =	shalt  }
0x4c: {  	_ =	shalt  }
0x4d: {  	_ =	shalt  }
0x4e: {  	_ =	shalt  }
0x4f: {  	_ =	shalt  }
0x50: {  	_ =	shalt  }
0x51: {  	_ =	shalt  }
0x52: {  	_ =	shalt  }
0x53: {  	_ =	shalt  }
0x54: {  	_ =	shalt  }
0x55: {  	_ =	shalt  }
0x56: {  	_ =	shalt  }
0x57: {  	_ =	shalt  }
0x58: {  	_ =	shalt  }
0x59: {  	_ =	shalt  }
0x5a: {  	_ =	shalt  }
0x5b: {  	_ =	shalt  }
0x5c: {  	_ =	shalt  }
0x5d: {  	_ =	shalt  }
0x5e: {  	_ =	shalt  }
0x5f: {  	_ =	shalt  }
0x60: {  	_ =	shalt  }
0x61: {  	_ =	shalt  }
0x62: {  	_ =	shalt  }
0x63: {  	_ =	shalt  }
0x64: {  	_ =	shalt  }
0x65: {  	_ =	shalt  }
0x66: {  	_ =	shalt  }
0x67: {  	_ =	shalt  }
0x68: {  	_ =	shalt  }
0x69: {  	_ =	shalt  }
0x6a: {  	_ =	shalt  }
0x6b: {  	_ =	shalt  }
0x6c: {  	_ =	shalt  }
0x6d: {  	_ =	shalt  }
0x6e: {  	_ =	shalt  }
0x6f: {  	_ =	shalt  }
0x70: {  	_ =	shalt  }
0x71: {  	_ =	shalt  }
0x72: {  	_ =	shalt  }
0x73: {  	_ =	shalt  }
0x74: {  	_ =	shalt  }
0x75: {  	_ =	shalt  }
0x76: {  	_ =	shalt  }
0x77: {  	_ =	shalt  }
0x78: {  	_ =	shalt  }
0x79: {  	_ =	shalt  }
0x7a: {  	_ =	shalt  }
0x7b: {  	_ =	shalt  }
0x7c: {  	_ =	shalt  }
0x7d: {  	_ =	shalt  }
0x7e: {  	_ =	shalt  }
0x7f: {  	_ =	shalt  }
0x80: {  	_ =	shalt  }
0x81: {  	_ =	shalt  }
0x82: {  	_ =	shalt  }
0x83: {  	_ =	shalt  }
0x84: {  	_ =	shalt  }
0x85: {  	_ =	shalt  }
0x86: {  	_ =	shalt  }
0x87: {  	_ =	shalt  }
.Lfunc_end0:
.L_simem_size_0:
called_computation_lowered:
.L_overlay_start_0:
0x88: {  	s0 =	sld [smem:$0x3FD9]  }
0x89: {  	s1 =	sld [smem:$0x3FFE];
	_ =	sdelay $0x3  }
0x8a: {  	s0 =	sadd.s32 s1, s0  }
0x8b: {  	[smem:$0x3FBD] =	sst s0  }
0x8c: {  	_ = 	snop  }
0x8d: {  	(tm) =	ssettm $0x1  }
0x8e: {  	s14 =	sld [smem:$0x3FFB];
	_ =	sdelay $0x3  }
0x8f: {  	_ =	strace s14  }
0x90: {  	s0 =	sld [smem:$0x3FFC];
	_ =	sdelay $0x3  }
0x91: {  	_ =	strace s0  }
0x92: {  	s0 =	sld [smem:$0x3FFD];
	_ =	sdelay $0x3  }
0x93: {  	_ =	strace s0  }
0x94: {  	_ =	strace $0x8FFFFFFF  }
0x95: {  	s15 =	sld [smem:$0x3FDB];
	_ =	sdelay $0x1  }
0x96: {  	s16 =	simm.s32 $_scs_section_size  }
0x97: {  	s2 =	simm.s32 $_size__tile_overlayer_lowered;
	s3 =	simm.s32 $_tile_overlayer_lowered  }
0x98: {  	s4 =	simm.s32 $0x1BFF;
	s17 =	sshll.u32 s3, $0x1;
	s1 =	sadd.s32 s16, s15  }
0x99: {  	s18 =	simm.s32 $0x0;
	s2 =	sshll.u32 s2, $0x1;
	s3 =	sadd.s32 s17, s1  }
0x9a: {  	[timem:s18], [sflag:s4] =	dma.local [hbm:s3], s2  }
0x9b: {  	_ =	swait.ge [sflag:s4], s2  }
0x9c: {  	s2 =	ssub.s32 $0x0, s2;
	[sflag:s4] =	ssyncset.done $0x0  }
0x9d: {  	[sflag:s4] =	ssyncadd.s32 s2;
	_ =	sdelay $0x1  }
0x9e: {  	s19 =	simm.s32 $0x1B8B  }
0x9f: {  	_ =	swait.ge [sflag:s19], $0x1  }
0xa0: {  	[sflag:s19] =	ssyncset.done $0x0  }
0xa1: {  	s21 =	simm.s32 $0x1B8E;
	s20 =	sld [smem:$0x3FFE];
	[sflag:s19] =	ssyncadd.s32 $0xFFFFFFFF  }
0xa2: {  	s22 =	simm.s32 $execute0_lowered;
	[smem:$0x3FD2] =	sst s21  }
0xa3: {  	s3 =	sshll.u32 s22, $0x1;
	_ =	strace $0x80000052;
	[dreg:$0x1] =	wrdreg $0xFFFFFFFF  }
0xa4: {  	s23 =	simm.s32 $_size_execute0_lowered;
	s3 =	sadd.s32 s1, s3;
	[dreg:$0x0] =	wrdreg $0x0  }
0xa5: {  	s4 =	sshll.u32 s23, $0x1;
	[dreg:$0x2] =	wrdreg s3  }
0xa6: {  	[dreg:$0x3] =	wrdreg s4  }
0xa7: {  	[dreg:$0x4] =	wrdreg $0xC0  }
0xa8: {  	s24 =	simm.s32 $execute1_lowered;
	_ =	task [dreg:s18], $0x5FFFF  }
0xa9: {  	s3 =	sshll.u32 s24, $0x1;
	[dreg:$0x1] =	wrdreg $0xFFFFFFFF  }
0xaa: {  	s1 =	sadd.s32 s1, s3;
	[dreg:$0x0] =	wrdreg $0x60  }
0xab: {  	[dreg:$0x2] =	wrdreg s1  }
0xac: {  	[dreg:$0x3] =	wrdreg s20  }
0xad: {  	[dreg:$0x4] =	wrdreg $0x9  }
0xae: {  	_ =	task.clear_ibuf [dreg:s18], $0x5FFFF;
	_ =	strace $0x90000052  }
0xaf: {  	s25 =	simm.s32 $0x9;
	_ =	strace $0x80000054  }
0xb0: {  	_ =	swait.ge [sflag:s25], $0x1  }
0xb1: {  	[sflag:s25] =	ssyncadd.s32 $0xFFFFFFFF  }
0xb2: {  	_ =	strace $0x90000054  }
0xb3: {  	_ =	strace $0x80000055;
	[dreg:$0x1] =	wrdreg $0xFFFFFFFF  }
0xb4: {  	[dreg:$0x0] =	wrdreg $0x2030  }
0xb5: {  	[dreg:$0x2] =	wrdreg s20  }
0xb6: {  	[dreg:$0x3] =	wrdreg $0xA  }
0xb7: {  	_ =	task.clear_ibuf [dreg:s18], $0x4FFFF;
	_ =	strace $0x90000055  }
0xb8: {  	s26 =	simm.s32 $0xA;
	_ =	strace $0x80000057  }
0xb9: {  	_ =	swait.ge [sflag:s26], $0x1  }
0xba: {  	[sflag:s26] =	ssyncadd.s32 $0xFFFFFFFF  }
0xbb: {  	_ =	strace $0x90000057  }
0xbc: {  	_ =	sfence  }
0xbd: {  	s28 =	sld [smem:$0x0];
	_ =	sdelay $0x1  }
0xbe: {  	s29 =	srdreg.scid  }
0xbf: {  	s30 =	sshll.u32 s29, $0xD;
	s31 =	sshrl.u32 s29, $0x2  }
0xc0: {  	s2 =	sand.u32 $0x1, s29;
	s3 =	sand.u32 $0x4000, s30;
	s1 =	sadd.s32 s31, s28  }
0xc1: {  	s2 =	sor.u32 s3, s2;
	s1 =	sshll.u32 s1, $0x11  }
0xc2: {  	s1 =	sor.u32 s1, s2  }
0xc3: {  	s1 =	sadd.s32 $0x8F2B, s1  }
0xc4: {  	[sflag:s1] =	ssyncadd.remote.s32 $0x1  }
0xc5: {  	_ =	sfence.sel $0xFFFF  }
0xc6: {  	[dreg:$0x0] =	wrdreg $0xFFFFFFFF;
	(pc) =	sbr.abs _section_cstart, $3  }
0xc7: {  	[dreg:$0x1] =	wrdreg $0xFFFFFFFF  }
0xc8: {  	_ =	task.clear_ibuf [dreg:s18], $0x2FFFF;
	_ =	strace $0x9FFFFFFF  }
0xc9: {  	(tm) =	ssettm $0x7FFFFFFF  }
tec
execute0_lowered:
.L_overlay_start_1:
0x0: {  	(tag) =	ssettag $0x1  }
0x1: {  	s2 =	rddreg [dreg:$0x0]  }
0x2: {  	s4 =	rddreg [dreg:$0x1]  }
0x3: {  	s0 =	rddreg [dreg:$0x2];
	s3 =	stileid.u32  }
0x4: {  	[bflag:$0x3] =	sbarrier.arrive $0xFFFF;
	s1 =	simm.s32 $_size_execute1_lowered;
	p0 =	sne.s32 s3, $0x0  }
0x5: {  	s1 =	sshll.u32 s1, $0x1;
	s5 =	simm.s32 @!p0 $0x1C3F;
	s6 =	simm.s32 @!p0 $0x4060  }
0x6: {  	[timem:s6], [sflag:s5] =	dma.local @!p0 [hbm:s2], s1  }
0x7: {  	s2 =	smul.u32 $0x280, s3  }
.Ltmp0:
0x8: {  	s31 =	simm.s32 $0x2;
	s7 =	simm.s32 $0x280;
	(pc) =	sbr.rel .LBB2_1-.Ltmp0, $4  }
0x9: {  	s8 =	simm.s32 $0x780;
	s10 =	simm.s32 $0x0;
	s9 =	simm.s32 $0x0  }
0xa: {  	s3 =	simm.s32 $0x1;
	_ =	strace $0x80000053;
	s30 =	sshrl.u32 s2, $0x3  }
0xb: {  	s6 =	simm.s32 $0x0;
	[sflag:s3] =	ssyncpa.u1 $0x0;
	s5 =	sadd.s32 s30, s4  }
0xc: {  	s4 =	sadd.s32 $0xB000, s4;
	[sflag:s31] =	ssyncpa.u1 $0x0;
	s5 =	sadd.s32 $0xAA00, s5  }
.LBB2_8:
0xd: {  	p1 =	seq.s32 s9, $0x2  }
.Ltmp1:
0xe: {  	_ = 	snop;
	(pc) =	sbr.rel @p1 .LBB2_10-.Ltmp1, $1  }
0xf: {  	_ =	sdelay $0x3  }
.LBB2_9:
0x10: {  	s9 =	sadd.s32 $0x1, s9;
	s10 =	smov.u32 s2  }
.LBB2_1:
0x11: {  	p1 =	sne.s32 s9, $0x0  }
.Ltmp2:
0x12: {  	_ = 	snop;
	(pc) =	sbr.rel @!p1 .LBB2_2-.Ltmp2, $1  }
0x13: {  	_ =	sdelay $0x3  }
0x14: {  	s11 =	sand.u32 $0x1, s9  }
0x15: {  	p1 =	seq.s32 s11, $0x0  }
.Ltmp3:
0x16: {  	_ = 	snop;
	(pc) =	sbr.rel @p1 .LBB2_8-.Ltmp3, $1  }
0x17: {  	_ =	sdelay $0x3  }
0x18: {  	_ =	swait.ge [sflag:s3], $0x280  }
0x19: {  	[sflag:s3] =	ssyncset.done $0x0  }
0x1a: {  	s11 =	simm.s32 $0x0;
	p1 =	por $0x1, $0x1;
	[sflag:s3] =	ssyncadd.s32 $0xFFFFFD80  }
.LBB2_5:
0x1b: {  	v0 =	vld [tilespmem:s11+$0x280]  }
0x1c: {  	v1 =	vld [tilespmem:s11+$0x290]  }
0x1d: {  	v2 =	vld [tilespmem:s11+$0x2A0]  }
0x1e: {  	v3 =	vld [tilespmem:s11+$0x2B0]  }
0x1f: {  	v4 =	vld [tilespmem:s11+$0x2C0]  }
0x20: {  	v53 =	vld [tilespmem:s11+$0x2D0];
	[tilespmem:s11+$0x780] =	vst v0  }
0x21: {  	v54 =	vld [tilespmem:s11+$0x2E0];
	[tilespmem:s11+$0x790] =	vst v1  }
0x22: {  	v55 =	vld [tilespmem:s11+$0x2F0];
	[tilespmem:s11+$0x7A0] =	vst v2  }
0x23: {  	v56 =	vld [tilespmem:s11+$0x300];
	[tilespmem:s11+$0x7B0] =	vst v3  }
0x24: {  	v57 =	vld [tilespmem:s11+$0x310];
	[tilespmem:s11+$0x7C0] =	vst v4  }
0x25: {  	v58 =	vld [tilespmem:s11+$0x320];
	[tilespmem:s11+$0x7D0] =	vst v53  }
0x26: {  	v59 =	vld [tilespmem:s11+$0x330];
	[tilespmem:s11+$0x7E0] =	vst v54  }
0x27: {  	v60 =	vld [tilespmem:s11+$0x340];
	[tilespmem:s11+$0x7F0] =	vst v55  }
0x28: {  	v61 =	vld [tilespmem:s11+$0x350];
	[tilespmem:s11+$0x800] =	vst v56  }
0x29: {  	v62 =	vld [tilespmem:s11+$0x360];
	[tilespmem:s11+$0x810] =	vst v57  }
0x2a: {  	v63 =	vld [tilespmem:s11+$0x370];
	p2 =	por p1, p1;
	[tilespmem:s11+$0x820] =	vst v58  }
.Ltmp4:
0x2b: {  	[tilespmem:s11+$0x830] =	vst v59;
	(pc) =	sbr.rel @p2 .LBB2_5-.Ltmp4, $4  }
0x2c: {  	[tilespmem:s11+$0x840] =	vst v60  }
0x2d: {  	[tilespmem:s11+$0x850] =	vst v61  }
0x2e: {  	s12 =	simm.s32 $0x1F0;
	s13 =	simm.s32 $0x980;
	[tilespmem:s11+$0x860] =	vst v62  }
0x2f: {  	s14 =	simm.s32 $0x480;
	p1 =	por $0x0, $0x0;
	[tilespmem:s11+$0x870] =	vst v63;
	s11 =	simm.s32 $0x100  }
.LBB2_6:
0x30: {  	s12 =	sadd.s32 $0x10, s12  }
0x31: {  	v0 =	vld [tilespmem:s14+$0x0];
	p1 =	slt.u32 s12, $0x270  }
.Ltmp5:
0x32: {  	_ = 	snop;
	(pc) =	sbr.rel @p1 .LBB2_6-.Ltmp5, $2  }
0x33: {  	_ =	sdelay $0x2  }
0x34: {  	s14 =	sadd.s32 $0x10, s14;
	[tilespmem:s13+$0x0] =	vst v0;
	s13 =	sadd.s32 $0x10, s13  }
.Ltmp6:
0x35: {  	(pc) =	sbr.rel .LBB2_8-.Ltmp6, $4  }
0x36: {  	_ = 	snop  }
0x37: {  	s10 =	sshrl.u32 s10, $0x3  }
0x38: {  	s10 =	sadd.s32 s4, s10  }
0x39: {  	[hbm4b:s10+s6] =	stream.linear.scatter [tilespmem:s8], [sflag:$0x2], $0x280, $0x38;
	[tilespmem:$0xA00] =	vst v63  }
.LBB2_2:
.Ltmp7:
0x3a: {  	(pc) =	sbr.rel .LBB2_9-.Ltmp7, $2  }
0x3b: {  	_ =	sdelay $0x2  }
0x3c: {  	[tilespmem:s7], [sflag:$0x1] =	stream.linear.gather [hbm4b:s5+s6], $0x280, $0x38;
	[tilespmem:$0xA00] =	vst v63  }
.LBB2_10:
0x3d: {  	s2 =	simm.s32 $0x2  }
0x3e: {  	_ =	swait.ge [sflag:s2], $0x280  }
0x3f: {  	[sflag:s2] =	ssyncset.done $0x0  }
0x40: {  	[sflag:s2] =	ssyncadd.s32 $0xFFFFFD80  }
0x41: {  	_ =	sfence.sel $0x180000  }
0x42: {  	s3 =	simm.s32 $0x1;
	[bflag:$0x0] =	sbarrier.arrive $0xFFFF  }
0x43: {  	[sflag:s3] =	ssyncpa.u1 $0x1  }
0x44: {  	[sflag:s2] =	ssyncpa.u1 $0x1  }
0x45: {  	_ =	strace $0x90000053  }
0x46: {  	s0 =	sadd.s32 @!p0 $0x100000, s0;
	[bflag:$0x2] =	sbarrier.arrive $0xFFFF  }
0x47: {  	[sflag:s0] =	ssyncadd.tile.s32 @!p0 $0x1;
	s0 =	simm.s32 @!p0 $0x3F  }
0x48: {  	_ =	swait.ge @!p0 [sflag:s0], s1  }
0x49: {  	s1 =	ssub.s32 @!p0 $0x0, s1;
	[sflag:s0] =	ssyncset.done @!p0 $0x0  }
0x4a: {  	[sflag:s0] =	ssyncadd.s32 @!p0 s1  }
0x4b: {  	[bflag:$0x3] =	sbarrier.arrive $0xFFFF  }
0x4c: {  	_ =	shalt  }
.Lfunc_end2:
execute1_lowered:
.L_overlay_start_2:
0x4d: {  	(tag) =	ssettag $0x2  }
0x4e: {  	s3 =	rddreg [dreg:$0x0];
	_ =	strace $0x80000056;
	s15 =	stileid.u32  }
0x4f: {  	s0 =	simm.s32 $0x1;
	s1 =	smin.u32 s15, $0x8;
	s4 =	sshll.u32 s15, $0x1  }
0x50: {  	v1 =	vimm.s32 $0xFFFFFFFF;
	[sflag:s0] =	ssyncpa.u1 $0x0;
	s1 =	sadd.s32 s1, s4  }
0x51: {  	p0 =	slt.u32 s15, $0x8;
	[tilespmem:$0x10] =	vst v1;
	s5 =	smul.u32 $0x1F40, s1;
	s1 =	simm.s32 $0x5DC0  }
0x52: {  	v0 =	vimm.f32 $0.0e+00;
	[tilespmem:$0x20] =	vst v1;
	s1 =	simm.s32 @!p0 $0x3E80  }
0x53: {  	[tilespmem:$0x30] =	vst v0;
	s1 =	sadd.s32 s1, s5  }
0x54: {  	[tilespmem:$0x40] =	vst v0;
	s6 =	smin.u32 s1, $0x4E200  }
0x55: {  	s7 =	simm.s32 $0x2;
	[tilespmem:$0x50] =	vst v0;
	s2 =	ssub.s32 s6, s5  }
0x56: {  	s8 =	simm.s32 $0x8;
	s31 =	simm.s32 $0x9;
	[tilespmem:$0x60] =	vst v1;
	p0 =	sgt.s32 s2, $0x0  }
0x57: {  	s16 =	simm.s32 $0x0;
	s17 =	simm.s32 $0xF0;
	[tilespmem:$0x70] =	vst v1;
	s2 =	simm.s32 @!p0 $0x0  }
0x58: {  	s18 =	simm.s32 $0xFFFFFFFF;
	s19 =	simm.s32 $0xFFFFC280;
	[tilespmem:$0x80] =	vst v1;
	s30 =	smulhi.u32 $0x10624DD3, s2  }
0x59: {  	s20 =	simm.s32 $0xFFFFFFFE;
	s21 =	simm.s32 $0xF;
	s25 =	simm.s32 $0x0;
	v1 =	vimm.s32 $0x0;
	[tilespmem:$0xB0] =	vst v0  }
0x5a: {  	s24 =	simm.s32 $0x0;
	s15 =	sshllo.u32 s15, $0x1;
	[tilespmem:$0x90] =	vst v1;
	s10 =	sshrl.u32 s30, $0x9  }
0x5b: {  	[tilespmem:$0xA0] =	vst v1;
	[sflag:s7] =	ssyncpa.u1 $0x0;
	s7 =	simm.s32 $0x7;
	s9 =	smul.u32 $0x1F40, s10  }
.Ltmp8:
0x5c: {  	s13 =	sor.u32 $0x80, s4;
	[sflag:s7] =	ssyncpa.u1 $0x0;
	(pc) =	sbr.rel .LBB3_1-.Ltmp8, $4  }
0x5d: {  	s14 =	sor.u32 $0x81, s4;
	[sflag:s8] =	ssyncpa.u1 $0x0;
	p0 =	sne.s32 s2, s9  }
0x5e: {  	s23 =	smov.u32 s5;
	s1 =	sadd.s32 $0xB000, s3;
	s0 =	simm.s32 @!p0 $0x0  }
0x5f: {  	vm0 =	vmmov $0xffff;
	v2 =	vlaneseq.u32;
	[sflag:s31] =	ssyncpa.u1 $0x0;
	s9 =	sadd.s32 $0x1AE00, s3;
	s10 =	sadd.s32 s0, s10  }
0x60: {  	vm1 =	vmxor vm1, vm1;
	vm2 =	vmmov $0x1;
	vm3 =	vcmask $0x3F3C;
	p0 =	por $0x0, $0x0;
	s11 =	sadd.s32 $0x1, s10;
	s12 =	sadd.s32 $0x2, s10  }
.LBB3_9:
0x61: {  	p1 =	slt.u32 s24, $0x3  }
0x62: {  	s0 =	simm.s32 @!p1 $0x2  }
0x63: {  	_ =	swait.ge @!p1 [sflag:s0], $0x1F40  }
0x64: {  	[sflag:s0] =	ssyncset.done @!p1 $0x0  }
0x65: {  	[sflag:s0] =	ssyncadd.s32 @!p1 $0xFFFFE0C0;
	s0 =	simm.s32 @!p1 $0x9  }
0x66: {  	_ =	swait.ge @!p1 [sflag:s0], $0x10  }
0x67: {  	[sflag:s0] =	ssyncset.done @!p1 $0x0  }
0x68: {  	[sflag:s0] =	ssyncadd.s32 @!p1 $0xFFFFFFF0;
	p1 =	sne.s32 s24, s12  }
.Ltmp9:
0x69: {  	s2 =	sadd.s32 $0x1F40, s23;
	(pc) =	sbr.rel @!p1 .LBB3_10-.Ltmp9, $4  }
0x6a: {  	s22 =	smov.u32 s5;
	s31 =	sadd.s32 $0x1, s24;
	s17 =	sadd.s32 $0x1F40, s17  }
0x6b: {  	s18 =	sadd.s32 $0x1, s18;
	s25 =	smov.u32 s23;
	p2 =	slt.s32 s2, s6  }
0x6c: {  	p0 =	por !p0, !p0;
	s19 =	sadd.s32 $0x1F40, s19;
	s22 =	smov.u32 @p2 s2  }
0x6d: {  	s20 =	sadd.s32 $0x1, s20;
	s23 =	smov.u32 s22;
	s24 =	smov.u32 s31  }
.LBB3_1:
0x6e: {  	p1 =	sge.u32 s24, s10  }
0x6f: {  	s0 =	smulhi.u32 @!p1 $0xAAAAAAAB, s24;
	_ =	sdelay $0x1  }
0x70: {  	s0 =	sshrl.u32 @!p1 s0, $0x1  }
0x71: {  	s0 =	smul.u32 @!p1 $0x3, s0;
	_ =	sdelay $0x1  }
0x72: {  	s0 =	ssub.s32 @!p1 s24, s0  }
0x73: {  	s0 =	smul.u32 @!p1 $0x7D00, s0;
	_ =	sdelay $0x1  }
0x74: {  	s2 =	sshrl.u32 @!p1 s23, $0x3;
	s0 =	sshrl.u32 @!p1 s0, $0x2  }
0x75: {  	s22 =	sand.u32 @!p1 $0x7, s23;
	s2 =	sadd.s32 @!p1 s3, s2;
	s0 =	sadd.s32 @!p1 $0x100, s0  }
0x76: {  	[tilespmem:s0], [sflag:$0x7] =	stream.linear.gather @!p1 [hbm4b:s2+s22], $0x1F40, $0x38;
	[tilespmem:$0x11A60] =	vst v63  }
0x77: {  	s0 =	sadd.s32 $0xFFFFFFFF, s24  }
0x78: {  	p1 =	sge.u32 s0, s10  }
.Ltmp10:
0x79: {  	_ = 	snop;
	(pc) =	sbr.rel @p1 .LBB3_5-.Ltmp10, $1  }
0x7a: {  	_ =	sdelay $0x3  }
0x7b: {  	s2 =	smulhi.u32 $0xAAAAAAAB, s0;
	_ =	sdelay $0x1  }
0x7c: {  	s2 =	sshrl.u32 s2, $0x1  }
0x7d: {  	s2 =	smul.u32 $0x3, s2;
	_ =	sdelay $0x1  }
0x7e: {  	s2 =	ssub.s32 s0, s2  }
0x7f: {  	s2 =	smul.u32 $0x7D00, s2  }
0x80: {  	_ =	swait.ge [sflag:s7], $0x1F40  }
0x81: {  	[sflag:s7] =	ssyncset.done $0x0;
	s2 =	sshrl.u32 s2, $0x2  }
0x82: {  	[sflag:s7] =	ssyncadd.s32 $0xFFFFE0C0;
	(ifvalue) =	ssetifvalue $0xFFFFFFFF;
	v3 =	vld.msk [tilespmem:s2+$0x100 ss:$0x1], $0xffff;
	_ =	sdelay $0x2  }
0x83: {  	s30 =	smulhi.u32 $0xAAAAAAAB, s18;
	p1 =	sne.s32 s24, $0x1  }
0x84: {  	v4 =	vimm.s32 @!p1 $0x0  }
0x85: {  	s2 =	sshrl.u32 s30, $0x1;
	v4 =	vperm.xlane @!p1 v3, v4  }
0x86: {  	s22 =	sshll.u32 s24, $0x4;
	s2 =	smul.u32 $0xFFFE8900, s2;
	vm4 =	vlt.u32 v3, $0x2800  }
0x87: {  	s22 =	sand.u32 $0x10, s22;
	v3 =	vnsel vm4, $0xFFFFFFFE, v3;
	vm4 =	vlt.u32 @!p1 v4, $0x2800  }
0x88: {  	s2 =	sshra.s32 s2, $0x2;
	[tilespmem:s22+$0x60] =	vst v3;
	v3 =	vnsel @!p1 vm4, $0xFFFFFFFE, v4  }
0x89: {  	s28 =	sadd.s32 s2, s17;
	[tilespmem:$0x80] =	vst @!p1 v3  }
0x8a: {  	v3 =	vld.msk [tilespmem:s28+$0x0 ss:$0x1], $0xffff;
	_ =	sdelay $0x4  }
0x8b: {  	(xrf1) =	vunique.msk.u32 $0xffff, v3;
	_ =	sdelay $0xd  }
0x8c: {  	v4 =	vimm.s32 $0xFFFFFFFF;
	v5, _, _ =	vpop (xrf1)  }
0x8d: {  	vm5 =	vne.s32 v3, v4;
	vm4 =	veq.s32 v5, v2  }
0x8e: {  	vm6 =	vlt.u32 v3, $0x2800;
	vm4 =	vmand vm5, vm4  }
0x8f: {  	vm4 =	vmand vm6, vm4  }
0x90: {  	v4 =	vnsel vm4, $0xFFFFFFFF, v3  }
0x91: {  	s31 =	sand.u32 $0x1, s0  }
0x92: {  	s0 =	simm.s32 $0x1F40;
	p1 =	seq.s32 s31, $0x1  }
0x93: {  	s0 =	simm.s32 @!p1 $0x0  }
0x94: {  	s26 =	sadd.s32 $0x7DF0, s0;
	(ifvalue) =	ssetifvalue $0xFFFFFFFF  }
0x95: {  	v3 =	vperm.xlane v3, v1;
	[tilespmem:s26], [sflag:$0x8] =	stream.indirect_vreg.gather [hbm4b:s1+s16], $0x1, v4, vm0, $0x4038;
	v4 =	vnsel vm6, $0xFFFFFFFE, v4;
	[tilespmem:$0x11A60] =	vst v63  }
0x96: {  	s2 =	simm.s32 $0x0;
	s22 =	sadd.s32 $0xFFFFFFF0, s28;
	[tilespmem:s28+$0x0] =	vst v4  }
.LBB3_3:
0x97: {  	v4 =	vld.msk [tilespmem:s22+$0x0 ss:$0x1], $0xffff;
	s2 =	sadd.s32 $0x10, s2;
	v5 =	vmov v3;
	s28 =	smov.u32 s22  }
0x98: {  	p1 =	slt.u32 s2, $0x1F30;
	_ =	sdelay $0x4  }
0x99: {  	v3 =	vperm.xlane v4, v1;
	(xrf1) =	vunique.msk.u32 $0xffff, v4;
	_ =	sdelay $0xd  }
0x9a: {  	v6, _, _ =	vpop (xrf1)  }
0x9b: {  	vm5 =	vne.s32 v4, v5;
	vm4 =	veq.s32 v6, v2  }
0x9c: {  	vm6 =	vlt.u32 v4, $0x2800;
	vm4 =	vmand vm5, vm4  }
0x9d: {  	vm4 =	vmand vm6, vm4  }
0x9e: {  	v4 =	vnsel vm4, $0xFFFFFFFF, v4  }
.Ltmp11:
0x9f: {  	v5 =	vnsel vm6, $0xFFFFFFFE, v4;
	(pc) =	sbr.rel @p1 .LBB3_3-.Ltmp11, $3  }
0xa0: {  	_ =	sdelay $0x1  }
0xa1: {  	s22 =	sadd.s32 $0xFFFFFFF0, s22;
	s26 =	sadd.s32 $0xFFFFFFF0, s26;
	(ifvalue) =	ssetifvalue $0xFFFFFFFF  }
0xa2: {  	[tilespmem:s26], [sflag:$0x8] =	stream.indirect_vreg.gather [hbm4b:s1+s16], $0x1, v4, vm0, $0x4038;
	[tilespmem:s28+$0x0] =	vst v5  }
0xa3: {  	s2 =	sshrl.u32 s25, $0x3  }
0xa4: {  	s0 =	sadd.s32 $0x9D40, s0;
	s2 =	sadd.s32 s9, s2  }
0xa5: {  	[tilespmem:s0], [sflag:$0x8] =	stream.linear.gather [hbm:s2], $0x1F40, $0x38;
	[tilespmem:$0x11A60] =	vst v63  }
.LBB3_5:
0xa6: {  	p1 =	slt.u32 s24, $0x2  }
0xa7: {  	p2 =	sge.u32 @!p1 s24, s12  }
0xa8: {  	p1 =	por p1, p2  }
.Ltmp12:
0xa9: {  	_ = 	snop;
	(pc) =	sbr.rel @p1 .LBB3_9-.Ltmp12, $1  }
0xaa: {  	_ =	sdelay $0x3  }
0xab: {  	s0 =	sadd.s32 $0xFFFFFFFE, s24  }
0xac: {  	s2 =	smulhi.u32 $0xAAAAAAAB, s0;
	_ =	sdelay $0x1  }
0xad: {  	s2 =	sshrl.u32 s2, $0x1  }
0xae: {  	s2 =	smul.u32 $0x3, s2;
	_ =	sdelay $0x1  }
0xaf: {  	s0 =	ssub.s32 s0, s2  }
0xb0: {  	_ =	swait.ge [sflag:s8], $0x3E80;
	s0 =	smul.u32 $0x1F40, s0  }
0xb1: {  	p1 =	sne.s32 s24, s11;
	[sflag:s8] =	ssyncset.done $0x0  }
0xb2: {  	[sflag:s8] =	ssyncadd.s32 $0xFFFFC180;
	s2 =	sadd.s32 @!p1 $0x203F, s0  }
0xb3: {  	[spmem:s14] =	stream.linear.scatter @!p1 [tilespmem:s2], [sflag:$0x1], $0x1, $0x38;
	[tilespmem:$0x11A60] =	vst v63  }
0xb4: {  	s2 =	simm.s32 @!p1 $0x1  }
0xb5: {  	_ =	swait.ge @!p1 [sflag:s2], $0x1  }
0xb6: {  	s22 =	sshll.u32 s24, $0x4;
	[sflag:s2] =	ssyncset.done @!p1 $0x0  }
0xb7: {  	s25 =	sand.u32 $0x10, s22;
	[sflag:s2] =	ssyncadd.s32 @!p1 $0xFFFFFFFF  }
0xb8: {  	s2 =	sxor.u32 $0x10, s25;
	v4 =	vld [tilespmem:s25+$0x10]  }
0xb9: {  	v5 =	vld [tilespmem:s2+$0x60]  }
0xba: {  	v3 =	vld [tilespmem:$0x80];
	_ =	sdelay $0x2  }
0xbb: {  	(v2sf) =	vpush v4, $0x0  }
0xbc: {  	(v2sf) =	vpush v5, $0x0  }
0xbd: {  	(v2sf) =	vpush v3, $0x0;
	_ =	sdelay $0xc  }
0xbe: {  	s22 =	spop (v2sf)  }
0xbf: {  	s26 =	spop (v2sf)  }
0xc0: {  	s28 =	spop (v2sf)  }
0xc1: {  	p2 =	seq.s32 s22, s26;
	p3 =	seq.s32 s28, s22  }
0xc2: {  	p3 =	por p2, p3  }
0xc3: {  	s26 =	sand.u32 $0x1, s24;
	v4 =	vpsel p3, $0xFFFFFFFF, v4  }
0xc4: {  	s29 =	smul.u32 $0x1F40, s26;
	[tilespmem:s25+$0x10] =	vst.msk $0x1, v4  }
0xc5: {  	v4 =	vld [tilespmem:$0x30]  }
0xc6: {  	v5 =	vld [tilespmem:s29+$0x9D40]  }
0xc7: {  	v6 =	vld [tilespmem:s25+$0x40];
	_ =	sdelay $0x3  }
0xc8: {  	vm4 =	vmmov vm1;
	v5 =	vadd.f32 v5, v4  }
0xc9: {  	vm5 =	vmmov vm2;
	vm4 =	vmmov @p2 vm2;
	s22 =	sshll.u32 s26, $0x4;
	v4 =	vadd.f32 v6, v4  }
0xca: {  	s26 =	sor.u32 $0x11A40, s22;
	vm5 =	vmmov @p3 vm1;
	[tilespmem:s29+$0x9D40] =	vst.msk vm4, v5  }
0xcb: {  	[tilespmem:s26+$0x0] =	vst.msk vm5, v4  }
0xcc: {  	v4 =	vld [tilespmem:s29+$0x7DF0];
	_ =	sdelay $0x3  }
0xcd: {  	v5 =	vimm.f32 $0.0e+00  }
0xce: {  	v4 =	vshift.insert v4, v5, s21  }
0xcf: {  	s22 =	sor.u32 $0x40, s2  }
0xd0: {  	[tilespmem:s22+$0x0] =	vst.msk $0x1, v4  }
0xd1: {  	[tilespmem:s29+$0x7DFF] =	vst.msk $0x1, v5  }
0xd2: {  	v4 =	vld [tilespmem:s0+$0x2030];
	_ =	sdelay $0x1  }
0xd3: {  	s22 =	smulhi.u32 $0xAAAAAAAB, s20;
	s0 =	simm.s32 $0x1  }
0xd4: {  	s0 =	simm.s32 @!p0 $0x0  }
0xd5: {  	s22 =	sshrl.u32 s22, $0x1;
	s0 =	smul.u32 $0x7D00, s0  }
0xd6: {  	s22 =	smul.u32 $0xFFFE8900, s22;
	v4 =	vshift.insert v4, v1, s21  }
0xd7: {  	s0 =	sshrl.u32 s0, $0x2  }
0xd8: {  	s22 =	sshra.s32 s22, $0x2;
	s30 =	sadd.s32 $0x9D40, s0;
	[tilespmem:s2+$0x10] =	vst.msk $0x1, v4  }
0xd9: {  	s22 =	sadd.s32 s22, s19;
	v6 =	vld [tilespmem:s30+$0x0]  }
0xda: {  	v7 =	vld [tilespmem:s22+$0x0];
	_ =	sdelay $0x3  }
0xdb: {  	v5 =	vadd.f32 v6, v5  }
0xdc: {  	vm4 =	vne.s32 v7, $0xFFFFFFFF  }
0xdd: {  	(xrf2) =	vadd.seg.scan.f32 vm4, v5;
	_ =	sdelay $0x3  }
0xde: {  	s31 =	sadd.s32 $0x5EC0, s0;
	v5 =	vperm.xlane v4, v1  }
0xdf: {  	v6 =	vld [tilespmem:s31+$0x0]  }
0xe0: {  	vm5 =	veq.s32 v7, v3;
	vm6 =	veq.s32 v7, v5  }
0xe1: {  	vm7 =	vgt.u32 v7, $0xFFFFFFFD;
	vm6 =	vmor vm6, vm5  }
0xe2: {  	vm6 =	vmor vm6, vm7  }
0xe3: {  	v9 =	vld [tilespmem:$0xA0];
	v7 =	vsel vm6, $0xFFFFFFFF, v7  }
0xe4: {  	v10 =	vld [tilespmem:$0x90];
	v6 =	vsel vm5, $0x0, v6;
	v8, _, _ =	vpop (xrf2)  }
0xe5: {  	v6 =	vadd.f32 v8, v6  }
0xe6: {  	s0 =	sadd.s32 $0xDBC0, s0  }
0xe7: {  	vm4 =	vmand vm4, vm3;
	[tilespmem:s0+$0x0] =	vst v6;
	(ifvalue) =	ssetifvalue $0xFFFFFFFF  }
0xe8: {  	vm6 =	veq.s32 v9, $0x1;
	[hbm4b:s1+s16] =	stream.indirect_vreg.scatter [tilespmem:s0], [sflag:$0x2], $0x1, v7, vm0, $0x4038;
	v7 =	vsel vm4, $0x0, v8;
	[tilespmem:$0x11A60] =	vst v63  }
0xe9: {  	s2 =	simm.s32 $0x0;
	s22 =	sadd.s32 $0x10, s22;
	vm4 =	vmor vm6, vm5;
	v6 =	vsel vm5, v8, v10;
	v7 =	vshift.insert v7, v0, s21  }
.LBB3_7:
0xea: {  	v8 =	vld [tilespmem:s22+$0x0];
	s30 =	sadd.s32 $0x10, s30  }
0xeb: {  	s31 =	sadd.s32 $0x10, s31;
	v9 =	vld [tilespmem:s30+$0x0]  }
0xec: {  	s2 =	sadd.s32 $0x10, s2;
	v10 =	vld [tilespmem:s31+$0x0]  }
0xed: {  	p2 =	slt.u32 s2, $0x1F30;
	_ =	sdelay $0x2  }
0xee: {  	v7 =	vadd.f32 v9, v7  }
0xef: {  	vm5 =	vne.s32 v8, $0xFFFFFFFF  }
0xf0: {  	vm6 =	vmand vm5, vm3;
	(xrf2) =	vadd.seg.scan.f32 vm5, v7;
	_ =	sdelay $0x5  }
0xf1: {  	vm7 =	veq.s32 v8, v5;
	vm5 =	veq.s32 v8, v3  }
0xf2: {  	vm8 =	vgt.u32 v8, $0xFFFFFFFD;
	vm4 =	vmor vm4, vm5;
	vm7 =	vmor vm7, vm5  }
0xf3: {  	vm7 =	vmor vm7, vm8  }
0xf4: {  	v8 =	vsel vm7, $0xFFFFFFFF, v8  }
.Ltmp13:
0xf5: {  	v7 =	vsel vm5, $0x0, v10;
	v9, _, _ =	vpop (xrf2);
	(pc) =	sbr.rel @p2 .LBB3_7-.Ltmp13, $4  }
0xf6: {  	v6 =	vsel vm5, v9, v6;
	v10 =	vadd.f32 v9, v7;
	v7 =	vsel vm6, $0x0, v9  }
0xf7: {  	s0 =	sadd.s32 $0x10, s0;
	v7 =	vshift.insert v7, v0, s21  }
0xf8: {  	s22 =	sadd.s32 $0x10, s22;
	[tilespmem:s0+$0x0] =	vst v10;
	(ifvalue) =	ssetifvalue $0xFFFFFFFF  }
0xf9: {  	[hbm4b:s1+s16] =	stream.indirect_vreg.scatter [tilespmem:s0], [sflag:$0x2], $0x1, v8, vm0, $0x4038;
	[tilespmem:$0x11A60] =	vst v63  }
0xfa: {  	v3 =	vld [tilespmem:s29+$0xFAF0];
	_ =	sdelay $0x4  }
0xfb: {  	v3 =	vshift.insert v3, v0, s21  }
0xfc: {  	s0 =	simm.s32 $0x30  }
0xfd: {  	[tilespmem:s0+$0x0] =	vst.msk $0x1, v3  }
0xfe: {  	v3 =	vsel vm4, $0x1, v1;
	[tilespmem:$0x90] =	vst v6  }
0xff: {  	s0 =	sadd.s32 @!p1 $0xFAFF, s29;
	[tilespmem:$0xA0] =	vst v3  }
0x100: {  	[spmem:s15] =	stream.linear.scatter @!p1 [tilespmem:s0], [sflag:$0x1], $0x1, $0x38;
	[tilespmem:$0x11A60] =	vst v63  }
0x101: {  	s0 =	simm.s32 @!p1 $0x1  }
0x102: {  	v3 =	vmctz.xlane @!p1 vm4;
	_ =	swait.ge @!p1 [sflag:s0], $0x1  }
0x103: {  	(v2sf) =	vpush @!p1 v4, $0x0  }
0x104: {  	(v2sf) =	vpush @!p1 v3, $0x0;
	_ =	sdelay $0xd  }
0x105: {  	s2 =	spop @!p1 (v2sf)  }
0x106: {  	s22 =	spop @!p1 (v2sf)  }
0x107: {  	p2 =	sne.s32 @!p1 s28, s2;
	p3 =	slt.s32 @!p1 s22, $0xF  }
0x108: {  	[sflag:s0] =	ssyncset.done @!p1 $0x0;
	p2 =	por p2, p1;
	p3 =	por !p3, p1  }
0x109: {  	[sflag:s0] =	ssyncadd.s32 @!p1 $0xFFFFFFFF;
	v3 =	vimm.s32 @!p2 $0xFFFFFFFF;
	s22 =	simm.s32 @p3 $0xF  }
0x10a: {  	[tilespmem:$0x80] =	vst @!p2 v3;
	s2 =	sadd.s32 @!p1 $0x90, s22  }
0x10b: {  	[spmem:s4] =	stream.linear.scatter @!p1 [tilespmem:s2], [sflag:$0x1], $0x1, $0x38;
	[tilespmem:$0x11A60] =	vst v63  }
0x10c: {  	_ =	swait.ge @!p1 [sflag:s0], $0x1  }
0x10d: {  	[sflag:s0] =	ssyncset.done @!p1 $0x0  }
0x10e: {  	s2 =	simm.s32 @!p1 $0x80;
	[sflag:s0] =	ssyncadd.s32 @!p1 $0xFFFFFFFF  }
0x10f: {  	[spmem:s13] =	stream.linear.scatter @!p1 [tilespmem:s2], [sflag:$0x1], $0x1, $0x38;
	[tilespmem:$0x11A60] =	vst v63  }
0x110: {  	_ =	swait.ge @!p1 [sflag:s0], $0x1  }
0x111: {  	[sflag:s0] =	ssyncset.done @!p1 $0x0  }
0x112: {  	[sflag:s0] =	ssyncadd.s32 @!p1 $0xFFFFFFFF;
	(ifvalue) =	ssetifvalue $0xFFFFFFFF;
	v3 =	vld [tilespmem:s25+$0x10];
	_ =	sdelay $0x3  }
.Ltmp14:
0x113: {  	_ = 	snop;
	(pc) =	sbr.rel .LBB3_9-.Ltmp14, $3  }
0x114: {  	_ =	sdelay $0x1  }
0x115: {  	(ifvalue) =	ssetifvalue $0xFFFFFFFF  }
0x116: {  	[hbm4b:s1+s16] =	stream.indirect_vreg.scatter [tilespmem:s26], [sflag:$0x9], $0x1, v3, vm0, $0x4038;
	[tilespmem:$0x11A60] =	vst v63  }
.LBB3_10:
0x117: {  	_ =	sfence.sel $0x180000  }
0x118: {  	s0 =	simm.s32 $0x7;
	[bflag:$0x0] =	sbarrier.arrive $0xFFFF  }
0x119: {  	s26 =	simm.s32 $0x8;
	[sflag:s0] =	ssyncpa.u1 $0x1  }
0x11a: {  	s28 =	simm.s32 $0x9;
	[sflag:s26] =	ssyncpa.u1 $0x1  }
0x11b: {  	[sflag:s28] =	ssyncpa.u1 $0x1  }
0x11c: {  	_ =	sfence.stream.spmem  }
0x11d: {  	s29 =	simm.s32 $0x3;
	[bflag:$0x0] =	sbarrier.arrive $0xFFFF  }
0x11e: {  	s30 =	simm.s32 $0x4;
	[sflag:s29] =	ssyncpa.u1 $0x1  }
0x11f: {  	s31 =	simm.s32 $0x3C;
	s2 =	stileid.u32;
	[sflag:s30] =	ssyncpa.u1 $0x1  }
0x120: {  	p0 =	sne.s32 s2, $0x0;
	[sflag:s31] =	ssyncpa.u1 $0x1  }
0x121: {  	s0 =	simm.s32 @p0 $0x1;
	_ =	sfence @p0  }
0x122: {  	[sflag:s0] =	ssyncpa.u1 @p0 $0x1;
	s0 =	simm.s32 @p0 $0x2  }
0x123: {  	[sflag:s0] =	ssyncpa.u1 @p0 $0x1  }
0x124: {  	_ =	strace @p0 $0x90000056  }
0x125: {  	[bflag:$0x2] =	sbarrier.arrive @p0 $0xFFFF  }
0x126: {  	_ =	shalt @p0  }
.LBB3_11:
0x127: {  	_ =	sfence.stream.spmem;
	s0 =	simm.s32 $0x5  }
0x128: {  	s2 =	simm.s32 $0x80;
	s3 =	simm.s32 $0xC0;
	[sflag:s0] =	ssyncpa.u1 $0x0  }
0x129: {  	[tilespmem:s3], [sflag:$0x5] =	stream.linear.gather [spmem:s2], $0x20, $0x38;
	[tilespmem:$0x11A60] =	vst v63  }
0x12a: {  	s2 =	simm.s32 $0x0;
	s3 =	simm.s32 $0xE0  }
0x12b: {  	[tilespmem:s3], [sflag:$0x5] =	stream.linear.gather [spmem:s2], $0x20, $0x38;
	[tilespmem:$0x11A60] =	vst v63  }
.Ltmp15:
0x12c: {  	_ = 	snop;
	(pc) =	sbr.rel .LBB3_12-.Ltmp15, $4  }
0x12d: {  	_ =	swait.ge [sflag:s0], $0x40  }
0x12e: {  	[sflag:s0] =	ssyncset.done $0x0  }
0x12f: {  	s31 =	simm.s32 $0x6;
	[sflag:s0] =	ssyncadd.s32 $0xFFFFFFC0  }
0x130: {  	s4 =	simm.s32 $0x0;
	[sflag:s31] =	ssyncpa.u1 $0x0  }
.LBB3_17:
0x131: {  	p0 =	sgt.u32 s5, $0x27FF  }
0x132: {  	s0 =	sshrl.u32 @!p0 s5, $0x3  }
0x133: {  	s5 =	sand.u32 @!p0 $0x7, s5;
	s6 =	simm.s32 @!p0 $0xB0;
	s0 =	sadd.s32 @!p0 s1, s0  }
0x134: {  	[tilespmem:s6], [sflag:$0x6] =	stream.linear.gather @!p0 [hbm4b:s0+s5], $0x1, $0x38;
	[tilespmem:$0x11A60] =	vst v63  }
0x135: {  	s0 =	simm.s32 @!p0 $0x6  }
0x136: {  	_ =	swait.ge @!p0 [sflag:s0], $0x1  }
0x137: {  	[sflag:s0] =	ssyncset.done @!p0 $0x0  }
0x138: {  	[sflag:s0] =	ssyncadd.s32 @!p0 $0xFFFFFFFF  }
0x139: {  	v2 =	vmov @!p0 s4;
	v1 =	vld.msk @!p0 [tilespmem:$0xB0], $0x1;
	_ =	sdelay $0x3  }
0x13a: {  	s0 =	simm.s32 @!p0 $0xE0  }
0x13b: {  	[tilespmem:v2+s0+$0x0], v1 =	vst.idx.ret.add.f32.msk @!p0 $0x1, v1  }
0x13c: {  	[tilespmem:s2+$0xC0] =	vst.msk $0x1, v0  }
0x13d: {  	v0 =	vld.msk [tilespmem:s4+$0xE0], $0x1;
	_ =	sdelay $0x4  }
0x13e: {  	[tilespmem:s2+$0xE0] =	vst.msk $0x1, v0;
	s2 =	sadd.s32 $0x1, s2  }
.LBB3_19:
0x13f: {  	s4 =	sadd.s32 $0x1, s4  }
0x140: {  	p0 =	sne.s32 s4, $0x20  }
.Ltmp16:
0x141: {  	_ = 	snop;
	(pc) =	sbr.rel @!p0 .LBB3_20-.Ltmp16, $1  }
0x142: {  	_ =	sdelay $0x3  }
.LBB3_12:
0x143: {  	v0 =	vld.msk [tilespmem:s4+$0xC0], $0x1;
	_ =	sdelay $0x4  }
0x144: {  	(v2sf) =	vpush v0, $0x0;
	_ =	sdelay $0xe  }
0x145: {  	s5 =	spop (v2sf)  }
0x146: {  	p0 =	seq.s32 s5, $0xFFFFFFFF  }
.Ltmp17:
0x147: {  	_ = 	snop;
	(pc) =	sbr.rel @p0 .LBB3_19-.Ltmp17, $1  }
0x148: {  	_ =	sdelay $0x3  }
0x149: {  	p0 =	slt.s32 s2, $0x1  }
.Ltmp18:
0x14a: {  	_ = 	snop;
	(pc) =	sbr.rel @p0 .LBB3_17-.Ltmp18, $1  }
0x14b: {  	_ =	sdelay $0x3  }
0x14c: {  	s0 =	simm.s32 $0xC0;
	p0 =	por $0x0, $0x0  }
0x14d: {  	v1 =	vld.msk @!p0 [tilespmem:s0+$0x0], $0x1;
	_ =	sdelay $0x4  }
0x14e: {  	(v2sf) =	vpush @!p0 v1, $0x0;
	_ =	sdelay $0xd  }
0x14f: {  	p2 =	sne.s32 s2, $0x1  }
.Ltmp19:
0x150: {  	s6 =	spop @!p0 (v2sf);
	(pc) =	sbr.rel @!p2 .LBB3_16-.Ltmp19, $4  }
0x151: {  	p1 =	seq.s32 @!p0 s5, s6  }
0x152: {  	s6 =	simm.s32 $0x0;
	p1 =	por !p1, p0  }
0x153: {  	s8 =	simm.s32 $0xFFFFFFFF;
	s6 =	simm.s32 @p1 $0xFFFFFFFF  }
0x154: {  	s7 =	simm.s32 $0x1;
	s6 =	smov.u32 @p0 s8  }
.LBB3_15:
0x155: {  	s8 =	smov.u32 s6;
	p0 =	sne.s32 s6, $0xFFFFFFFF  }
0x156: {  	s0 =	sadd.s32 $0x1, s0;
	s6 =	smov.u32 s7;
	s7 =	sadd.s32 $0x1, s7  }
0x157: {  	p1 =	sne.s32 s2, s7;
	v1 =	vld.msk @!p0 [tilespmem:s0+$0x0], $0x1;
	_ =	sdelay $0x4  }
0x158: {  	(v2sf) =	vpush @!p0 v1, $0x0;
	_ =	sdelay $0xe  }
.Ltmp20:
0x159: {  	s9 =	spop @!p0 (v2sf);
	(pc) =	sbr.rel @p1 .LBB3_15-.Ltmp20, $4  }
0x15a: {  	p2 =	seq.s32 @!p0 s5, s9  }
0x15b: {  	p2 =	por !p2, p0  }
0x15c: {  	s6 =	simm.s32 @p2 $0xFFFFFFFF  }
0x15d: {  	s6 =	smov.u32 @p0 s8  }
.LBB3_16:
0x15e: {  	p0 =	sne.s32 s6, $0xFFFFFFFF  }
.Ltmp21:
0x15f: {  	_ = 	snop;
	(pc) =	sbr.rel @!p0 .LBB3_17-.Ltmp21, $1  }
0x160: {  	_ =	sdelay $0x3  }
0x161: {  	v0 =	vld.msk [tilespmem:s4+$0xE0], $0x1;
	v1 =	vmov s6  }
.Ltmp22:
0x162: {  	_ = 	snop;
	(pc) =	sbr.rel .LBB3_19-.Ltmp22, $2  }
0x163: {  	_ =	sdelay $0x2  }
0x164: {  	[tilespmem:v1+s3+$0x0], v0 =	vst.idx.ret.add.f32.msk $0x1, v0  }
.LBB3_20:
0x165: {  	p0 =	slt.s32 s2, $0x1  }
.Ltmp23:
0x166: {  	_ = 	snop;
	(pc) =	sbr.rel @p0 .LBB3_24-.Ltmp23, $3  }
0x167: {  	_ =	sdelay $0x1  }
0x168: {  	s0 =	simm.s32 $0x6  }
0x169: {  	s3 =	simm.s32 $0x0;
	[sflag:s0] =	ssyncpa.u1 $0x1  }
0x16a: {  	s0 =	simm.s32 $0xC0  }
0x16b: {  	v0 =	vld.msk [tilespmem:s0+$0x0], $0x1;
	_ =	sdelay $0x4  }
0x16c: {  	(v2sf) =	vpush v0, $0x0;
	_ =	sdelay $0xe  }
0x16d: {  	s2 =	sadd.s32 $0xFFFFFFFF, s2;
	s4 =	spop (v2sf)  }
0x16e: {  	p1 =	sne.s32 s2, $0x0;
	p0 =	sgt.u32 s4, $0x27FF  }
.Ltmp24:
0x16f: {  	s5 =	sshrl.u32 @!p0 s4, $0x3;
	(pc) =	sbr.rel @!p1 .LBB3_23-.Ltmp24, $4  }
0x170: {  	s0 =	simm.s32 $0xE0;
	s4 =	sand.u32 @!p0 $0x7, s4;
	s5 =	sadd.s32 @!p0 s1, s5  }
0x171: {  	[hbm4b:s5+s4] =	stream.linear.scatter @!p0 [tilespmem:s0], [sflag:$0x5], $0x1, $0x38;
	[tilespmem:$0x11A60] =	vst v63  }
0x172: {  	s5 =	simm.s32 $0x0  }
0x173: {  	s4 =	simm.s32 $0xC1;
	s5 =	simm.s32 @!p0 $0x4  }
.LBB3_22:
0x174: {  	v0 =	vld.msk [tilespmem:s4+$0x0], $0x1;
	s2 =	sadd.s32 $0xFFFFFFFF, s2;
	s3 =	sadd.s32 s3, s5  }
0x175: {  	p0 =	sne.s32 s2, $0x0;
	_ =	sdelay $0x3  }
0x176: {  	(v2sf) =	vpush v0, $0x0;
	_ =	sdelay $0xe  }
.Ltmp25:
0x177: {  	s6 =	spop (v2sf);
	(pc) =	sbr.rel @p0 .LBB3_22-.Ltmp25, $4  }
0x178: {  	s5 =	simm.s32 $0x0;
	p1 =	sgt.u32 s6, $0x27FF  }
0x179: {  	s0 =	sadd.s32 $0x1, s0;
	s5 =	simm.s32 @!p1 $0x4;
	s7 =	sshrl.u32 @!p1 s6, $0x3  }
0x17a: {  	s4 =	sadd.s32 $0x1, s4;
	s6 =	sand.u32 @!p1 $0x7, s6;
	s7 =	sadd.s32 @!p1 s1, s7  }
0x17b: {  	[hbm4b:s7+s6] =	stream.linear.scatter @!p1 [tilespmem:s0], [sflag:$0x5], $0x1, $0x38;
	[tilespmem:$0x11A60] =	vst v63  }
.LBB3_23:
0x17c: {  	s0 =	sadd.s32 s3, s5  }
0x17d: {  	s3 =	sshrl.u32 s0, $0x2  }
.LBB3_24:
0x17e: {  	s0 =	simm.s32 $0x5  }
0x17f: {  	_ =	swait.ge [sflag:s0], s3  }
0x180: {  	s1 =	ssub.s32 $0x0, s3;
	[sflag:s0] =	ssyncset.done $0x0  }
0x181: {  	[sflag:s0] =	ssyncadd.s32 s1  }
0x182: {  	[sflag:s0] =	ssyncpa.u1 $0x1  }
0x183: {  	s29 =	simm.s32 $0x1;
	_ =	sfence  }
0x184: {  	s30 =	simm.s32 $0x2;
	[sflag:s29] =	ssyncpa.u1 $0x1  }
0x185: {  	[sflag:s30] =	ssyncpa.u1 $0x1  }
0x186: {  	_ =	strace $0x90000056  }
0x187: {  	[bflag:$0x2] =	sbarrier.arrive $0xFFFF  }
0x188: {  	s31 =	rddreg [dreg:$0x1]  }
0x189: {  	s0 =	sadd.s32 $0x100000, s31  }
0x18a: {  	[sflag:s0] =	ssyncadd.tile.s32 $0x1;
	_ =	shalt  }
.Lfunc_end3:
_tile_overlayer_lowered:
.L_overlay_start_3:
0x18b: {  	(tag) =	ssettag $0x3  }
0x18c: {  	s0 =	rddreg [dreg:$0x0];
	s2 =	stileid.u32  }
0x18d: {  	s1 =	rddreg [dreg:$0x1];
	p0 =	sne.s32 s2, $0x0  }
0x18e: {  	s3 =	rddreg [dreg:$0x2];
	[bflag:$0x3] =	sbarrier.arrive $0xFFFF;
	s2 =	simm.s32 @!p0 $0x1C01  }
0x18f: {  	[timem:s3], [sflag:s2] =	dma.local @!p0 [hbm:s0], s1  }
0x190: {  	s0 =	simm.s32 @!p0 $0x1  }
0x191: {  	_ =	swait.ge @!p0 [sflag:s0], s1  }
0x192: {  	s1 =	ssub.s32 @!p0 $0x0, s1;
	[sflag:s0] =	ssyncset.done @!p0 $0x0  }
0x193: {  	[sflag:s0] =	ssyncadd.s32 @!p0 s1  }
0x194: {  	[bflag:$0x3] =	sbarrier.arrive $0xFFFF  }
0x195: {  	_ =	shalt  }

// kernel: sparse-core-data-format-call.1.cloned.1.call-start
scs
called_computation.5_lowered:
.L_overlay_start_0:
0x0: {  	s2 =	sld [smem:$0x3FD9]  }
0x1: {  	s3 =	sld [smem:$0x3FFE];
	_ =	sdelay $0x1  }
0x2: {  	s1 =	srdreg.scid  }
0x3: {  	s0 =	sand.u32 $0x1, s1  }
0x4: {  	s18 =	sshll.u32 s0, $0xA;
	s2 =	sadd.s32 s3, s2  }
0x5: {  	s2 =	sadd.s32 s2, s18  }
0x6: {  	[smem:$0x3FBD] =	sst s2  }
0x7: {  	_ = 	snop  }
0x8: {  	(tm) =	ssettm $0x1  }
0x9: {  	s19 =	sld [smem:$0x3FFB];
	_ =	sdelay $0x3  }
0xa: {  	_ =	strace s19  }
0xb: {  	s2 =	sld [smem:$0x3FFC];
	_ =	sdelay $0x3  }
0xc: {  	_ =	strace s2  }
0xd: {  	s2 =	sld [smem:$0x3FFD];
	_ =	sdelay $0x3  }
0xe: {  	_ =	strace s2  }
0xf: {  	_ =	strace $0x8FFFFFFF  }
0x10: {  	s20 =	sld [smem:$0x3FDB];
	_ =	sdelay $0x1  }
0x11: {  	s21 =	simm.s32 $_scs_section_size  }
0x12: {  	s4 =	simm.s32 $_size__tile_overlayer_lowered;
	s5 =	simm.s32 $_tile_overlayer_lowered  }
0x13: {  	s6 =	simm.s32 $0x1BFF;
	s22 =	sshll.u32 s5, $0x1;
	s3 =	sadd.s32 s21, s20  }
0x14: {  	s23 =	simm.s32 $0x0;
	s4 =	sshll.u32 s4, $0x1;
	s5 =	sadd.s32 s22, s3  }
0x15: {  	[timem:s23], [sflag:s6] =	dma.local [hbm:s5], s4  }
0x16: {  	_ =	swait.ge [sflag:s6], s4  }
0x17: {  	s4 =	ssub.s32 $0x0, s4;
	[sflag:s6] =	ssyncset.done $0x0  }
0x18: {  	[sflag:s6] =	ssyncadd.s32 s4;
	_ =	sdelay $0x1  }
0x19: {  	s24 =	simm.s32 $0x1B8B  }
0x1a: {  	_ =	swait.ge [sflag:s24], $0x1  }
0x1b: {  	[sflag:s24] =	ssyncset.done $0x0  }
0x1c: {  	[sflag:s24] =	ssyncadd.s32 $0xFFFFFFFF  }
0x1d: {  	s4 =	sld [smem:$0x0]  }
0x1e: {  	s5 =	sand.u32 $0xFFFFFFFE, s1  }
0x1f: {  	p0 =	sne.s32 s1, s5  }
0x20: {  	s5 =	sshll.u32 @p0 s5, $0xE  }
0x21: {  	s5 =	sadd.s32 @p0 $0x11B8D, s5;
	s6 =	sshll.u32 @p0 s4, $0x11  }
0x22: {  	s5 =	sor.u32 @p0 s6, s5  }
0x23: {  	[sflag:s5] =	ssyncadd.remote.s32 @p0 $0x1;
	_ =	sdelay $0x1  }
0x24: {  	s5 =	simm.s32 @p0 $0x1B8D  }
0x25: {  	_ =	swait.eq @p0 [sflag:s5], $0x1  }
0x26: {  	[sflag:s5] =	ssyncadd.s32 @p0 $0xFFFFFFFF  }
0x27: {  	s6 =	sshll.u32 @!p0 s1, $0xE  }
0x28: {  	s6 =	sor.u32 @!p0 $0x4000, s6;
	s5 =	simm.s32 @!p0 $0x1B8D  }
0x29: {  	s4 =	sshll.u32 @!p0 s4, $0x11;
	s6 =	sadd.s32 @!p0 $0x11B8D, s6;
	_ =	swait.eq @!p0 [sflag:s5], $0x1  }
0x2a: {  	s4 =	sor.u32 @!p0 s4, s6;
	[sflag:s5] =	ssyncadd.s32 @!p0 $0xFFFFFFFF  }
0x2b: {  	s26 =	simm.s32 $0x1B8E;
	s25 =	sld [smem:$0x3FFE];
	[sflag:s4] =	ssyncadd.remote.s32 @!p0 $0x1  }
0x2c: {  	s27 =	simm.s32 $execute0_lowered;
	[smem:$0x3FD2] =	sst s26  }
0x2d: {  	s5 =	sshll.u32 s27, $0x1;
	_ =	strace $0x80000049;
	[dreg:$0x1] =	wrdreg $0xFFFFFFFF  }
0x2e: {  	s28 =	simm.s32 $_size_execute0_lowered;
	s3 =	sadd.s32 s3, s5;
	[dreg:$0x0] =	wrdreg $0x0  }
0x2f: {  	s5 =	sshll.u32 s28, $0x1;
	[dreg:$0x2] =	wrdreg s3  }
0x30: {  	[dreg:$0x3] =	wrdreg s5  }
0x31: {  	[dreg:$0x4] =	wrdreg $0xC0  }
0x32: {  	_ =	task [dreg:s23], $0x5FFFF  }
0x33: {  	[dreg:$0x1] =	wrdreg $0xFFFFFFFF  }
0x34: {  	[dreg:$0x0] =	wrdreg $0x60  }
0x35: {  	[dreg:$0x2] =	wrdreg s25  }
0x36: {  	[dreg:$0x3] =	wrdreg $0xA  }
0x37: {  	_ =	task.clear_ibuf [dreg:s23], $0x4FFFF;
	_ =	strace $0x90000049  }
0x38: {  	s29 =	simm.s32 $0xA;
	_ =	strace $0x8000004B  }
0x39: {  	_ =	swait.ge [sflag:s29], $0x1  }
0x3a: {  	[sflag:s29] =	ssyncadd.s32 $0xFFFFFFFF  }
0x3b: {  	_ =	strace $0x9000004B  }
0x3c: {  	_ =	sfence  }
0x3d: {  	s30 =	sld [smem:$0x0];
	_ =	sdelay $0x2  }
0x3e: {  	s31 =	sshll.u32 s1, $0xD;
	s1 =	sshrl.u32 s1, $0x2  }
0x3f: {  	s4 =	sand.u32 $0x4000, s31;
	s1 =	sadd.s32 s1, s30  }
0x40: {  	s0 =	sor.u32 s4, s0;
	s1 =	sshll.u32 s1, $0x11  }
0x41: {  	s0 =	sor.u32 s1, s0  }
0x42: {  	s0 =	sadd.s32 $0x8F2B, s0  }
0x43: {  	[sflag:s0] =	ssyncadd.remote.s32 $0x1  }
0x44: {  	_ =	sfence.sel $0xFFFF  }
0x45: {  	[dreg:$0x0] =	wrdreg $0xFFFFFFFF;
	(pc) =	sbr.abs _section_cstart, $3  }
0x46: {  	[dreg:$0x1] =	wrdreg $0xFFFFFFFF  }
0x47: {  	_ =	task.clear_ibuf [dreg:s23], $0x2FFFF;
	_ =	strace $0x9FFFFFFF  }
0x48: {  	(tm) =	ssettm $0x7FFFFFFF  }
0x49: {  	_ =	shalt  }
tec
execute0_lowered:
.L_overlay_start_1:
0x0: {  	(tag) =	ssettag $0x1  }
0x1: {  	s0 =	srdreg.scid  }
0x2: {  	s1 =	sshll.u32 s0, $0x4  }
0x3: {  	s4 =	rddreg [dreg:$0x0];
	s0 =	stileid.u32;
	s1 =	sand.u32 $0x10, s1  }
0x4: {  	s7 =	simm.s32 $0x1;
	s8 =	simm.s32 $0x2;
	s2 =	sor.u32 s0, s1  }
0x5: {  	s11 =	simm.s32 $0x0;
	s3 =	sadd.s32 $0xA08C00, s4;
	s2 =	sshll.u32 s2, $0x7  }
0x6: {  	s10 =	simm.s32 $0x0;
	s4 =	sadd.s32 $0xEEAC00, s4;
	s6 =	ssub.s32 $0x4E200, s2  }
.Ltmp0:
0x7: {  	s1 =	rddreg [dreg:$0x1];
	s5 =	sand.u32 $0xF80, s6;
	(pc) =	sbr.rel .LBB1_1-.Ltmp0, $4  }
0x8: {  	_ =	strace $0x8000004A;
	s9 =	smov.u32 s2;
	p0 =	sne.s32 s5, $0x0  }
0x9: {  	s6 =	sshrl.u32 s6, $0xC;
	s5 =	simm.s32 $0x1;
	s7 =	simm.s32 @!p0 $0x0  }
0xa: {  	[sflag:s5] =	ssyncpa.u1 $0x0;
	p0 =	por $0x0, $0x0;
	s6 =	sadd.s32 s7, s6  }
0xb: {  	[sflag:s8] =	ssyncpa.u1 $0x0;
	s8 =	simm.s32 $0x271000;
	s7 =	sadd.s32 $0x1, s6  }
.LBB1_4:
0xc: {  	v5 =	vld [tilespmem:s15+$0xFFFFFFD0];
	[tilespmem:s14+$0x2040 ss:$0x81] =	vst.msk $0xffff, v3;
	s17 =	sshll.u32 s11, $0x3  }
0xd: {  	v58 =	vld [tilespmem:s15+$0xFFFFFFE0];
	[tilespmem:s14+$0x2850 ss:$0x81] =	vst.msk $0xffff, v4;
	s25 =	sand.u32 $0x7F, s11;
	s17 =	sand.u32 $0xFFFFFC00, s17  }
0xe: {  	s16 =	sshra.s32 s16, $0x2;
	v59 =	vld [tilespmem:s15+$0xFFFFFFF0];
	[tilespmem:s14+$0x3060 ss:$0x81] =	vst.msk $0xffff, v2;
	s11 =	sor.u32 s25, s17  }
0xf: {  	v60 =	vld [tilespmem:s15+$0x0];
	[tilespmem:s14+$0x0 ss:$0x81] =	vst.msk $0xffff, v0;
	s13 =	sadd.s32 s16, s13;
	s26 =	smulhi.u32 $0xD1B71759, s11  }
0x10: {  	v61 =	vld [tilespmem:s15+$0x10];
	[tilespmem:s13+$0x3870 ss:$0x81] =	vst.msk $0xffff, v1  }
0x11: {  	v62 =	vld [tilespmem:s15+$0x20];
	s27 =	smulhi.u32 $0xD1B71759, s17;
	[tilespmem:s13+$0x810 ss:$0x81] =	vst.msk $0xffff, v5;
	s14 =	sshrl.u32 s26, $0x12  }
0x12: {  	v63 =	vld [tilespmem:s15+$0xFFFFFFC0];
	[tilespmem:s13+$0x1020 ss:$0x81] =	vst.msk $0xffff, v58;
	s14 =	smul.u32 $0x4E200, s14  }
0x13: {  	s28 =	sshrl.u32 s27, $0x12;
	[tilespmem:s13+$0x1830 ss:$0x81] =	vst.msk $0xffff, v59  }
0x14: {  	[tilespmem:s13+$0x2040 ss:$0x81] =	vst.msk $0xffff, v60;
	s29 =	sand.u32 $0x7F, s28;
	s11 =	ssub.s32 s11, s14  }
0x15: {  	[tilespmem:s13+$0x2850 ss:$0x81] =	vst.msk $0xffff, v61;
	s14 =	smul.u32 $0x9C40, s29;
	s30 =	sshrl.u32 s11, $0x3;
	s11 =	sand.u32 $0x7, s11  }
0x16: {  	[tilespmem:s13+$0x3060 ss:$0x81] =	vst.msk $0xffff, v62;
	s15 =	sadd.s32 s4, s30;
	s11 =	sshll.u32 s11, $0x12  }
0x17: {  	[tilespmem:s13+$0x0 ss:$0x81] =	vst.msk $0xffff, v63;
	s31 =	sadd.s32 s14, s15;
	s11 =	sor.u32 $0x400, s11  }
0x18: {  	[hbm4b:s31+s11] =	stream.strided.scatter [tilespmem:s12], [sflag:$0x2], $0x4000, s8, s11, $0x20;
	[tilespmem:$0x10100] =	vst v63  }
.LBB1_5:
0x19: {  	s13 =	sadd.s32 $0x1000, s9  }
0x1a: {  	p2 =	sgt.s32 s13, $0x4E1FF  }
0x1b: {  	s13 =	smov.u32 @p2 s2;
	p2 =	sne.s32 s10, s7  }
.Ltmp1:
0x1c: {  	p1 =	slt.u32 s10, $0x2;
	(pc) =	sbr.rel @!p2 .LBB1_6-.Ltmp1, $4  }
0x1d: {  	s12 =	simm.s32 @!p1 $0x2  }
0x1e: {  	s14 =	sadd.s32 $0x1, s10;
	_ =	swait.ge @!p1 [sflag:s12], $0x4000  }
0x1f: {  	s11 =	smov.u32 s9;
	p0 =	por !p0, !p0;
	[sflag:s12] =	ssyncset.done @!p1 $0x0  }
0x20: {  	s10 =	smov.u32 s14;
	s9 =	smov.u32 s13;
	[sflag:s12] =	ssyncadd.s32 @!p1 $0xFFFFC000  }
.LBB1_1:
0x21: {  	p1 =	sge.u32 s10, s6  }
0x22: {  	s12 =	sand.u32 @!p1 $0x1FFFFFF, s9  }
0x23: {  	s13 =	smulhi.u32 @!p1 $0x1A36E2F, s12;
	_ =	sdelay $0x1  }
0x24: {  	s13 =	sshrl.u32 @!p1 s13, $0xB  }
0x25: {  	s13 =	smul.u32 @!p1 $0x4E200, s13;
	_ =	sdelay $0x1  }
0x26: {  	s14 =	sxor.u32 @!p1 $0xFFFFFFFF, s10;
	s12 =	ssub.s32 @!p1 s12, s13  }
0x27: {  	s31 =	sadd.s32 $0xFFFFFFFF, s10;
	s13 =	sshll.u32 @!p1 s14, $0xE;
	s12 =	sshll.u32 @!p1 s12, $0x4  }
0x28: {  	s14 =	simm.s32 @!p1 $0x0;
	s13 =	sand.u32 @!p1 $0x4000, s13;
	s12 =	sadd.s32 @!p1 s3, s12  }
0x29: {  	[tilespmem:s13], [sflag:$0x1] =	stream.linear.gather @!p1 [hbm4b:s12+s14], $0x4000, $0x38;
	[tilespmem:$0x10100] =	vst v63  }
0x2a: {  	p1 =	sge.u32 s31, s6  }
.Ltmp2:
0x2b: {  	_ = 	snop;
	(pc) =	sbr.rel @p1 .LBB1_5-.Ltmp2, $1  }
0x2c: {  	_ =	sdelay $0x3  }
0x2d: {  	s12 =	simm.s32 $0x1  }
0x2e: {  	_ =	swait.ge [sflag:s5], $0x4000;
	s12 =	simm.s32 @!p0 $0x0  }
0x2f: {  	[sflag:s5] =	ssyncset.done $0x0;
	s13 =	sshll.u32 s12, $0xE  }
0x30: {  	[sflag:s5] =	ssyncadd.s32 $0xFFFFC000;
	s15 =	sor.u32 $0x40, s13  }
0x31: {  	s12 =	smul.u32 $0x10200, s12;
	v0 =	vld [tilespmem:s15+$0x30]  }
0x32: {  	v1 =	vld [tilespmem:s15+$0xFFFFFFD0]  }
0x33: {  	s12 =	sshrl.u32 s12, $0x2;
	v5 =	vld [tilespmem:s15+$0xFFFFFFE0]  }
0x34: {  	v6 =	vld [tilespmem:s15+$0xFFFFFFF0];
	s13 =	sor.u32 $0x8000, s12  }
0x35: {  	s31 =	sand.u32 $0x1, s10;
	v3 =	vld [tilespmem:s15+$0x0];
	s14 =	sadd.s32 $0x0, s13  }
0x36: {  	v4 =	vld [tilespmem:s15+$0x10];
	s12 =	smul.u32 $0x10200, s31;
	[tilespmem:s14+$0x3870 ss:$0x81] =	vst.msk $0xffff, v0  }
0x37: {  	v2 =	vld [tilespmem:s15+$0x20];
	[tilespmem:s14+$0x810 ss:$0x81] =	vst.msk $0xffff, v1  }
0x38: {  	s12 =	sshrl.u32 s12, $0x2;
	v0 =	vld [tilespmem:s15+$0xFFFFFFC0];
	[tilespmem:s14+$0x1020 ss:$0x81] =	vst.msk $0xffff, v5;
	s15 =	sadd.s32 $0x80, s15  }
0x39: {  	s16 =	simm.s32 $0x4;
	s17 =	simm.s32 $0x8;
	s12 =	sor.u32 $0x8000, s12;
	[tilespmem:s14+$0x1830 ss:$0x81] =	vst.msk $0xffff, v6;
	v1 =	vld [tilespmem:s15+$0x30]  }
.LBB1_3:
0x3a: {  	p1 =	sne.s32 s17, $0x1FC;
	v5 =	vld [tilespmem:s15+$0xFFFFFFD0];
	[tilespmem:s14+$0x2040 ss:$0x81] =	vst.msk $0xffff, v3  }
0x3b: {  	v6 =	vld [tilespmem:s15+$0xFFFFFFE0];
	[tilespmem:s14+$0x2850 ss:$0x81] =	vst.msk $0xffff, v4  }
0x3c: {  	s18 =	sshra.s32 s16, $0x2;
	s16 =	smov.u32 s17;
	v7 =	vld [tilespmem:s15+$0xFFFFFFF0];
	[tilespmem:s14+$0x3060 ss:$0x81] =	vst.msk $0xffff, v2  }
.Ltmp3:
0x3d: {  	v3 =	vld [tilespmem:s15+$0x0];
	[tilespmem:s14+$0x0 ss:$0x81] =	vst.msk $0xffff, v0;
	s14 =	sadd.s32 s18, s13;
	(pc) =	sbr.rel @p1 .LBB1_3-.Ltmp3, $4  }
0x3e: {  	v4 =	vld [tilespmem:s15+$0x10];
	[tilespmem:s14+$0x3870 ss:$0x81] =	vst.msk $0xffff, v1  }
0x3f: {  	[tilespmem:s14+$0x810 ss:$0x81] =	vst.msk $0xffff, v5;
	v2 =	vld [tilespmem:s15+$0x20]  }
0x40: {  	v0 =	vld [tilespmem:s15+$0xFFFFFFC0];
	[tilespmem:s14+$0x1020 ss:$0x81] =	vst.msk $0xffff, v6;
	s15 =	sadd.s32 $0x80, s15  }
0x41: {  	s17 =	sadd.s32 $0x4, s17;
	v1 =	vld [tilespmem:s15+$0x30];
	[tilespmem:s14+$0x1830 ss:$0x81] =	vst.msk $0xffff, v7  }
.Ltmp4:
0x42: {  	_ = 	snop;
	(pc) =	sbr.rel .LBB1_4-.Ltmp4, $1  }
0x43: {  	_ =	sdelay $0x3  }
.LBB1_6:
0x44: {  	_ =	sfence.sel $0x180000  }
0x45: {  	s2 =	simm.s32 $0x1;
	[bflag:$0x0] =	sbarrier.arrive $0xFFFF  }
0x46: {  	s31 =	simm.s32 $0x2;
	[sflag:s2] =	ssyncpa.u1 $0x1  }
0x47: {  	[sflag:s31] =	ssyncpa.u1 $0x1  }
0x48: {  	p0 =	sne.s32 s0, $0x0;
	_ =	strace $0x9000004A  }
0x49: {  	s0 =	sadd.s32 @!p0 $0x100000, s1;
	[bflag:$0x2] =	sbarrier.arrive $0xFFFF  }
0x4a: {  	[sflag:s0] =	ssyncadd.tile.s32 @!p0 $0x1;
	_ =	shalt  }
.Lfunc_end1:
_tile_overlayer_lowered:
.L_overlay_start_2:
0x4b: {  	(tag) =	ssettag $0x2  }
0x4c: {  	s0 =	rddreg [dreg:$0x0];
	s2 =	stileid.u32  }
0x4d: {  	s1 =	rddreg [dreg:$0x1];
	p0 =	sne.s32 s2, $0x0  }
0x4e: {  	s3 =	rddreg [dreg:$0x2];
	[bflag:$0x3] =	sbarrier.arrive $0xFFFF;
	s2 =	simm.s32 @!p0 $0x1C01  }
0x4f: {  	[timem:s3], [sflag:s2] =	dma.local @!p0 [hbm:s0], s1  }
0x50: {  	s0 =	simm.s32 @!p0 $0x1  }
0x51: {  	_ =	swait.ge @!p0 [sflag:s0], s1  }
0x52: {  	s1 =	ssub.s32 @!p0 $0x0, s1;
	[sflag:s0] =	ssyncset.done @!p0 $0x0  }
0x53: {  	[sflag:s0] =	ssyncadd.s32 @!p0 s1  }
0x54: {  	[bflag:$0x3] =	sbarrier.arrive $0xFFFF  }
0x55: {  	_ =	shalt  }

// kernel: sparse-core-data-format-call.cloned.1.call-start
scs
called_computation.4_lowered:
.L_overlay_start_0:
0x0: {  	s1 =	sld [smem:$0x3FD9]  }
0x1: {  	s2 =	sld [smem:$0x3FFE];
	_ =	sdelay $0x1  }
0x2: {  	s3 =	srdreg.scid  }
0x3: {  	s0 =	sand.u32 $0x1, s3  }
0x4: {  	s17 =	sshll.u32 s0, $0xA;
	s1 =	sadd.s32 s2, s1  }
0x5: {  	s1 =	sadd.s32 s1, s17  }
0x6: {  	[smem:$0x3FBD] =	sst s1  }
0x7: {  	_ = 	snop  }
0x8: {  	(tm) =	ssettm $0x1  }
0x9: {  	s18 =	sld [smem:$0x3FFB];
	_ =	sdelay $0x3  }
0xa: {  	_ =	strace s18  }
0xb: {  	s1 =	sld [smem:$0x3FFC];
	_ =	sdelay $0x3  }
0xc: {  	_ =	strace s1  }
0xd: {  	s1 =	sld [smem:$0x3FFD];
	_ =	sdelay $0x3  }
0xe: {  	_ =	strace s1  }
0xf: {  	_ =	strace $0x8FFFFFFF  }
0x10: {  	s19 =	sld [smem:$0x3FDB];
	_ =	sdelay $0x1  }
0x11: {  	s20 =	simm.s32 $_scs_section_size  }
0x12: {  	s4 =	simm.s32 $_size__tile_overlayer_lowered;
	s5 =	simm.s32 $_tile_overlayer_lowered  }
0x13: {  	s23 =	simm.s32 $0x1BFF;
	s22 =	sshll.u32 s5, $0x1;
	s1 =	sadd.s32 s20, s19  }
0x14: {  	s6 =	simm.s32 $0x0;
	s21 =	sshll.u32 s4, $0x1;
	s4 =	sadd.s32 s22, s1  }
0x15: {  	[timem:s6], [sflag:s23] =	dma.local [hbm:s4], s21  }
0x16: {  	_ =	swait.ge [sflag:s23], s21  }
0x17: {  	s2 =	ssub.s32 $0x0, s21;
	[sflag:s23] =	ssyncset.done $0x0  }
0x18: {  	[sflag:s23] =	ssyncadd.s32 s2;
	_ =	sdelay $0x1  }
0x19: {  	s24 =	simm.s32 $0x1B8B  }
0x1a: {  	_ =	swait.ge [sflag:s24], $0x1  }
0x1b: {  	[sflag:s24] =	ssyncset.done $0x0  }
0x1c: {  	s26 =	simm.s32 $0x1B8E;
	s25 =	sld [smem:$0x3FFE];
	[sflag:s24] =	ssyncadd.s32 $0xFFFFFFFF  }
0x1d: {  	s27 =	simm.s32 $execute0_lowered;
	[smem:$0x3FD2] =	sst s26  }
0x1e: {  	s4 =	sshll.u32 s27, $0x1;
	_ =	strace $0x80000046;
	[dreg:$0x1] =	wrdreg $0xFFFFFFFF  }
0x1f: {  	s28 =	simm.s32 $_size_execute0_lowered;
	s1 =	sadd.s32 s1, s4;
	[dreg:$0x0] =	wrdreg $0x0  }
0x20: {  	s4 =	sshll.u32 s28, $0x1;
	[dreg:$0x2] =	wrdreg s1  }
0x21: {  	[dreg:$0x3] =	wrdreg s4  }
0x22: {  	[dreg:$0x4] =	wrdreg $0xC0  }
0x23: {  	_ =	task [dreg:s6], $0x5FFFF  }
0x24: {  	[dreg:$0x1] =	wrdreg $0xFFFFFFFF  }
0x25: {  	[dreg:$0x0] =	wrdreg $0x60  }
0x26: {  	[dreg:$0x2] =	wrdreg s25  }
0x27: {  	[dreg:$0x3] =	wrdreg $0x9  }
0x28: {  	_ =	task.clear_ibuf [dreg:s6], $0x4FFFF;
	_ =	strace $0x90000046  }
0x29: {  	s29 =	simm.s32 $0x9;
	_ =	strace $0x80000048  }
0x2a: {  	_ =	swait.ge [sflag:s29], $0x1  }
0x2b: {  	[sflag:s29] =	ssyncadd.s32 $0xFFFFFFFF  }
0x2c: {  	_ =	strace $0x90000048  }
0x2d: {  	_ =	sfence  }
0x2e: {  	s30 =	sld [smem:$0x0];
	_ =	sdelay $0x2  }
0x2f: {  	s31 =	sshll.u32 s3, $0xD;
	s3 =	sshrl.u32 s3, $0x2  }
0x30: {  	s2 =	sand.u32 $0x4000, s31;
	s1 =	sadd.s32 s3, s30  }
0x31: {  	s0 =	sor.u32 s2, s0;
	s1 =	sshll.u32 s1, $0x11  }
0x32: {  	s0 =	sor.u32 s1, s0  }
0x33: {  	s0 =	sadd.s32 $0x8F2B, s0  }
0x34: {  	[sflag:s0] =	ssyncadd.remote.s32 $0x1  }
0x35: {  	_ =	sfence.sel $0xFFFF  }
0x36: {  	[dreg:$0x0] =	wrdreg $0xFFFFFFFF;
	(pc) =	sbr.abs _section_cstart, $3  }
0x37: {  	[dreg:$0x1] =	wrdreg $0xFFFFFFFF  }
0x38: {  	_ =	task.clear_ibuf [dreg:s6], $0x2FFFF;
	_ =	strace $0x9FFFFFFF  }
0x39: {  	(tm) =	ssettm $0x7FFFFFFF  }
tec
execute0_lowered:
.L_overlay_start_1:
0x0: {  	(tag) =	ssettag $0x1  }
0x1: {  	s0 =	srdreg.scid  }
0x2: {  	s1 =	sshll.u32 s0, $0x4  }
0x3: {  	s4 =	rddreg [dreg:$0x0];
	s0 =	stileid.u32;
	s1 =	sand.u32 $0x10, s1  }
0x4: {  	s7 =	simm.s32 $0x1;
	s8 =	simm.s32 $0x2;
	s1 =	sor.u32 s0, s1  }
0x5: {  	s11 =	simm.s32 $0x0;
	s10 =	simm.s32 $0x0;
	s2 =	sshll.u32 s1, $0x7  }
0x6: {  	s3 =	sadd.s32 $0x44C00, s4;
	s4 =	sadd.s32 $0x526C00, s4;
	s6 =	ssub.s32 $0x4E200, s2  }
.Ltmp0:
0x7: {  	s1 =	rddreg [dreg:$0x1];
	s5 =	sand.u32 $0xF80, s6;
	(pc) =	sbr.rel .LBB1_1-.Ltmp0, $4  }
0x8: {  	_ =	strace $0x80000047;
	s9 =	smov.u32 s2;
	p0 =	sne.s32 s5, $0x0  }
0x9: {  	s6 =	sshrl.u32 s6, $0xC;
	s5 =	simm.s32 $0x1;
	s7 =	simm.s32 @!p0 $0x0  }
0xa: {  	[sflag:s5] =	ssyncpa.u1 $0x0;
	p0 =	por $0x0, $0x0;
	s6 =	sadd.s32 s7, s6  }
0xb: {  	[sflag:s8] =	ssyncpa.u1 $0x0;
	s8 =	simm.s32 $0x271000;
	s7 =	sadd.s32 $0x1, s6  }
.LBB1_4:
0xc: {  	v5 =	vld [tilespmem:s15+$0xFFFFFFD0];
	[tilespmem:s14+$0x2040 ss:$0x81] =	vst.msk $0xffff, v3;
	s17 =	sshll.u32 s11, $0x3  }
0xd: {  	v58 =	vld [tilespmem:s15+$0xFFFFFFE0];
	[tilespmem:s14+$0x2850 ss:$0x81] =	vst.msk $0xffff, v4;
	s25 =	sand.u32 $0x7F, s11;
	s17 =	sand.u32 $0xFFFFFC00, s17  }
0xe: {  	s16 =	sshra.s32 s16, $0x2;
	v59 =	vld [tilespmem:s15+$0xFFFFFFF0];
	[tilespmem:s14+$0x3060 ss:$0x81] =	vst.msk $0xffff, v2;
	s11 =	sor.u32 s25, s17  }
0xf: {  	v60 =	vld [tilespmem:s15+$0x0];
	[tilespmem:s14+$0x0 ss:$0x81] =	vst.msk $0xffff, v0;
	s13 =	sadd.s32 s16, s13;
	s26 =	smulhi.u32 $0xD1B71759, s11  }
0x10: {  	v61 =	vld [tilespmem:s15+$0x10];
	[tilespmem:s13+$0x3870 ss:$0x81] =	vst.msk $0xffff, v1  }
0x11: {  	v62 =	vld [tilespmem:s15+$0x20];
	s27 =	smulhi.u32 $0xD1B71759, s17;
	[tilespmem:s13+$0x810 ss:$0x81] =	vst.msk $0xffff, v5;
	s14 =	sshrl.u32 s26, $0x12  }
0x12: {  	v63 =	vld [tilespmem:s15+$0xFFFFFFC0];
	[tilespmem:s13+$0x1020 ss:$0x81] =	vst.msk $0xffff, v58;
	s14 =	smul.u32 $0x4E200, s14  }
0x13: {  	s28 =	sshrl.u32 s27, $0x12;
	[tilespmem:s13+$0x1830 ss:$0x81] =	vst.msk $0xffff, v59  }
0x14: {  	[tilespmem:s13+$0x2040 ss:$0x81] =	vst.msk $0xffff, v60;
	s29 =	sand.u32 $0x7F, s28;
	s11 =	ssub.s32 s11, s14  }
0x15: {  	[tilespmem:s13+$0x2850 ss:$0x81] =	vst.msk $0xffff, v61;
	s14 =	smul.u32 $0x9C40, s29;
	s30 =	sshrl.u32 s11, $0x3;
	s11 =	sand.u32 $0x7, s11  }
0x16: {  	[tilespmem:s13+$0x3060 ss:$0x81] =	vst.msk $0xffff, v62;
	s15 =	sadd.s32 s4, s30;
	s11 =	sshll.u32 s11, $0x12  }
0x17: {  	[tilespmem:s13+$0x0 ss:$0x81] =	vst.msk $0xffff, v63;
	s31 =	sadd.s32 s14, s15;
	s11 =	sor.u32 $0x400, s11  }
0x18: {  	[hbm4b:s31+s11] =	stream.strided.scatter [tilespmem:s12], [sflag:$0x2], $0x4000, s8, s11, $0x20;
	[tilespmem:$0x10100] =	vst v63  }
.LBB1_5:
0x19: {  	s13 =	sadd.s32 $0x1000, s9  }
0x1a: {  	p2 =	sgt.s32 s13, $0x4E1FF  }
0x1b: {  	s13 =	smov.u32 @p2 s2;
	p2 =	sne.s32 s10, s7  }
.Ltmp1:
0x1c: {  	p1 =	slt.u32 s10, $0x2;
	(pc) =	sbr.rel @!p2 .LBB1_6-.Ltmp1, $4  }
0x1d: {  	s12 =	simm.s32 @!p1 $0x2  }
0x1e: {  	s14 =	sadd.s32 $0x1, s10;
	_ =	swait.ge @!p1 [sflag:s12], $0x4000  }
0x1f: {  	s11 =	smov.u32 s9;
	p0 =	por !p0, !p0;
	[sflag:s12] =	ssyncset.done @!p1 $0x0  }
0x20: {  	s10 =	smov.u32 s14;
	s9 =	smov.u32 s13;
	[sflag:s12] =	ssyncadd.s32 @!p1 $0xFFFFC000  }
.LBB1_1:
0x21: {  	p1 =	sge.u32 s10, s6  }
0x22: {  	s12 =	sand.u32 @!p1 $0x1FFFFFF, s9  }
0x23: {  	s13 =	smulhi.u32 @!p1 $0x1A36E2F, s12;
	_ =	sdelay $0x1  }
0x24: {  	s13 =	sshrl.u32 @!p1 s13, $0xB  }
0x25: {  	s13 =	smul.u32 @!p1 $0x4E200, s13;
	_ =	sdelay $0x1  }
0x26: {  	s14 =	sxor.u32 @!p1 $0xFFFFFFFF, s10;
	s12 =	ssub.s32 @!p1 s12, s13  }
0x27: {  	s31 =	sadd.s32 $0xFFFFFFFF, s10;
	s13 =	sshll.u32 @!p1 s14, $0xE;
	s12 =	sshll.u32 @!p1 s12, $0x4  }
0x28: {  	s14 =	simm.s32 @!p1 $0x0;
	s13 =	sand.u32 @!p1 $0x4000, s13;
	s12 =	sadd.s32 @!p1 s3, s12  }
0x29: {  	[tilespmem:s13], [sflag:$0x1] =	stream.linear.gather @!p1 [hbm4b:s12+s14], $0x4000, $0x38;
	[tilespmem:$0x10100] =	vst v63  }
0x2a: {  	p1 =	sge.u32 s31, s6  }
.Ltmp2:
0x2b: {  	_ = 	snop;
	(pc) =	sbr.rel @p1 .LBB1_5-.Ltmp2, $1  }
0x2c: {  	_ =	sdelay $0x3  }
0x2d: {  	s12 =	simm.s32 $0x1  }
0x2e: {  	_ =	swait.ge [sflag:s5], $0x4000;
	s12 =	simm.s32 @!p0 $0x0  }
0x2f: {  	[sflag:s5] =	ssyncset.done $0x0;
	s13 =	sshll.u32 s12, $0xE  }
0x30: {  	[sflag:s5] =	ssyncadd.s32 $0xFFFFC000;
	s15 =	sor.u32 $0x40, s13  }
0x31: {  	s12 =	smul.u32 $0x10200, s12;
	v0 =	vld [tilespmem:s15+$0x30]  }
0x32: {  	v1 =	vld [tilespmem:s15+$0xFFFFFFD0]  }
0x33: {  	s12 =	sshrl.u32 s12, $0x2;
	v5 =	vld [tilespmem:s15+$0xFFFFFFE0]  }
0x34: {  	v6 =	vld [tilespmem:s15+$0xFFFFFFF0];
	s13 =	sor.u32 $0x8000, s12  }
0x35: {  	s31 =	sand.u32 $0x1, s10;
	v3 =	vld [tilespmem:s15+$0x0];
	s14 =	sadd.s32 $0x0, s13  }
0x36: {  	v4 =	vld [tilespmem:s15+$0x10];
	s12 =	smul.u32 $0x10200, s31;
	[tilespmem:s14+$0x3870 ss:$0x81] =	vst.msk $0xffff, v0  }
0x37: {  	v2 =	vld [tilespmem:s15+$0x20];
	[tilespmem:s14+$0x810 ss:$0x81] =	vst.msk $0xffff, v1  }
0x38: {  	s12 =	sshrl.u32 s12, $0x2;
	v0 =	vld [tilespmem:s15+$0xFFFFFFC0];
	[tilespmem:s14+$0x1020 ss:$0x81] =	vst.msk $0xffff, v5;
	s15 =	sadd.s32 $0x80, s15  }
0x39: {  	s16 =	simm.s32 $0x4;
	s17 =	simm.s32 $0x8;
	s12 =	sor.u32 $0x8000, s12;
	[tilespmem:s14+$0x1830 ss:$0x81] =	vst.msk $0xffff, v6;
	v1 =	vld [tilespmem:s15+$0x30]  }
.LBB1_3:
0x3a: {  	p1 =	sne.s32 s17, $0x1FC;
	v5 =	vld [tilespmem:s15+$0xFFFFFFD0];
	[tilespmem:s14+$0x2040 ss:$0x81] =	vst.msk $0xffff, v3  }
0x3b: {  	v6 =	vld [tilespmem:s15+$0xFFFFFFE0];
	[tilespmem:s14+$0x2850 ss:$0x81] =	vst.msk $0xffff, v4  }
0x3c: {  	s18 =	sshra.s32 s16, $0x2;
	s16 =	smov.u32 s17;
	v7 =	vld [tilespmem:s15+$0xFFFFFFF0];
	[tilespmem:s14+$0x3060 ss:$0x81] =	vst.msk $0xffff, v2  }
.Ltmp3:
0x3d: {  	v3 =	vld [tilespmem:s15+$0x0];
	[tilespmem:s14+$0x0 ss:$0x81] =	vst.msk $0xffff, v0;
	s14 =	sadd.s32 s18, s13;
	(pc) =	sbr.rel @p1 .LBB1_3-.Ltmp3, $4  }
0x3e: {  	v4 =	vld [tilespmem:s15+$0x10];
	[tilespmem:s14+$0x3870 ss:$0x81] =	vst.msk $0xffff, v1  }
0x3f: {  	[tilespmem:s14+$0x810 ss:$0x81] =	vst.msk $0xffff, v5;
	v2 =	vld [tilespmem:s15+$0x20]  }
0x40: {  	v0 =	vld [tilespmem:s15+$0xFFFFFFC0];
	[tilespmem:s14+$0x1020 ss:$0x81] =	vst.msk $0xffff, v6;
	s15 =	sadd.s32 $0x80, s15  }
0x41: {  	s17 =	sadd.s32 $0x4, s17;
	v1 =	vld [tilespmem:s15+$0x30];
	[tilespmem:s14+$0x1830 ss:$0x81] =	vst.msk $0xffff, v7  }
.Ltmp4:
0x42: {  	_ = 	snop;
	(pc) =	sbr.rel .LBB1_4-.Ltmp4, $1  }
0x43: {  	_ =	sdelay $0x3  }
.LBB1_6:
0x44: {  	_ =	sfence.sel $0x180000  }
0x45: {  	s2 =	simm.s32 $0x1;
	[bflag:$0x0] =	sbarrier.arrive $0xFFFF  }
0x46: {  	s31 =	simm.s32 $0x2;
	[sflag:s2] =	ssyncpa.u1 $0x1  }
0x47: {  	[sflag:s31] =	ssyncpa.u1 $0x1  }
0x48: {  	p0 =	sne.s32 s0, $0x0;
	_ =	strace $0x90000047  }
0x49: {  	s0 =	sadd.s32 @!p0 $0x100000, s1;
	[bflag:$0x2] =	sbarrier.arrive $0xFFFF  }
0x4a: {  	[sflag:s0] =	ssyncadd.tile.s32 @!p0 $0x1;
	_ =	shalt  }
.Lfunc_end1:
_tile_overlayer_lowered:
.L_overlay_start_2:
0x4b: {  	(tag) =	ssettag $0x2  }
0x4c: {  	s0 =	rddreg [dreg:$0x0];
	s2 =	stileid.u32  }
0x4d: {  	s1 =	rddreg [dreg:$0x1];
	p0 =	sne.s32 s2, $0x0  }
0x4e: {  	s3 =	rddreg [dreg:$0x2];
	[bflag:$0x3] =	sbarrier.arrive $0xFFFF;
	s2 =	simm.s32 @!p0 $0x1C01  }
0x4f: {  	[timem:s3], [sflag:s2] =	dma.local @!p0 [hbm:s0], s1  }
0x50: {  	s0 =	simm.s32 @!p0 $0x1  }
0x51: {  	_ =	swait.ge @!p0 [sflag:s0], s1  }
0x52: {  	s1 =	ssub.s32 @!p0 $0x0, s1;
	[sflag:s0] =	ssyncset.done @!p0 $0x0  }
0x53: {  	[sflag:s0] =	ssyncadd.s32 @!p0 s1  }
0x54: {  	[bflag:$0x3] =	sbarrier.arrive $0xFFFF  }
0x55: {  	_ =	shalt  }

</sc_bundles>
